<compile_context>
chip_gen: v7x
topology: tpu7x:2x2x1
jax: 0.10.2.dev20260603
libtpu: 0.0.44.dev20260713+nightly
codegen_flags: <defaults>
</compile_context>

<pallas_src>
import functools

import jax
import jax.numpy as jnp
from jax import lax
from jax.experimental import pallas as pl
from jax.experimental.pallas import tpu as pltpu
from jax.experimental.pallas import tpu_sc as plsc

N = 10000
NPAD = 10112
F = 128
NG = 64
NCLS = 10
EPS = 1e-5
E = 320000
NW = 32
CHUNK = 128
CPW = 80
EPAD = NW * CPW * CHUNK


def _bn(x, g, b):
    m = jnp.mean(x, axis=0, keepdims=True)
    v = jnp.mean((x - m) ** 2, axis=0, keepdims=True)
    return g * (x - m) * lax.rsqrt(v + EPS) + b


def _dis_from_parts(degp_ref):
    deg = degp_ref[0, :N, :1] + degp_ref[1, :N, :1]
    return lax.rsqrt(deg + 1.0)



def _tc_feat_body(x_ref, g_ref, b_ref, Wf_ref, g0_ref, b0_ref, Wc0_ref,
                  degp_ref, tab0_ref):
    h = _bn(x_ref[...], g_ref[...], b_ref[...])
    h = jnp.maximum(jnp.dot(h, Wf_ref[...], preferred_element_type=jnp.float32), 0.0)
    t0 = jnp.dot(_bn(h, g0_ref[...], b0_ref[...]), Wc0_ref[...],
                 preferred_element_type=jnp.float32)
    dis = _dis_from_parts(degp_ref)
    tab0_ref[:N, :] = dis * t0
    tab0_ref[N:, :] = jnp.zeros((NPAD - N, F), jnp.float32)


def _tc_combine_body(parts_ref, tab_ref, degp_ref, bc_ref, g_ref, b_ref,
                     W_ref, out_ref):
    dis = _dis_from_parts(degp_ref)
    S = parts_ref[0, :N, :] + parts_ref[1, :N, :]
    h = jnp.maximum(dis * (S + tab_ref[:N, :]) + bc_ref[...], 0.0)
    t = jnp.dot(_bn(h, g_ref[...], b_ref[...]), W_ref[...],
                preferred_element_type=jnp.float32)
    out_ref[:N, :] = dis * t
    out_ref[N:, :] = jnp.zeros((NPAD - N, F), jnp.float32)


def _tc_head_body(parts_ref, tab_ref, degp_ref, bc_ref, batch_ref,
                  fcg_ref, fcb_ref, Wfc_ref, bfc_ref, hg_ref, hb_ref,
                  Wcls_ref, bcls_ref, out_ref):
    dis = _dis_from_parts(degp_ref)
    S = parts_ref[0, :N, :] + parts_ref[1, :N, :]
    h = jnp.maximum(dis * (S + tab_ref[:N, :]) + bc_ref[...], 0.0)
    oh = (lax.broadcasted_iota(jnp.int32, (NG, N), 0) == batch_ref[...]
          ).astype(jnp.float32)
    pooled = jnp.dot(oh, h, preferred_element_type=jnp.float32)
    p = _bn(pooled, fcg_ref[...], fcb_ref[...])
    p = jnp.maximum(jnp.dot(p, Wfc_ref[...], preferred_element_type=jnp.float32)
                    + bfc_ref[...], 0.0)
    p = _bn(p, hg_ref[...], hb_ref[...])
    logits = jnp.dot(p, Wcls_ref[...], preferred_element_type=jnp.float32) + bcls_ref[...]
    m = jnp.max(logits, axis=-1, keepdims=True)
    lse = jnp.log(jnp.sum(jnp.exp(logits - m), axis=-1, keepdims=True))
    out_ref[...] = (logits - m) - lse


def _tc_call(body, out_shape, *args):
    return pl.pallas_call(body, out_shape=out_shape)(*args)



_MESH = plsc.VectorSubcoreMesh(core_axis_name="c", subcore_axis_name="s")
_NSUB = 16
_RPS = NPAD // _NSUB


@functools.partial(
    pl.kernel,
    out_type=jax.ShapeDtypeStruct((2, NPAD, F), jnp.float32),
    mesh=_MESH,
    scratch_types=[
        pltpu.VMEM((CPW, CHUNK), jnp.int32),
        pltpu.VMEM((CHUNK, F), jnp.float32),
        pltpu.VMEM_SHARED((NPAD, F), jnp.float32),
    ],
)
def _sc_deg(r_hbm, ones_hbm, zeros_hbm, out_hbm, ridx_v, ones_v, deg_sh):
    c = lax.axis_index("c")
    s = lax.axis_index("s")
    w = c * _NSUB + s
    base = s * _RPS
    pltpu.sync_copy(zeros_hbm.at[pl.ds(base, _RPS)], deg_sh.at[pl.ds(base, _RPS)])
    pltpu.sync_copy(r_hbm.at[pl.ds(pl.multiple_of(w * CPW, CPW), CPW)], ridx_v)
    pltpu.sync_copy(ones_hbm, ones_v)
    plsc.subcore_barrier()

    def body(j, carry):
        pltpu.sync_copy(ones_v, deg_sh.at[ridx_v.at[j]], add=True)
        return carry

    lax.fori_loop(0, CPW, body, 0)
    plsc.subcore_barrier()
    pltpu.sync_copy(deg_sh.at[pl.ds(base, _RPS)], out_hbm.at[c, pl.ds(base, _RPS)])


_NBUF = 2
_WIN = 40
_A0, _A1 = 80, 80


@functools.partial(
    pl.kernel,
    out_type=jax.ShapeDtypeStruct((2, NPAD, F), jnp.float32),
    mesh=_MESH,
    scratch_types=[
        pltpu.VMEM((_WIN, CHUNK), jnp.int32),
        pltpu.VMEM((_WIN, CHUNK), jnp.int32),
        pltpu.VMEM((_NBUF, CHUNK, F), jnp.float32),
        pltpu.VMEM_SHARED((NPAD, F), jnp.float32),
        [pltpu.SemaphoreType.DMA] * _NBUF,
    ],
)
def _sc_scatter(table_hbm, r_hbm, c_hbm, zeros_hbm, out_hbm,
                ridx_v, cidx_v, rows_nb, agg_sh, sems):
    rows_bufs = [rows_nb.at[b] for b in range(_NBUF)]
    c = lax.axis_index("c")
    s = lax.axis_index("s")
    base = s * _RPS
    pltpu.sync_copy(zeros_hbm.at[pl.ds(base, _RPS)], agg_sh.at[pl.ds(base, _RPS)])
    plsc.subcore_barrier()

    cnt = jnp.where(c == 0, _A0, _A1)
    off = c * (_NSUB * _A0) + s * cnt
    nwin = cnt // _WIN

    for win in range(max(_A0, _A1) // _WIN):
        @pl.when(win < nwin)
        def _(win=win):
            w0 = pl.multiple_of(off + win * _WIN, _WIN)
            pltpu.sync_copy(r_hbm.at[pl.ds(w0, _WIN)], ridx_v)
            pltpu.sync_copy(c_hbm.at[pl.ds(w0, _WIN)], cidx_v)
            for b in range(_NBUF):
                pltpu.async_copy(table_hbm.at[ridx_v.at[b]], rows_bufs[b], sems[b])

            def body(i, carry):
                j0 = i * _NBUF
                for b in range(_NBUF):
                    j = j0 + b
                    pltpu.make_async_copy(table_hbm.at[ridx_v.at[j]],
                                          rows_bufs[b], sems[b]).wait()
                    pltpu.sync_copy(rows_bufs[b], agg_sh.at[cidx_v.at[j]], add=True)
                    nxt = jnp.minimum(j + _NBUF, _WIN - 1)
                    pltpu.async_copy(table_hbm.at[ridx_v.at[nxt]], rows_bufs[b], sems[b])
                return carry

            lax.fori_loop(0, _WIN // _NBUF, body, 0)
            for b in range(_NBUF):
                pltpu.make_async_copy(table_hbm.at[ridx_v.at[_WIN - 1]],
                                      rows_bufs[b], sems[b]).wait()
    plsc.subcore_barrier()
    pltpu.sync_copy(agg_sh.at[pl.ds(base, _RPS)], out_hbm.at[c, pl.ds(base, _RPS)])



def kernel(x, edge_index, batch, bn_feat_g, bn_feat_b, W_feat,
           bnc_g0, bnc_b0, Wc0, bc0, bnc_g1, bnc_b1, Wc1, bc1,
           bnc_g2, bnc_b2, Wc2, bc2, bn_fc_g, bn_fc_b, W_fc, b_fc,
           bn_hid_g, bn_hid_b, W_cls, b_cls):
    f32 = jnp.float32
    r2 = lambda a: a.reshape(1, -1).astype(f32)
    g_feat, b_feat = r2(bn_feat_g), r2(bn_feat_b)
    g0, b0, g1, b1, g2, b2 = map(r2, (bnc_g0, bnc_b0, bnc_g1, bnc_b1, bnc_g2, bnc_b2))
    bc0r, bc1r, bc2r = map(r2, (bc0, bc1, bc2))
    fcg, fcb, bfc, hg, hb, bcls = map(r2, (bn_fc_g, bn_fc_b, b_fc, bn_hid_g, bn_hid_b, b_cls))
    batch2d = batch.reshape(1, N)

    pad = N + (jnp.arange(EPAD - E, dtype=jnp.int32) % (NPAD - N))
    rp = jnp.concatenate([edge_index[0], pad]).reshape(NW * CPW, CHUNK)
    cp = jnp.concatenate([edge_index[1], pad]).reshape(NW * CPW, CHUNK)
    zeros_f = jnp.zeros((NPAD, F), f32)
    ones_f = jnp.ones((CHUNK, F), f32)

    degp = _sc_deg(rp, ones_f, zeros_f)

    tab = _tc_call(_tc_feat_body, jax.ShapeDtypeStruct((NPAD, F), f32),
                   x, g_feat, b_feat, W_feat, g0, b0, Wc0, degp)

    for Wn, gn, bn_, bcr in ((Wc1, g1, b1, bc0r), (Wc2, g2, b2, bc1r)):
        parts = _sc_scatter(tab, rp, cp, zeros_f)
        tab = _tc_call(_tc_combine_body, jax.ShapeDtypeStruct((NPAD, F), f32),
                       parts, tab, degp, bcr, gn, bn_, Wn)

    parts = _sc_scatter(tab, rp, cp, zeros_f)
    out = _tc_call(_tc_head_body, jax.ShapeDtypeStruct((NG, NCLS), f32),
                   parts, tab, degp, bc2r, batch2d, fcg, fcb, W_fc, bfc,
                   hg, hb, W_cls, bcls)
    return out

# --- scband reference (transcript-rebuilt; emitter-appended) ---
"""Pipeline reference for scband-gcnnet-8340826488980 (READ-ONLY COPY).

The authoritative reference and input builder live on the scoring server;
editing this copy changes nothing except your own understanding.
"""

import jax, jax.numpy as jnp
import numpy as np

N = 10000
E = 320000
F_IN = 128
HID = 128
NCLS = 10
NG = 64
EPS = 1e-5


def _bn(x, g, b):
    m = jnp.mean(x, axis=0, keepdims=True)
    v = jnp.var(x, axis=0, keepdims=True)
    return g * (x - m) / jnp.sqrt(v + EPS) + b


def _gcn(x, edge_index, W, b):
    n = x.shape[0]
    h = x @ W
    loop = jnp.arange(n, dtype=edge_index.dtype)
    r = jnp.concatenate([edge_index[0], loop])
    c = jnp.concatenate([edge_index[1], loop])
    ew = jnp.ones(r.shape[0], dtype=h.dtype)
    deg = jnp.zeros((n,), h.dtype).at[r].add(ew)
    dis = jnp.where(deg > 0, 1.0 / jnp.sqrt(jnp.maximum(deg, 1e-12)), 0.0)
    norm = dis[r] * ew * dis[c]
    msg = norm[:, None] * h[r]
    agg = jnp.zeros_like(h).at[c].add(msg)
    return agg + b


def setup_inputs(seed: int = 0):
    key = jax.random.key(seed)
    ks = jax.random.split(key, 10)
    inp = {}
    inp["x"] = jax.random.normal(ks[0], (N, F_IN), dtype=jnp.float32)
    inp["edge_index"] = jax.random.randint(ks[1], (2, E), 0, N, dtype=jnp.int32)
    inp["batch"] = jnp.sort(jax.random.randint(ks[2], (N,), 0, NG, dtype=jnp.int32))
    inp["bn_feat_g"] = jnp.ones((F_IN,), jnp.float32)
    inp["bn_feat_b"] = jnp.full((F_IN,), 1e-4, jnp.float32)
    inp["W_feat"] = jax.random.normal(ks[3], (F_IN, HID), jnp.float32) * 0.05
    for i in range(3):
        inp["bnc_g%d" % i] = jnp.ones((HID,), jnp.float32)
        inp["bnc_b%d" % i] = jnp.full((HID,), 1e-4, jnp.float32)
        inp["Wc%d" % i] = jax.random.normal(ks[4 + i], (HID, HID), jnp.float32) * 0.05
        inp["bc%d" % i] = jnp.zeros((HID,), jnp.float32)
    inp["bn_fc_g"] = jnp.ones((HID,), jnp.float32)
    inp["bn_fc_b"] = jnp.full((HID,), 1e-4, jnp.float32)
    inp["W_fc"] = jax.random.normal(ks[7], (HID, HID), jnp.float32) * 0.05
    inp["b_fc"] = jnp.zeros((HID,), jnp.float32)
    inp["bn_hid_g"] = jnp.ones((HID,), jnp.float32)
    inp["bn_hid_b"] = jnp.full((HID,), 1e-4, jnp.float32)
    inp["W_cls"] = jax.random.normal(ks[8], (HID, NCLS), jnp.float32) * 0.05
    inp["b_cls"] = jnp.zeros((NCLS,), jnp.float32)
    return inp


def reference(x, edge_index, batch, bn_feat_g, bn_feat_b, W_feat, bnc_g0, bnc_b0, Wc0, bc0, bnc_g1, bnc_b1, Wc1, bc1, bnc_g2, bnc_b2, Wc2, bc2, bn_fc_g, bn_fc_b, W_fc, b_fc, bn_hid_g, bn_hid_b, W_cls, b_cls):
    h = _bn(x, bn_feat_g, bn_feat_b)
    h = jax.nn.relu(h @ W_feat)  # conv_feat has gfn=True: linear only, no propagation, no bias
    for g, bt, W, bb in ((bnc_g0, bnc_b0, Wc0, bc0), (bnc_g1, bnc_b1, Wc1, bc1), (bnc_g2, bnc_b2, Wc2, bc2)):
        h = _bn(h, g, bt)
        h = jax.nn.relu(_gcn(h, edge_index, W, bb))
    pooled = jnp.zeros((NG, h.shape[1]), h.dtype).at[batch].add(h)  # global_add_pool
    h = _bn(pooled, bn_fc_g, bn_fc_b)
    h = jax.nn.relu(h @ W_fc + b_fc)
    h = _bn(h, bn_hid_g, bn_hid_b)
    logits = h @ W_cls + b_cls
    return jax.nn.log_softmax(logits, axis=-1)

if __name__ == "__main__":
    import jax
    _d = setup_inputs()
    print(jax.jit(kernel)(*tuple(_d.values())))

</pallas_src>

<mosaic_0001>
#map = affine_map<(d0, d1) -> (0, 0)>
#map1 = affine_map<(d0, d1) -> (0, 0, 0)>
module attributes {stable_mosaic.version = 14 : i64} {
  func.func @_sc_scatter(%arg0: i32, %arg1: i32, %arg2: memref<10112x128xf32, #tpu.memory_space<hbm>>, %arg3: memref<2560x128xi32, #tpu.memory_space<hbm>>, %arg4: memref<2560x128xi32, #tpu.memory_space<hbm>>, %arg5: memref<10112x128xf32, #tpu.memory_space<hbm>>, %arg6: memref<2x10112x128xf32, #tpu.memory_space<hbm>>, %arg7: memref<40x128xi32, #tpu.memory_space<vmem>>, %arg8: memref<40x128xi32, #tpu.memory_space<vmem>>, %arg9: memref<2x128x128xf32, #tpu.memory_space<vmem>>, %arg10: memref<10112x128xf32, #tpu.memory_space<vmem_shared>>, %arg11: memref<!tpu.dma_semaphore, #tpu.memory_space<semaphore_mem>>, %arg12: memref<!tpu.dma_semaphore, #tpu.memory_space<semaphore_mem>>) attributes {dimension_semantics = [#tpu.dimension_semantics<core_parallel>, #tpu.dimension_semantics<subcore_parallel>], iteration_bounds = array<i64: 2, 16>, scalar_prefetch = 0 : i64, scratch_operands = 6 : i64, tpu.core_type = #tpu.core_type<sc_vector_subcore>, window_params = [{transform_indices = #map}, {transform_indices = #map}, {transform_indices = #map}, {transform_indices = #map}, {transform_indices = #map1}]} {
    %mul3A = arith.constant 632 : i32
    %mul3A_0 = arith.muli %arg1, %mul3A : i32
    "tpu.region"() ({
      %run_scoped3A = tpu.sem_alloc : memref<!tpu.dma_semaphore, #tpu.memory_space<semaphore_mem>>
      %dma_start3A = arith.constant 0 : i32
      %dma_start3A_36 = tpu.memref_slice %arg10[%mul3A_0, %dma_start3A] : memref<10112x128xf32, #tpu.memory_space<vmem_shared>> -> memref<632x128xf32, #tpu.memory_space<vmem_shared>>
      %dma_start3A_37 = arith.constant 0 : i32
      %dma_start3A_38 = tpu.memref_slice %arg5[%mul3A_0, %dma_start3A_37] : memref<10112x128xf32, #tpu.memory_space<hbm>> -> memref<632x128xf32, #tpu.memory_space<hbm>>
      tpu.enqueue_dma source(%dma_start3A_38 : memref<632x128xf32, #tpu.memory_space<hbm>>) target(%dma_start3A_36 : memref<632x128xf32, #tpu.memory_space<vmem_shared>>) target_semaphore(%run_scoped3A : memref<!tpu.dma_semaphore, #tpu.memory_space<semaphore_mem>>)
      %dma_wait3A = arith.constant 0 : i32
      %dma_wait3A_39 = tpu.memref_slice %arg10[%mul3A_0, %dma_wait3A] : memref<10112x128xf32, #tpu.memory_space<vmem_shared>> -> memref<632x128xf32, #tpu.memory_space<vmem_shared>>
      %dma_wait3A_40 = arith.constant 0 : i32
      %dma_wait3A_41 = tpu.memref_slice %arg5[%mul3A_0, %dma_wait3A_40] : memref<10112x128xf32, #tpu.memory_space<hbm>> -> memref<632x128xf32, #tpu.memory_space<hbm>>
      tpu.wait_dma2 semaphore(%run_scoped3A : memref<!tpu.dma_semaphore, #tpu.memory_space<semaphore_mem>>) src(%dma_wait3A_41 : memref<632x128xf32, #tpu.memory_space<hbm>>) dst(%dma_wait3A_39 : memref<632x128xf32, #tpu.memory_space<vmem_shared>>)
      tpu.yield
    }) : () -> ()
    %barrier3A = arith.constant 0 : index
    tpu.barrier barrier_id(%barrier3A)
    %eq3A = arith.constant 0 : i32
    %eq3A_1 = arith.cmpi eq, %arg0, %eq3A : i32
    %jit3A = arith.constant 80 : i32
    %jit3A_2 = arith.constant 80 : i32
    %select_n3A = arith.select %eq3A_1, %jit3A, %jit3A_2 : i32
    %mul3A_3 = arith.constant 1280 : i32
    %mul3A_4 = arith.muli %arg0, %mul3A_3 : i32
    %mul3A_5 = arith.muli %arg1, %select_n3A : i32
    %add3A = arith.addi %mul3A_4, %mul3A_5 : i32
    %jit3A_6 = arith.constant 40 : i32
    %div3A = arith.divsi %select_n3A, %jit3A_6 : i32
    %sign3A = arith.constant 0 : i32
    %sign3A_7 = arith.cmpi sgt, %select_n3A, %sign3A : i32
    %sign3A_8 = arith.extui %sign3A_7 : i1 to i32
    %sign3A_9 = arith.constant 0 : i32
    %sign3A_10 = arith.cmpi slt, %select_n3A, %sign3A_9 : i32
    %sign3A_11 = arith.extui %sign3A_10 : i1 to i32
    %sign3A_12 = arith.subi %sign3A_8, %sign3A_11 : i32
    %sign3A_13 = arith.constant 0 : i32
    %sign3A_14 = arith.cmpi sgt, %jit3A_6, %sign3A_13 : i32
    %sign3A_15 = arith.extui %sign3A_14 : i1 to i32
    %sign3A_16 = arith.constant 0 : i32
    %sign3A_17 = arith.cmpi slt, %jit3A_6, %sign3A_16 : i32
    %sign3A_18 = arith.extui %sign3A_17 : i1 to i32
    %sign3A_19 = arith.subi %sign3A_15, %sign3A_18 : i32
    %ne3A = arith.cmpi ne, %sign3A_12, %sign3A_19 : i32
    %rem3A = arith.remsi %select_n3A, %jit3A_6 : i32
    %ne3A_20 = arith.constant 0 : i32
    %ne3A_21 = arith.cmpi ne, %rem3A, %ne3A_20 : i32
    %and3A = arith.andi %ne3A, %ne3A_21 : i1
    %sub3A = arith.constant 1 : i32
    %sub3A_22 = arith.subi %div3A, %sub3A : i32
    %select_n3A_23 = arith.select %and3A, %sub3A_22, %div3A : i32
    %gt3A = arith.constant 0 : i32
    %gt3A_24 = arith.cmpi sgt, %select_n3A_23, %gt3A : i32
    %convert_element_type3A = arith.extui %gt3A_24 : i1 to i32
    %cond3A = arith.constant 0 : i32
    %cond3A_25 = arith.constant 1 : i32
    %cond3A_26 = arith.constant 0 : i32
    %cond3A_27 = arith.cmpi ne, %convert_element_type3A, %cond3A_26 : i32
    scf.if %cond3A_27 {
      %add3A_36 = arith.constant 0 : i32
      %add3A_37 = arith.addi %add3A, %add3A_36 : i32
      %multiple_of3A = tpu.assume_multiple %add3A_37, 40 : i32
      "tpu.region"() ({
        %run_scoped3A = tpu.sem_alloc : memref<!tpu.dma_semaphore, #tpu.memory_space<semaphore_mem>>
        %dma_start3A_85 = arith.constant 0 : i32
        %dma_start3A_86 = tpu.memref_slice %arg3[%multiple_of3A, %dma_start3A_85] : memref<2560x128xi32, #tpu.memory_space<hbm>> -> memref<40x128xi32, #tpu.memory_space<hbm>>
        %dma_start3A_87 = arith.constant 0 : i32
        %dma_start3A_88 = tpu.memref_slice %arg3[%multiple_of3A, %dma_start3A_87] : memref<2560x128xi32, #tpu.memory_space<hbm>> -> memref<40x128xi32, #tpu.memory_space<hbm>>
        tpu.enqueue_dma source(%dma_start3A_88 : memref<40x128xi32, #tpu.memory_space<hbm>>) target(%arg7 : memref<40x128xi32, #tpu.memory_space<vmem>>) target_semaphore(%run_scoped3A : memref<!tpu.dma_semaphore, #tpu.memory_space<semaphore_mem>>)
        %dma_wait3A_89 = arith.constant 0 : i32
        %dma_wait3A_90 = tpu.memref_slice %arg3[%multiple_of3A, %dma_wait3A_89] : memref<2560x128xi32, #tpu.memory_space<hbm>> -> memref<40x128xi32, #tpu.memory_space<hbm>>
        %dma_wait3A_91 = arith.constant 0 : i32
        %dma_wait3A_92 = tpu.memref_slice %arg3[%multiple_of3A, %dma_wait3A_91] : memref<2560x128xi32, #tpu.memory_space<hbm>> -> memref<40x128xi32, #tpu.memory_space<hbm>>
        tpu.wait_dma2 semaphore(%run_scoped3A : memref<!tpu.dma_semaphore, #tpu.memory_space<semaphore_mem>>) src(%dma_wait3A_92 : memref<40x128xi32, #tpu.memory_space<hbm>>) dst(%arg7 : memref<40x128xi32, #tpu.memory_space<vmem>>)
        tpu.yield
      }) : () -> ()
      "tpu.region"() ({
        %run_scoped3A = tpu.sem_alloc : memref<!tpu.dma_semaphore, #tpu.memory_space<semaphore_mem>>
        %dma_start3A_85 = arith.constant 0 : i32
        %dma_start3A_86 = tpu.memref_slice %arg4[%multiple_of3A, %dma_start3A_85] : memref<2560x128xi32, #tpu.memory_space<hbm>> -> memref<40x128xi32, #tpu.memory_space<hbm>>
        %dma_start3A_87 = arith.constant 0 : i32
        %dma_start3A_88 = tpu.memref_slice %arg4[%multiple_of3A, %dma_start3A_87] : memref<2560x128xi32, #tpu.memory_space<hbm>> -> memref<40x128xi32, #tpu.memory_space<hbm>>
        tpu.enqueue_dma source(%dma_start3A_88 : memref<40x128xi32, #tpu.memory_space<hbm>>) target(%arg8 : memref<40x128xi32, #tpu.memory_space<vmem>>) target_semaphore(%run_scoped3A : memref<!tpu.dma_semaphore, #tpu.memory_space<semaphore_mem>>)
        %dma_wait3A_89 = arith.constant 0 : i32
        %dma_wait3A_90 = tpu.memref_slice %arg4[%multiple_of3A, %dma_wait3A_89] : memref<2560x128xi32, #tpu.memory_space<hbm>> -> memref<40x128xi32, #tpu.memory_space<hbm>>
        %dma_wait3A_91 = arith.constant 0 : i32
        %dma_wait3A_92 = tpu.memref_slice %arg4[%multiple_of3A, %dma_wait3A_91] : memref<2560x128xi32, #tpu.memory_space<hbm>> -> memref<40x128xi32, #tpu.memory_space<hbm>>
        tpu.wait_dma2 semaphore(%run_scoped3A : memref<!tpu.dma_semaphore, #tpu.memory_space<semaphore_mem>>) src(%dma_wait3A_92 : memref<40x128xi32, #tpu.memory_space<hbm>>) dst(%arg8 : memref<40x128xi32, #tpu.memory_space<vmem>>)
        tpu.yield
      }) : () -> ()
      %dma_start3A = arith.constant 0 : i32
      %dma_start3A_38 = arith.constant 0 : i32
      %dma_start3A_39 = arith.constant 0 : i32
      %dma_start3A_40 = tpu.memref_slice %arg9[%cond3A, %dma_start3A_38, %dma_start3A_39] : memref<2x128x128xf32, #tpu.memory_space<vmem>> -> memref<1x128x128xf32, #tpu.memory_space<vmem>>
      %dma_start3A_41 = tpu.memref_squeeze %dma_start3A_40 : memref<1x128x128xf32, #tpu.memory_space<vmem>> -> memref<128x128xf32, #tpu.memory_space<vmem>>
      %dma_start3A_42 = arith.constant 0 : i32
      %dma_start3A_43 = tpu.memref_slice %arg7[%dma_start3A, %dma_start3A_42] : memref<40x128xi32, #tpu.memory_space<vmem>> -> memref<1x128xi32, #tpu.memory_space<vmem>>
      %dma_start3A_44 = tpu.memref_squeeze %dma_start3A_43 : memref<1x128xi32, #tpu.memory_space<vmem>> -> memref<128xi32, #tpu.memory_space<vmem>>
      %dma_start3A_45 = arith.constant 0 : i32
      %dma_start3A_46 = arith.constant 0 : i32
      %dma_start3A_47 = tpu.memref_slice %arg2[%dma_start3A_45, %dma_start3A_46] : memref<10112x128xf32, #tpu.memory_space<hbm>> -> memref<10112x128xf32, #tpu.memory_space<hbm>>
      tpu.enqueue_indirect_dma source(%dma_start3A_47 : memref<10112x128xf32, #tpu.memory_space<hbm>>) target(%dma_start3A_41 : memref<128x128xf32, #tpu.memory_space<vmem>>) offsets(%dma_start3A_44 : memref<128xi32, #tpu.memory_space<vmem>>) semaphore(%arg11 : memref<!tpu.dma_semaphore, #tpu.memory_space<semaphore_mem>>)
      %dma_start3A_48 = arith.constant 1 : i32
      %dma_start3A_49 = arith.constant 0 : i32
      %dma_start3A_50 = arith.constant 0 : i32
      %dma_start3A_51 = tpu.memref_slice %arg9[%cond3A_25, %dma_start3A_49, %dma_start3A_50] : memref<2x128x128xf32, #tpu.memory_space<vmem>> -> memref<1x128x128xf32, #tpu.memory_space<vmem>>
      %dma_start3A_52 = tpu.memref_squeeze %dma_start3A_51 : memref<1x128x128xf32, #tpu.memory_space<vmem>> -> memref<128x128xf32, #tpu.memory_space<vmem>>
      %dma_start3A_53 = arith.constant 0 : i32
      %dma_start3A_54 = tpu.memref_slice %arg7[%dma_start3A_48, %dma_start3A_53] : memref<40x128xi32, #tpu.memory_space<vmem>> -> memref<1x128xi32, #tpu.memory_space<vmem>>
      %dma_start3A_55 = tpu.memref_squeeze %dma_start3A_54 : memref<1x128xi32, #tpu.memory_space<vmem>> -> memref<128xi32, #tpu.memory_space<vmem>>
      %dma_start3A_56 = arith.constant 0 : i32
      %dma_start3A_57 = arith.constant 0 : i32
      %dma_start3A_58 = tpu.memref_slice %arg2[%dma_start3A_56, %dma_start3A_57] : memref<10112x128xf32, #tpu.memory_space<hbm>> -> memref<10112x128xf32, #tpu.memory_space<hbm>>
      tpu.enqueue_indirect_dma source(%dma_start3A_58 : memref<10112x128xf32, #tpu.memory_space<hbm>>) target(%dma_start3A_52 : memref<128x128xf32, #tpu.memory_space<vmem>>) offsets(%dma_start3A_55 : memref<128xi32, #tpu.memory_space<vmem>>) semaphore(%arg12 : memref<!tpu.dma_semaphore, #tpu.memory_space<semaphore_mem>>)
      %scan3A = arith.constant 0 : i32
      %scan3A_59 = arith.constant 0 : i32
      %scan3A_60 = arith.constant 20 : i32
      %scan3A_61 = arith.addi %scan3A_59, %scan3A_60 : i32
      %scan3A_62 = arith.constant 1 : i32
      scf.for %scan3A_85 = %scan3A_59 to %scan3A_61 step %scan3A_62  : i32 {
        %mul3A_86 = arith.constant 2 : i32
        %mul3A_87 = arith.muli %scan3A_85, %mul3A_86 : i32
        %add3A_88 = arith.constant 0 : i32
        %add3A_89 = arith.addi %mul3A_87, %add3A_88 : i32
        %dma_wait3A_90 = arith.constant 0 : i32
        %dma_wait3A_91 = arith.constant 0 : i32
        %dma_wait3A_92 = tpu.memref_slice %arg9[%cond3A, %dma_wait3A_90, %dma_wait3A_91] : memref<2x128x128xf32, #tpu.memory_space<vmem>> -> memref<1x128x128xf32, #tpu.memory_space<vmem>>
        %dma_wait3A_93 = tpu.memref_squeeze %dma_wait3A_92 : memref<1x128x128xf32, #tpu.memory_space<vmem>> -> memref<128x128xf32, #tpu.memory_space<vmem>>
        %dma_wait3A_94 = arith.constant 0 : i32
        %dma_wait3A_95 = tpu.memref_slice %arg7[%add3A_89, %dma_wait3A_94] : memref<40x128xi32, #tpu.memory_space<vmem>> -> memref<1x128xi32, #tpu.memory_space<vmem>>
        %dma_wait3A_96 = tpu.memref_squeeze %dma_wait3A_95 : memref<1x128xi32, #tpu.memory_space<vmem>> -> memref<128xi32, #tpu.memory_space<vmem>>
        %dma_wait3A_97 = arith.constant 0 : i32
        %dma_wait3A_98 = arith.constant 0 : i32
        %dma_wait3A_99 = tpu.memref_slice %arg2[%dma_wait3A_97, %dma_wait3A_98] : memref<10112x128xf32, #tpu.memory_space<hbm>> -> memref<10112x128xf32, #tpu.memory_space<hbm>>
        tpu.wait_indirect_dma semaphore(%arg11 : memref<!tpu.dma_semaphore, #tpu.memory_space<semaphore_mem>>) src(%dma_wait3A_99 : memref<10112x128xf32, #tpu.memory_space<hbm>>) dst(%dma_wait3A_93 : memref<128x128xf32, #tpu.memory_space<vmem>>)
        "tpu.region"() ({
          %run_scoped3A = tpu.sem_alloc : memref<!tpu.dma_semaphore, #tpu.memory_space<semaphore_mem>>
          %dma_start3A_139 = arith.constant 0 : i32
          %dma_start3A_140 = arith.constant 0 : i32
          %dma_start3A_141 = tpu.memref_slice %arg9[%cond3A, %dma_start3A_139, %dma_start3A_140] : memref<2x128x128xf32, #tpu.memory_space<vmem>> -> memref<1x128x128xf32, #tpu.memory_space<vmem>>
          %dma_start3A_142 = tpu.memref_squeeze %dma_start3A_141 : memref<1x128x128xf32, #tpu.memory_space<vmem>> -> memref<128x128xf32, #tpu.memory_space<vmem>>
          %dma_start3A_143 = arith.constant 0 : i32
          %dma_start3A_144 = tpu.memref_slice %arg8[%add3A_89, %dma_start3A_143] : memref<40x128xi32, #tpu.memory_space<vmem>> -> memref<1x128xi32, #tpu.memory_space<vmem>>
          %dma_start3A_145 = tpu.memref_squeeze %dma_start3A_144 : memref<1x128xi32, #tpu.memory_space<vmem>> -> memref<128xi32, #tpu.memory_space<vmem>>
          %dma_start3A_146 = arith.constant 0 : i32
          %dma_start3A_147 = arith.constant 0 : i32
          %dma_start3A_148 = tpu.memref_slice %arg10[%dma_start3A_146, %dma_start3A_147] : memref<10112x128xf32, #tpu.memory_space<vmem_shared>> -> memref<10112x128xf32, #tpu.memory_space<vmem_shared>>
          tpu.enqueue_indirect_dma source(%dma_start3A_142 : memref<128x128xf32, #tpu.memory_space<vmem>>) target(%dma_start3A_148 : memref<10112x128xf32, #tpu.memory_space<vmem_shared>>) offsets(%dma_start3A_145 : memref<128xi32, #tpu.memory_space<vmem>>) semaphore(%run_scoped3A : memref<!tpu.dma_semaphore, #tpu.memory_space<semaphore_mem>>) {add = true}
          %dma_wait3A_149 = arith.constant 0 : i32
          %dma_wait3A_150 = arith.constant 0 : i32
          %dma_wait3A_151 = tpu.memref_slice %arg9[%cond3A, %dma_wait3A_149, %dma_wait3A_150] : memref<2x128x128xf32, #tpu.memory_space<vmem>> -> memref<1x128x128xf32, #tpu.memory_space<vmem>>
          %dma_wait3A_152 = tpu.memref_squeeze %dma_wait3A_151 : memref<1x128x128xf32, #tpu.memory_space<vmem>> -> memref<128x128xf32, #tpu.memory_space<vmem>>
          %dma_wait3A_153 = arith.constant 0 : i32
          %dma_wait3A_154 = tpu.memref_slice %arg8[%add3A_89, %dma_wait3A_153] : memref<40x128xi32, #tpu.memory_space<vmem>> -> memref<1x128xi32, #tpu.memory_space<vmem>>
          %dma_wait3A_155 = tpu.memref_squeeze %dma_wait3A_154 : memref<1x128xi32, #tpu.memory_space<vmem>> -> memref<128xi32, #tpu.memory_space<vmem>>
          %dma_wait3A_156 = arith.constant 0 : i32
          %dma_wait3A_157 = arith.constant 0 : i32
          %dma_wait3A_158 = tpu.memref_slice %arg10[%dma_wait3A_156, %dma_wait3A_157] : memref<10112x128xf32, #tpu.memory_space<vmem_shared>> -> memref<10112x128xf32, #tpu.memory_space<vmem_shared>>
          tpu.wait_indirect_dma semaphore(%run_scoped3A : memref<!tpu.dma_semaphore, #tpu.memory_space<semaphore_mem>>) src(%dma_wait3A_152 : memref<128x128xf32, #tpu.memory_space<vmem>>) dst(%dma_wait3A_158 : memref<10112x128xf32, #tpu.memory_space<vmem_shared>>)
          tpu.yield
        }) : () -> ()
        %add3A_100 = arith.constant 2 : i32
        %add3A_101 = arith.addi %add3A_89, %add3A_100 : i32
        %min3A = arith.constant 39 : i32
        %min3A_102 = arith.minsi %add3A_101, %min3A : i32
        %dma_start3A_103 = arith.constant 0 : i32
        %dma_start3A_104 = arith.constant 0 : i32
        %dma_start3A_105 = tpu.memref_slice %arg9[%cond3A, %dma_start3A_103, %dma_start3A_104] : memref<2x128x128xf32, #tpu.memory_space<vmem>> -> memref<1x128x128xf32, #tpu.memory_space<vmem>>
        %dma_start3A_106 = tpu.memref_squeeze %dma_start3A_105 : memref<1x128x128xf32, #tpu.memory_space<vmem>> -> memref<128x128xf32, #tpu.memory_space<vmem>>
        %dma_start3A_107 = arith.constant 0 : i32
        %dma_start3A_108 = tpu.memref_slice %arg7[%min3A_102, %dma_start3A_107] : memref<40x128xi32, #tpu.memory_space<vmem>> -> memref<1x128xi32, #tpu.memory_space<vmem>>
        %dma_start3A_109 = tpu.memref_squeeze %dma_start3A_108 : memref<1x128xi32, #tpu.memory_space<vmem>> -> memref<128xi32, #tpu.memory_space<vmem>>
        %dma_start3A_110 = arith.constant 0 : i32
        %dma_start3A_111 = arith.constant 0 : i32
        %dma_start3A_112 = tpu.memref_slice %arg2[%dma_start3A_110, %dma_start3A_111] : memref<10112x128xf32, #tpu.memory_space<hbm>> -> memref<10112x128xf32, #tpu.memory_space<hbm>>
        tpu.enqueue_indirect_dma source(%dma_start3A_112 : memref<10112x128xf32, #tpu.memory_space<hbm>>) target(%dma_start3A_106 : memref<128x128xf32, #tpu.memory_space<vmem>>) offsets(%dma_start3A_109 : memref<128xi32, #tpu.memory_space<vmem>>) semaphore(%arg11 : memref<!tpu.dma_semaphore, #tpu.memory_space<semaphore_mem>>)
        %add3A_113 = arith.constant 1 : i32
        %add3A_114 = arith.addi %mul3A_87, %add3A_113 : i32
        %dma_wait3A_115 = arith.constant 0 : i32
        %dma_wait3A_116 = arith.constant 0 : i32
        %dma_wait3A_117 = tpu.memref_slice %arg9[%cond3A_25, %dma_wait3A_115, %dma_wait3A_116] : memref<2x128x128xf32, #tpu.memory_space<vmem>> -> memref<1x128x128xf32, #tpu.memory_space<vmem>>
        %dma_wait3A_118 = tpu.memref_squeeze %dma_wait3A_117 : memref<1x128x128xf32, #tpu.memory_space<vmem>> -> memref<128x128xf32, #tpu.memory_space<vmem>>
        %dma_wait3A_119 = arith.constant 0 : i32
        %dma_wait3A_120 = tpu.memref_slice %arg7[%add3A_114, %dma_wait3A_119] : memref<40x128xi32, #tpu.memory_space<vmem>> -> memref<1x128xi32, #tpu.memory_space<vmem>>
        %dma_wait3A_121 = tpu.memref_squeeze %dma_wait3A_120 : memref<1x128xi32, #tpu.memory_space<vmem>> -> memref<128xi32, #tpu.memory_space<vmem>>
        %dma_wait3A_122 = arith.constant 0 : i32
        %dma_wait3A_123 = arith.constant 0 : i32
        %dma_wait3A_124 = tpu.memref_slice %arg2[%dma_wait3A_122, %dma_wait3A_123] : memref<10112x128xf32, #tpu.memory_space<hbm>> -> memref<10112x128xf32, #tpu.memory_space<hbm>>
        tpu.wait_indirect_dma semaphore(%arg12 : memref<!tpu.dma_semaphore, #tpu.memory_space<semaphore_mem>>) src(%dma_wait3A_124 : memref<10112x128xf32, #tpu.memory_space<hbm>>) dst(%dma_wait3A_118 : memref<128x128xf32, #tpu.memory_space<vmem>>)
        "tpu.region"() ({
          %run_scoped3A = tpu.sem_alloc : memref<!tpu.dma_semaphore, #tpu.memory_space<semaphore_mem>>
          %dma_start3A_139 = arith.constant 0 : i32
          %dma_start3A_140 = arith.constant 0 : i32
          %dma_start3A_141 = tpu.memref_slice %arg9[%cond3A_25, %dma_start3A_139, %dma_start3A_140] : memref<2x128x128xf32, #tpu.memory_space<vmem>> -> memref<1x128x128xf32, #tpu.memory_space<vmem>>
          %dma_start3A_142 = tpu.memref_squeeze %dma_start3A_141 : memref<1x128x128xf32, #tpu.memory_space<vmem>> -> memref<128x128xf32, #tpu.memory_space<vmem>>
          %dma_start3A_143 = arith.constant 0 : i32
          %dma_start3A_144 = tpu.memref_slice %arg8[%add3A_114, %dma_start3A_143] : memref<40x128xi32, #tpu.memory_space<vmem>> -> memref<1x128xi32, #tpu.memory_space<vmem>>
          %dma_start3A_145 = tpu.memref_squeeze %dma_start3A_144 : memref<1x128xi32, #tpu.memory_space<vmem>> -> memref<128xi32, #tpu.memory_space<vmem>>
          %dma_start3A_146 = arith.constant 0 : i32
          %dma_start3A_147 = arith.constant 0 : i32
          %dma_start3A_148 = tpu.memref_slice %arg10[%dma_start3A_146, %dma_start3A_147] : memref<10112x128xf32, #tpu.memory_space<vmem_shared>> -> memref<10112x128xf32, #tpu.memory_space<vmem_shared>>
          tpu.enqueue_indirect_dma source(%dma_start3A_142 : memref<128x128xf32, #tpu.memory_space<vmem>>) target(%dma_start3A_148 : memref<10112x128xf32, #tpu.memory_space<vmem_shared>>) offsets(%dma_start3A_145 : memref<128xi32, #tpu.memory_space<vmem>>) semaphore(%run_scoped3A : memref<!tpu.dma_semaphore, #tpu.memory_space<semaphore_mem>>) {add = true}
          %dma_wait3A_149 = arith.constant 0 : i32
          %dma_wait3A_150 = arith.constant 0 : i32
          %dma_wait3A_151 = tpu.memref_slice %arg9[%cond3A_25, %dma_wait3A_149, %dma_wait3A_150] : memref<2x128x128xf32, #tpu.memory_space<vmem>> -> memref<1x128x128xf32, #tpu.memory_space<vmem>>
          %dma_wait3A_152 = tpu.memref_squeeze %dma_wait3A_151 : memref<1x128x128xf32, #tpu.memory_space<vmem>> -> memref<128x128xf32, #tpu.memory_space<vmem>>
          %dma_wait3A_153 = arith.constant 0 : i32
          %dma_wait3A_154 = tpu.memref_slice %arg8[%add3A_114, %dma_wait3A_153] : memref<40x128xi32, #tpu.memory_space<vmem>> -> memref<1x128xi32, #tpu.memory_space<vmem>>
          %dma_wait3A_155 = tpu.memref_squeeze %dma_wait3A_154 : memref<1x128xi32, #tpu.memory_space<vmem>> -> memref<128xi32, #tpu.memory_space<vmem>>
          %dma_wait3A_156 = arith.constant 0 : i32
          %dma_wait3A_157 = arith.constant 0 : i32
          %dma_wait3A_158 = tpu.memref_slice %arg10[%dma_wait3A_156, %dma_wait3A_157] : memref<10112x128xf32, #tpu.memory_space<vmem_shared>> -> memref<10112x128xf32, #tpu.memory_space<vmem_shared>>
          tpu.wait_indirect_dma semaphore(%run_scoped3A : memref<!tpu.dma_semaphore, #tpu.memory_space<semaphore_mem>>) src(%dma_wait3A_152 : memref<128x128xf32, #tpu.memory_space<vmem>>) dst(%dma_wait3A_158 : memref<10112x128xf32, #tpu.memory_space<vmem_shared>>)
          tpu.yield
        }) : () -> ()
        %add3A_125 = arith.constant 2 : i32
        %add3A_126 = arith.addi %add3A_114, %add3A_125 : i32
        %min3A_127 = arith.constant 39 : i32
        %min3A_128 = arith.minsi %add3A_126, %min3A_127 : i32
        %dma_start3A_129 = arith.constant 0 : i32
        %dma_start3A_130 = arith.constant 0 : i32
        %dma_start3A_131 = tpu.memref_slice %arg9[%cond3A_25, %dma_start3A_129, %dma_start3A_130] : memref<2x128x128xf32, #tpu.memory_space<vmem>> -> memref<1x128x128xf32, #tpu.memory_space<vmem>>
        %dma_start3A_132 = tpu.memref_squeeze %dma_start3A_131 : memref<1x128x128xf32, #tpu.memory_space<vmem>> -> memref<128x128xf32, #tpu.memory_space<vmem>>
        %dma_start3A_133 = arith.constant 0 : i32
        %dma_start3A_134 = tpu.memref_slice %arg7[%min3A_128, %dma_start3A_133] : memref<40x128xi32, #tpu.memory_space<vmem>> -> memref<1x128xi32, #tpu.memory_space<vmem>>
        %dma_start3A_135 = tpu.memref_squeeze %dma_start3A_134 : memref<1x128xi32, #tpu.memory_space<vmem>> -> memref<128xi32, #tpu.memory_space<vmem>>
        %dma_start3A_136 = arith.constant 0 : i32
        %dma_start3A_137 = arith.constant 0 : i32
        %dma_start3A_138 = tpu.memref_slice %arg2[%dma_start3A_136, %dma_start3A_137] : memref<10112x128xf32, #tpu.memory_space<hbm>> -> memref<10112x128xf32, #tpu.memory_space<hbm>>
        tpu.enqueue_indirect_dma source(%dma_start3A_138 : memref<10112x128xf32, #tpu.memory_space<hbm>>) target(%dma_start3A_132 : memref<128x128xf32, #tpu.memory_space<vmem>>) offsets(%dma_start3A_135 : memref<128xi32, #tpu.memory_space<vmem>>) semaphore(%arg12 : memref<!tpu.dma_semaphore, #tpu.memory_space<semaphore_mem>>)
      }
      %scan3A_63 = arith.constant 20 : i32
      %dma_wait3A = arith.constant 39 : i32
      %dma_wait3A_64 = arith.constant 0 : i32
      %dma_wait3A_65 = arith.constant 0 : i32
      %dma_wait3A_66 = tpu.memref_slice %arg9[%cond3A, %dma_wait3A_64, %dma_wait3A_65] : memref<2x128x128xf32, #tpu.memory_space<vmem>> -> memref<1x128x128xf32, #tpu.memory_space<vmem>>
      %dma_wait3A_67 = tpu.memref_squeeze %dma_wait3A_66 : memref<1x128x128xf32, #tpu.memory_space<vmem>> -> memref<128x128xf32, #tpu.memory_space<vmem>>
      %dma_wait3A_68 = arith.constant 0 : i32
      %dma_wait3A_69 = tpu.memref_slice %arg7[%dma_wait3A, %dma_wait3A_68] : memref<40x128xi32, #tpu.memory_space<vmem>> -> memref<1x128xi32, #tpu.memory_space<vmem>>
      %dma_wait3A_70 = tpu.memref_squeeze %dma_wait3A_69 : memref<1x128xi32, #tpu.memory_space<vmem>> -> memref<128xi32, #tpu.memory_space<vmem>>
      %dma_wait3A_71 = arith.constant 0 : i32
      %dma_wait3A_72 = arith.constant 0 : i32
      %dma_wait3A_73 = tpu.memref_slice %arg2[%dma_wait3A_71, %dma_wait3A_72] : memref<10112x128xf32, #tpu.memory_space<hbm>> -> memref<10112x128xf32, #tpu.memory_space<hbm>>
      tpu.wait_indirect_dma semaphore(%arg11 : memref<!tpu.dma_semaphore, #tpu.memory_space<semaphore_mem>>) src(%dma_wait3A_73 : memref<10112x128xf32, #tpu.memory_space<hbm>>) dst(%dma_wait3A_67 : memref<128x128xf32, #tpu.memory_space<vmem>>)
      %dma_wait3A_74 = arith.constant 39 : i32
      %dma_wait3A_75 = arith.constant 0 : i32
      %dma_wait3A_76 = arith.constant 0 : i32
      %dma_wait3A_77 = tpu.memref_slice %arg9[%cond3A_25, %dma_wait3A_75, %dma_wait3A_76] : memref<2x128x128xf32, #tpu.memory_space<vmem>> -> memref<1x128x128xf32, #tpu.memory_space<vmem>>
      %dma_wait3A_78 = tpu.memref_squeeze %dma_wait3A_77 : memref<1x128x128xf32, #tpu.memory_space<vmem>> -> memref<128x128xf32, #tpu.memory_space<vmem>>
      %dma_wait3A_79 = arith.constant 0 : i32
      %dma_wait3A_80 = tpu.memref_slice %arg7[%dma_wait3A_74, %dma_wait3A_79] : memref<40x128xi32, #tpu.memory_space<vmem>> -> memref<1x128xi32, #tpu.memory_space<vmem>>
      %dma_wait3A_81 = tpu.memref_squeeze %dma_wait3A_80 : memref<1x128xi32, #tpu.memory_space<vmem>> -> memref<128xi32, #tpu.memory_space<vmem>>
      %dma_wait3A_82 = arith.constant 0 : i32
      %dma_wait3A_83 = arith.constant 0 : i32
      %dma_wait3A_84 = tpu.memref_slice %arg2[%dma_wait3A_82, %dma_wait3A_83] : memref<10112x128xf32, #tpu.memory_space<hbm>> -> memref<10112x128xf32, #tpu.memory_space<hbm>>
      tpu.wait_indirect_dma semaphore(%arg12 : memref<!tpu.dma_semaphore, #tpu.memory_space<semaphore_mem>>) src(%dma_wait3A_84 : memref<10112x128xf32, #tpu.memory_space<hbm>>) dst(%dma_wait3A_78 : memref<128x128xf32, #tpu.memory_space<vmem>>)
    } else {
    }
    %gt3A_28 = arith.constant 1 : i32
    %gt3A_29 = arith.cmpi sgt, %select_n3A_23, %gt3A_28 : i32
    %convert_element_type3A_30 = arith.extui %gt3A_29 : i1 to i32
    %cond3A_31 = arith.constant 0 : i32
    %cond3A_32 = arith.constant 1 : i32
    %cond3A_33 = arith.constant 0 : i32
    %cond3A_34 = arith.cmpi ne, %convert_element_type3A_30, %cond3A_33 : i32
    scf.if %cond3A_34 {
      %add3A_36 = arith.constant 40 : i32
      %add3A_37 = arith.addi %add3A, %add3A_36 : i32
      %multiple_of3A = tpu.assume_multiple %add3A_37, 40 : i32
      "tpu.region"() ({
        %run_scoped3A = tpu.sem_alloc : memref<!tpu.dma_semaphore, #tpu.memory_space<semaphore_mem>>
        %dma_start3A_85 = arith.constant 0 : i32
        %dma_start3A_86 = tpu.memref_slice %arg3[%multiple_of3A, %dma_start3A_85] : memref<2560x128xi32, #tpu.memory_space<hbm>> -> memref<40x128xi32, #tpu.memory_space<hbm>>
        %dma_start3A_87 = arith.constant 0 : i32
        %dma_start3A_88 = tpu.memref_slice %arg3[%multiple_of3A, %dma_start3A_87] : memref<2560x128xi32, #tpu.memory_space<hbm>> -> memref<40x128xi32, #tpu.memory_space<hbm>>
        tpu.enqueue_dma source(%dma_start3A_88 : memref<40x128xi32, #tpu.memory_space<hbm>>) target(%arg7 : memref<40x128xi32, #tpu.memory_space<vmem>>) target_semaphore(%run_scoped3A : memref<!tpu.dma_semaphore, #tpu.memory_space<semaphore_mem>>)
        %dma_wait3A_89 = arith.constant 0 : i32
        %dma_wait3A_90 = tpu.memref_slice %arg3[%multiple_of3A, %dma_wait3A_89] : memref<2560x128xi32, #tpu.memory_space<hbm>> -> memref<40x128xi32, #tpu.memory_space<hbm>>
        %dma_wait3A_91 = arith.constant 0 : i32
        %dma_wait3A_92 = tpu.memref_slice %arg3[%multiple_of3A, %dma_wait3A_91] : memref<2560x128xi32, #tpu.memory_space<hbm>> -> memref<40x128xi32, #tpu.memory_space<hbm>>
        tpu.wait_dma2 semaphore(%run_scoped3A : memref<!tpu.dma_semaphore, #tpu.memory_space<semaphore_mem>>) src(%dma_wait3A_92 : memref<40x128xi32, #tpu.memory_space<hbm>>) dst(%arg7 : memref<40x128xi32, #tpu.memory_space<vmem>>)
        tpu.yield
      }) : () -> ()
      "tpu.region"() ({
        %run_scoped3A = tpu.sem_alloc : memref<!tpu.dma_semaphore, #tpu.memory_space<semaphore_mem>>
        %dma_start3A_85 = arith.constant 0 : i32
        %dma_start3A_86 = tpu.memref_slice %arg4[%multiple_of3A, %dma_start3A_85] : memref<2560x128xi32, #tpu.memory_space<hbm>> -> memref<40x128xi32, #tpu.memory_space<hbm>>
        %dma_start3A_87 = arith.constant 0 : i32
        %dma_start3A_88 = tpu.memref_slice %arg4[%multiple_of3A, %dma_start3A_87] : memref<2560x128xi32, #tpu.memory_space<hbm>> -> memref<40x128xi32, #tpu.memory_space<hbm>>
        tpu.enqueue_dma source(%dma_start3A_88 : memref<40x128xi32, #tpu.memory_space<hbm>>) target(%arg8 : memref<40x128xi32, #tpu.memory_space<vmem>>) target_semaphore(%run_scoped3A : memref<!tpu.dma_semaphore, #tpu.memory_space<semaphore_mem>>)
        %dma_wait3A_89 = arith.constant 0 : i32
        %dma_wait3A_90 = tpu.memref_slice %arg4[%multiple_of3A, %dma_wait3A_89] : memref<2560x128xi32, #tpu.memory_space<hbm>> -> memref<40x128xi32, #tpu.memory_space<hbm>>
        %dma_wait3A_91 = arith.constant 0 : i32
        %dma_wait3A_92 = tpu.memref_slice %arg4[%multiple_of3A, %dma_wait3A_91] : memref<2560x128xi32, #tpu.memory_space<hbm>> -> memref<40x128xi32, #tpu.memory_space<hbm>>
        tpu.wait_dma2 semaphore(%run_scoped3A : memref<!tpu.dma_semaphore, #tpu.memory_space<semaphore_mem>>) src(%dma_wait3A_92 : memref<40x128xi32, #tpu.memory_space<hbm>>) dst(%arg8 : memref<40x128xi32, #tpu.memory_space<vmem>>)
        tpu.yield
      }) : () -> ()
      %dma_start3A = arith.constant 0 : i32
      %dma_start3A_38 = arith.constant 0 : i32
      %dma_start3A_39 = arith.constant 0 : i32
      %dma_start3A_40 = tpu.memref_slice %arg9[%cond3A_31, %dma_start3A_38, %dma_start3A_39] : memref<2x128x128xf32, #tpu.memory_space<vmem>> -> memref<1x128x128xf32, #tpu.memory_space<vmem>>
      %dma_start3A_41 = tpu.memref_squeeze %dma_start3A_40 : memref<1x128x128xf32, #tpu.memory_space<vmem>> -> memref<128x128xf32, #tpu.memory_space<vmem>>
      %dma_start3A_42 = arith.constant 0 : i32
      %dma_start3A_43 = tpu.memref_slice %arg7[%dma_start3A, %dma_start3A_42] : memref<40x128xi32, #tpu.memory_space<vmem>> -> memref<1x128xi32, #tpu.memory_space<vmem>>
      %dma_start3A_44 = tpu.memref_squeeze %dma_start3A_43 : memref<1x128xi32, #tpu.memory_space<vmem>> -> memref<128xi32, #tpu.memory_space<vmem>>
      %dma_start3A_45 = arith.constant 0 : i32
      %dma_start3A_46 = arith.constant 0 : i32
      %dma_start3A_47 = tpu.memref_slice %arg2[%dma_start3A_45, %dma_start3A_46] : memref<10112x128xf32, #tpu.memory_space<hbm>> -> memref<10112x128xf32, #tpu.memory_space<hbm>>
      tpu.enqueue_indirect_dma source(%dma_start3A_47 : memref<10112x128xf32, #tpu.memory_space<hbm>>) target(%dma_start3A_41 : memref<128x128xf32, #tpu.memory_space<vmem>>) offsets(%dma_start3A_44 : memref<128xi32, #tpu.memory_space<vmem>>) semaphore(%arg11 : memref<!tpu.dma_semaphore, #tpu.memory_space<semaphore_mem>>)
      %dma_start3A_48 = arith.constant 1 : i32
      %dma_start3A_49 = arith.constant 0 : i32
      %dma_start3A_50 = arith.constant 0 : i32
      %dma_start3A_51 = tpu.memref_slice %arg9[%cond3A_32, %dma_start3A_49, %dma_start3A_50] : memref<2x128x128xf32, #tpu.memory_space<vmem>> -> memref<1x128x128xf32, #tpu.memory_space<vmem>>
      %dma_start3A_52 = tpu.memref_squeeze %dma_start3A_51 : memref<1x128x128xf32, #tpu.memory_space<vmem>> -> memref<128x128xf32, #tpu.memory_space<vmem>>
      %dma_start3A_53 = arith.constant 0 : i32
      %dma_start3A_54 = tpu.memref_slice %arg7[%dma_start3A_48, %dma_start3A_53] : memref<40x128xi32, #tpu.memory_space<vmem>> -> memref<1x128xi32, #tpu.memory_space<vmem>>
      %dma_start3A_55 = tpu.memref_squeeze %dma_start3A_54 : memref<1x128xi32, #tpu.memory_space<vmem>> -> memref<128xi32, #tpu.memory_space<vmem>>
      %dma_start3A_56 = arith.constant 0 : i32
      %dma_start3A_57 = arith.constant 0 : i32
      %dma_start3A_58 = tpu.memref_slice %arg2[%dma_start3A_56, %dma_start3A_57] : memref<10112x128xf32, #tpu.memory_space<hbm>> -> memref<10112x128xf32, #tpu.memory_space<hbm>>
      tpu.enqueue_indirect_dma source(%dma_start3A_58 : memref<10112x128xf32, #tpu.memory_space<hbm>>) target(%dma_start3A_52 : memref<128x128xf32, #tpu.memory_space<vmem>>) offsets(%dma_start3A_55 : memref<128xi32, #tpu.memory_space<vmem>>) semaphore(%arg12 : memref<!tpu.dma_semaphore, #tpu.memory_space<semaphore_mem>>)
      %scan3A = arith.constant 0 : i32
      %scan3A_59 = arith.constant 0 : i32
      %scan3A_60 = arith.constant 20 : i32
      %scan3A_61 = arith.addi %scan3A_59, %scan3A_60 : i32
      %scan3A_62 = arith.constant 1 : i32
      scf.for %scan3A_85 = %scan3A_59 to %scan3A_61 step %scan3A_62  : i32 {
        %mul3A_86 = arith.constant 2 : i32
        %mul3A_87 = arith.muli %scan3A_85, %mul3A_86 : i32
        %add3A_88 = arith.constant 0 : i32
        %add3A_89 = arith.addi %mul3A_87, %add3A_88 : i32
        %dma_wait3A_90 = arith.constant 0 : i32
        %dma_wait3A_91 = arith.constant 0 : i32
        %dma_wait3A_92 = tpu.memref_slice %arg9[%cond3A_31, %dma_wait3A_90, %dma_wait3A_91] : memref<2x128x128xf32, #tpu.memory_space<vmem>> -> memref<1x128x128xf32, #tpu.memory_space<vmem>>
        %dma_wait3A_93 = tpu.memref_squeeze %dma_wait3A_92 : memref<1x128x128xf32, #tpu.memory_space<vmem>> -> memref<128x128xf32, #tpu.memory_space<vmem>>
        %dma_wait3A_94 = arith.constant 0 : i32
        %dma_wait3A_95 = tpu.memref_slice %arg7[%add3A_89, %dma_wait3A_94] : memref<40x128xi32, #tpu.memory_space<vmem>> -> memref<1x128xi32, #tpu.memory_space<vmem>>
        %dma_wait3A_96 = tpu.memref_squeeze %dma_wait3A_95 : memref<1x128xi32, #tpu.memory_space<vmem>> -> memref<128xi32, #tpu.memory_space<vmem>>
        %dma_wait3A_97 = arith.constant 0 : i32
        %dma_wait3A_98 = arith.constant 0 : i32
        %dma_wait3A_99 = tpu.memref_slice %arg2[%dma_wait3A_97, %dma_wait3A_98] : memref<10112x128xf32, #tpu.memory_space<hbm>> -> memref<10112x128xf32, #tpu.memory_space<hbm>>
        tpu.wait_indirect_dma semaphore(%arg11 : memref<!tpu.dma_semaphore, #tpu.memory_space<semaphore_mem>>) src(%dma_wait3A_99 : memref<10112x128xf32, #tpu.memory_space<hbm>>) dst(%dma_wait3A_93 : memref<128x128xf32, #tpu.memory_space<vmem>>)
        "tpu.region"() ({
          %run_scoped3A = tpu.sem_alloc : memref<!tpu.dma_semaphore, #tpu.memory_space<semaphore_mem>>
          %dma_start3A_139 = arith.constant 0 : i32
          %dma_start3A_140 = arith.constant 0 : i32
          %dma_start3A_141 = tpu.memref_slice %arg9[%cond3A_31, %dma_start3A_139, %dma_start3A_140] : memref<2x128x128xf32, #tpu.memory_space<vmem>> -> memref<1x128x128xf32, #tpu.memory_space<vmem>>
          %dma_start3A_142 = tpu.memref_squeeze %dma_start3A_141 : memref<1x128x128xf32, #tpu.memory_space<vmem>> -> memref<128x128xf32, #tpu.memory_space<vmem>>
          %dma_start3A_143 = arith.constant 0 : i32
          %dma_start3A_144 = tpu.memref_slice %arg8[%add3A_89, %dma_start3A_143] : memref<40x128xi32, #tpu.memory_space<vmem>> -> memref<1x128xi32, #tpu.memory_space<vmem>>
          %dma_start3A_145 = tpu.memref_squeeze %dma_start3A_144 : memref<1x128xi32, #tpu.memory_space<vmem>> -> memref<128xi32, #tpu.memory_space<vmem>>
          %dma_start3A_146 = arith.constant 0 : i32
          %dma_start3A_147 = arith.constant 0 : i32
          %dma_start3A_148 = tpu.memref_slice %arg10[%dma_start3A_146, %dma_start3A_147] : memref<10112x128xf32, #tpu.memory_space<vmem_shared>> -> memref<10112x128xf32, #tpu.memory_space<vmem_shared>>
          tpu.enqueue_indirect_dma source(%dma_start3A_142 : memref<128x128xf32, #tpu.memory_space<vmem>>) target(%dma_start3A_148 : memref<10112x128xf32, #tpu.memory_space<vmem_shared>>) offsets(%dma_start3A_145 : memref<128xi32, #tpu.memory_space<vmem>>) semaphore(%run_scoped3A : memref<!tpu.dma_semaphore, #tpu.memory_space<semaphore_mem>>) {add = true}
          %dma_wait3A_149 = arith.constant 0 : i32
          %dma_wait3A_150 = arith.constant 0 : i32
          %dma_wait3A_151 = tpu.memref_slice %arg9[%cond3A_31, %dma_wait3A_149, %dma_wait3A_150] : memref<2x128x128xf32, #tpu.memory_space<vmem>> -> memref<1x128x128xf32, #tpu.memory_space<vmem>>
          %dma_wait3A_152 = tpu.memref_squeeze %dma_wait3A_151 : memref<1x128x128xf32, #tpu.memory_space<vmem>> -> memref<128x128xf32, #tpu.memory_space<vmem>>
          %dma_wait3A_153 = arith.constant 0 : i32
          %dma_wait3A_154 = tpu.memref_slice %arg8[%add3A_89, %dma_wait3A_153] : memref<40x128xi32, #tpu.memory_space<vmem>> -> memref<1x128xi32, #tpu.memory_space<vmem>>
          %dma_wait3A_155 = tpu.memref_squeeze %dma_wait3A_154 : memref<1x128xi32, #tpu.memory_space<vmem>> -> memref<128xi32, #tpu.memory_space<vmem>>
          %dma_wait3A_156 = arith.constant 0 : i32
          %dma_wait3A_157 = arith.constant 0 : i32
          %dma_wait3A_158 = tpu.memref_slice %arg10[%dma_wait3A_156, %dma_wait3A_157] : memref<10112x128xf32, #tpu.memory_space<vmem_shared>> -> memref<10112x128xf32, #tpu.memory_space<vmem_shared>>
          tpu.wait_indirect_dma semaphore(%run_scoped3A : memref<!tpu.dma_semaphore, #tpu.memory_space<semaphore_mem>>) src(%dma_wait3A_152 : memref<128x128xf32, #tpu.memory_space<vmem>>) dst(%dma_wait3A_158 : memref<10112x128xf32, #tpu.memory_space<vmem_shared>>)
          tpu.yield
        }) : () -> ()
        %add3A_100 = arith.constant 2 : i32
        %add3A_101 = arith.addi %add3A_89, %add3A_100 : i32
        %min3A = arith.constant 39 : i32
        %min3A_102 = arith.minsi %add3A_101, %min3A : i32
        %dma_start3A_103 = arith.constant 0 : i32
        %dma_start3A_104 = arith.constant 0 : i32
        %dma_start3A_105 = tpu.memref_slice %arg9[%cond3A_31, %dma_start3A_103, %dma_start3A_104] : memref<2x128x128xf32, #tpu.memory_space<vmem>> -> memref<1x128x128xf32, #tpu.memory_space<vmem>>
        %dma_start3A_106 = tpu.memref_squeeze %dma_start3A_105 : memref<1x128x128xf32, #tpu.memory_space<vmem>> -> memref<128x128xf32, #tpu.memory_space<vmem>>
        %dma_start3A_107 = arith.constant 0 : i32
        %dma_start3A_108 = tpu.memref_slice %arg7[%min3A_102, %dma_start3A_107] : memref<40x128xi32, #tpu.memory_space<vmem>> -> memref<1x128xi32, #tpu.memory_space<vmem>>
        %dma_start3A_109 = tpu.memref_squeeze %dma_start3A_108 : memref<1x128xi32, #tpu.memory_space<vmem>> -> memref<128xi32, #tpu.memory_space<vmem>>
        %dma_start3A_110 = arith.constant 0 : i32
        %dma_start3A_111 = arith.constant 0 : i32
        %dma_start3A_112 = tpu.memref_slice %arg2[%dma_start3A_110, %dma_start3A_111] : memref<10112x128xf32, #tpu.memory_space<hbm>> -> memref<10112x128xf32, #tpu.memory_space<hbm>>
        tpu.enqueue_indirect_dma source(%dma_start3A_112 : memref<10112x128xf32, #tpu.memory_space<hbm>>) target(%dma_start3A_106 : memref<128x128xf32, #tpu.memory_space<vmem>>) offsets(%dma_start3A_109 : memref<128xi32, #tpu.memory_space<vmem>>) semaphore(%arg11 : memref<!tpu.dma_semaphore, #tpu.memory_space<semaphore_mem>>)
        %add3A_113 = arith.constant 1 : i32
        %add3A_114 = arith.addi %mul3A_87, %add3A_113 : i32
        %dma_wait3A_115 = arith.constant 0 : i32
        %dma_wait3A_116 = arith.constant 0 : i32
        %dma_wait3A_117 = tpu.memref_slice %arg9[%cond3A_32, %dma_wait3A_115, %dma_wait3A_116] : memref<2x128x128xf32, #tpu.memory_space<vmem>> -> memref<1x128x128xf32, #tpu.memory_space<vmem>>
        %dma_wait3A_118 = tpu.memref_squeeze %dma_wait3A_117 : memref<1x128x128xf32, #tpu.memory_space<vmem>> -> memref<128x128xf32, #tpu.memory_space<vmem>>
        %dma_wait3A_119 = arith.constant 0 : i32
        %dma_wait3A_120 = tpu.memref_slice %arg7[%add3A_114, %dma_wait3A_119] : memref<40x128xi32, #tpu.memory_space<vmem>> -> memref<1x128xi32, #tpu.memory_space<vmem>>
        %dma_wait3A_121 = tpu.memref_squeeze %dma_wait3A_120 : memref<1x128xi32, #tpu.memory_space<vmem>> -> memref<128xi32, #tpu.memory_space<vmem>>
        %dma_wait3A_122 = arith.constant 0 : i32
        %dma_wait3A_123 = arith.constant 0 : i32
        %dma_wait3A_124 = tpu.memref_slice %arg2[%dma_wait3A_122, %dma_wait3A_123] : memref<10112x128xf32, #tpu.memory_space<hbm>> -> memref<10112x128xf32, #tpu.memory_space<hbm>>
        tpu.wait_indirect_dma semaphore(%arg12 : memref<!tpu.dma_semaphore, #tpu.memory_space<semaphore_mem>>) src(%dma_wait3A_124 : memref<10112x128xf32, #tpu.memory_space<hbm>>) dst(%dma_wait3A_118 : memref<128x128xf32, #tpu.memory_space<vmem>>)
        "tpu.region"() ({
          %run_scoped3A = tpu.sem_alloc : memref<!tpu.dma_semaphore, #tpu.memory_space<semaphore_mem>>
          %dma_start3A_139 = arith.constant 0 : i32
          %dma_start3A_140 = arith.constant 0 : i32
          %dma_start3A_141 = tpu.memref_slice %arg9[%cond3A_32, %dma_start3A_139, %dma_start3A_140] : memref<2x128x128xf32, #tpu.memory_space<vmem>> -> memref<1x128x128xf32, #tpu.memory_space<vmem>>
          %dma_start3A_142 = tpu.memref_squeeze %dma_start3A_141 : memref<1x128x128xf32, #tpu.memory_space<vmem>> -> memref<128x128xf32, #tpu.memory_space<vmem>>
          %dma_start3A_143 = arith.constant 0 : i32
          %dma_start3A_144 = tpu.memref_slice %arg8[%add3A_114, %dma_start3A_143] : memref<40x128xi32, #tpu.memory_space<vmem>> -> memref<1x128xi32, #tpu.memory_space<vmem>>
          %dma_start3A_145 = tpu.memref_squeeze %dma_start3A_144 : memref<1x128xi32, #tpu.memory_space<vmem>> -> memref<128xi32, #tpu.memory_space<vmem>>
          %dma_start3A_146 = arith.constant 0 : i32
          %dma_start3A_147 = arith.constant 0 : i32
          %dma_start3A_148 = tpu.memref_slice %arg10[%dma_start3A_146, %dma_start3A_147] : memref<10112x128xf32, #tpu.memory_space<vmem_shared>> -> memref<10112x128xf32, #tpu.memory_space<vmem_shared>>
          tpu.enqueue_indirect_dma source(%dma_start3A_142 : memref<128x128xf32, #tpu.memory_space<vmem>>) target(%dma_start3A_148 : memref<10112x128xf32, #tpu.memory_space<vmem_shared>>) offsets(%dma_start3A_145 : memref<128xi32, #tpu.memory_space<vmem>>) semaphore(%run_scoped3A : memref<!tpu.dma_semaphore, #tpu.memory_space<semaphore_mem>>) {add = true}
          %dma_wait3A_149 = arith.constant 0 : i32
          %dma_wait3A_150 = arith.constant 0 : i32
          %dma_wait3A_151 = tpu.memref_slice %arg9[%cond3A_32, %dma_wait3A_149, %dma_wait3A_150] : memref<2x128x128xf32, #tpu.memory_space<vmem>> -> memref<1x128x128xf32, #tpu.memory_space<vmem>>
          %dma_wait3A_152 = tpu.memref_squeeze %dma_wait3A_151 : memref<1x128x128xf32, #tpu.memory_space<vmem>> -> memref<128x128xf32, #tpu.memory_space<vmem>>
          %dma_wait3A_153 = arith.constant 0 : i32
          %dma_wait3A_154 = tpu.memref_slice %arg8[%add3A_114, %dma_wait3A_153] : memref<40x128xi32, #tpu.memory_space<vmem>> -> memref<1x128xi32, #tpu.memory_space<vmem>>
          %dma_wait3A_155 = tpu.memref_squeeze %dma_wait3A_154 : memref<1x128xi32, #tpu.memory_space<vmem>> -> memref<128xi32, #tpu.memory_space<vmem>>
          %dma_wait3A_156 = arith.constant 0 : i32
          %dma_wait3A_157 = arith.constant 0 : i32
          %dma_wait3A_158 = tpu.memref_slice %arg10[%dma_wait3A_156, %dma_wait3A_157] : memref<10112x128xf32, #tpu.memory_space<vmem_shared>> -> memref<10112x128xf32, #tpu.memory_space<vmem_shared>>
          tpu.wait_indirect_dma semaphore(%run_scoped3A : memref<!tpu.dma_semaphore, #tpu.memory_space<semaphore_mem>>) src(%dma_wait3A_152 : memref<128x128xf32, #tpu.memory_space<vmem>>) dst(%dma_wait3A_158 : memref<10112x128xf32, #tpu.memory_space<vmem_shared>>)
          tpu.yield
        }) : () -> ()
        %add3A_125 = arith.constant 2 : i32
        %add3A_126 = arith.addi %add3A_114, %add3A_125 : i32
        %min3A_127 = arith.constant 39 : i32
        %min3A_128 = arith.minsi %add3A_126, %min3A_127 : i32
        %dma_start3A_129 = arith.constant 0 : i32
        %dma_start3A_130 = arith.constant 0 : i32
        %dma_start3A_131 = tpu.memref_slice %arg9[%cond3A_32, %dma_start3A_129, %dma_start3A_130] : memref<2x128x128xf32, #tpu.memory_space<vmem>> -> memref<1x128x128xf32, #tpu.memory_space<vmem>>
        %dma_start3A_132 = tpu.memref_squeeze %dma_start3A_131 : memref<1x128x128xf32, #tpu.memory_space<vmem>> -> memref<128x128xf32, #tpu.memory_space<vmem>>
        %dma_start3A_133 = arith.constant 0 : i32
        %dma_start3A_134 = tpu.memref_slice %arg7[%min3A_128, %dma_start3A_133] : memref<40x128xi32, #tpu.memory_space<vmem>> -> memref<1x128xi32, #tpu.memory_space<vmem>>
        %dma_start3A_135 = tpu.memref_squeeze %dma_start3A_134 : memref<1x128xi32, #tpu.memory_space<vmem>> -> memref<128xi32, #tpu.memory_space<vmem>>
        %dma_start3A_136 = arith.constant 0 : i32
        %dma_start3A_137 = arith.constant 0 : i32
        %dma_start3A_138 = tpu.memref_slice %arg2[%dma_start3A_136, %dma_start3A_137] : memref<10112x128xf32, #tpu.memory_space<hbm>> -> memref<10112x128xf32, #tpu.memory_space<hbm>>
        tpu.enqueue_indirect_dma source(%dma_start3A_138 : memref<10112x128xf32, #tpu.memory_space<hbm>>) target(%dma_start3A_132 : memref<128x128xf32, #tpu.memory_space<vmem>>) offsets(%dma_start3A_135 : memref<128xi32, #tpu.memory_space<vmem>>) semaphore(%arg12 : memref<!tpu.dma_semaphore, #tpu.memory_space<semaphore_mem>>)
      }
      %scan3A_63 = arith.constant 20 : i32
      %dma_wait3A = arith.constant 39 : i32
      %dma_wait3A_64 = arith.constant 0 : i32
      %dma_wait3A_65 = arith.constant 0 : i32
      %dma_wait3A_66 = tpu.memref_slice %arg9[%cond3A_31, %dma_wait3A_64, %dma_wait3A_65] : memref<2x128x128xf32, #tpu.memory_space<vmem>> -> memref<1x128x128xf32, #tpu.memory_space<vmem>>
      %dma_wait3A_67 = tpu.memref_squeeze %dma_wait3A_66 : memref<1x128x128xf32, #tpu.memory_space<vmem>> -> memref<128x128xf32, #tpu.memory_space<vmem>>
      %dma_wait3A_68 = arith.constant 0 : i32
      %dma_wait3A_69 = tpu.memref_slice %arg7[%dma_wait3A, %dma_wait3A_68] : memref<40x128xi32, #tpu.memory_space<vmem>> -> memref<1x128xi32, #tpu.memory_space<vmem>>
      %dma_wait3A_70 = tpu.memref_squeeze %dma_wait3A_69 : memref<1x128xi32, #tpu.memory_space<vmem>> -> memref<128xi32, #tpu.memory_space<vmem>>
      %dma_wait3A_71 = arith.constant 0 : i32
      %dma_wait3A_72 = arith.constant 0 : i32
      %dma_wait3A_73 = tpu.memref_slice %arg2[%dma_wait3A_71, %dma_wait3A_72] : memref<10112x128xf32, #tpu.memory_space<hbm>> -> memref<10112x128xf32, #tpu.memory_space<hbm>>
      tpu.wait_indirect_dma semaphore(%arg11 : memref<!tpu.dma_semaphore, #tpu.memory_space<semaphore_mem>>) src(%dma_wait3A_73 : memref<10112x128xf32, #tpu.memory_space<hbm>>) dst(%dma_wait3A_67 : memref<128x128xf32, #tpu.memory_space<vmem>>)
      %dma_wait3A_74 = arith.constant 39 : i32
      %dma_wait3A_75 = arith.constant 0 : i32
      %dma_wait3A_76 = arith.constant 0 : i32
      %dma_wait3A_77 = tpu.memref_slice %arg9[%cond3A_32, %dma_wait3A_75, %dma_wait3A_76] : memref<2x128x128xf32, #tpu.memory_space<vmem>> -> memref<1x128x128xf32, #tpu.memory_space<vmem>>
      %dma_wait3A_78 = tpu.memref_squeeze %dma_wait3A_77 : memref<1x128x128xf32, #tpu.memory_space<vmem>> -> memref<128x128xf32, #tpu.memory_space<vmem>>
      %dma_wait3A_79 = arith.constant 0 : i32
      %dma_wait3A_80 = tpu.memref_slice %arg7[%dma_wait3A_74, %dma_wait3A_79] : memref<40x128xi32, #tpu.memory_space<vmem>> -> memref<1x128xi32, #tpu.memory_space<vmem>>
      %dma_wait3A_81 = tpu.memref_squeeze %dma_wait3A_80 : memref<1x128xi32, #tpu.memory_space<vmem>> -> memref<128xi32, #tpu.memory_space<vmem>>
      %dma_wait3A_82 = arith.constant 0 : i32
      %dma_wait3A_83 = arith.constant 0 : i32
      %dma_wait3A_84 = tpu.memref_slice %arg2[%dma_wait3A_82, %dma_wait3A_83] : memref<10112x128xf32, #tpu.memory_space<hbm>> -> memref<10112x128xf32, #tpu.memory_space<hbm>>
      tpu.wait_indirect_dma semaphore(%arg12 : memref<!tpu.dma_semaphore, #tpu.memory_space<semaphore_mem>>) src(%dma_wait3A_84 : memref<10112x128xf32, #tpu.memory_space<hbm>>) dst(%dma_wait3A_78 : memref<128x128xf32, #tpu.memory_space<vmem>>)
    } else {
    }
    %barrier3A_35 = arith.constant 0 : index
    tpu.barrier barrier_id(%barrier3A_35)
    "tpu.region"() ({
      %run_scoped3A = tpu.sem_alloc : memref<!tpu.dma_semaphore, #tpu.memory_space<semaphore_mem>>
      %dma_start3A = arith.constant 0 : i32
      %dma_start3A_36 = tpu.memref_slice %arg6[%arg0, %mul3A_0, %dma_start3A] : memref<2x10112x128xf32, #tpu.memory_space<hbm>> -> memref<1x632x128xf32, #tpu.memory_space<hbm>>
      %dma_start3A_37 = tpu.memref_squeeze %dma_start3A_36 : memref<1x632x128xf32, #tpu.memory_space<hbm>> -> memref<632x128xf32, #tpu.memory_space<hbm>>
      %dma_start3A_38 = arith.constant 0 : i32
      %dma_start3A_39 = tpu.memref_slice %arg10[%mul3A_0, %dma_start3A_38] : memref<10112x128xf32, #tpu.memory_space<vmem_shared>> -> memref<632x128xf32, #tpu.memory_space<vmem_shared>>
      tpu.enqueue_dma source(%dma_start3A_39 : memref<632x128xf32, #tpu.memory_space<vmem_shared>>) target(%dma_start3A_37 : memref<632x128xf32, #tpu.memory_space<hbm>>) target_semaphore(%run_scoped3A : memref<!tpu.dma_semaphore, #tpu.memory_space<semaphore_mem>>)
      %dma_wait3A = arith.constant 0 : i32
      %dma_wait3A_40 = tpu.memref_slice %arg6[%arg0, %mul3A_0, %dma_wait3A] : memref<2x10112x128xf32, #tpu.memory_space<hbm>> -> memref<1x632x128xf32, #tpu.memory_space<hbm>>
      %dma_wait3A_41 = tpu.memref_squeeze %dma_wait3A_40 : memref<1x632x128xf32, #tpu.memory_space<hbm>> -> memref<632x128xf32, #tpu.memory_space<hbm>>
      %dma_wait3A_42 = arith.constant 0 : i32
      %dma_wait3A_43 = tpu.memref_slice %arg10[%mul3A_0, %dma_wait3A_42] : memref<10112x128xf32, #tpu.memory_space<vmem_shared>> -> memref<632x128xf32, #tpu.memory_space<vmem_shared>>
      tpu.wait_dma2 semaphore(%run_scoped3A : memref<!tpu.dma_semaphore, #tpu.memory_space<semaphore_mem>>) src(%dma_wait3A_43 : memref<632x128xf32, #tpu.memory_space<vmem_shared>>) dst(%dma_wait3A_41 : memref<632x128xf32, #tpu.memory_space<hbm>>)
      tpu.yield
    }) : () -> ()
    return
  }
}

#map = affine_map<(d0, d1) -> (0, 0)>
#map1 = affine_map<(d0, d1) -> (0, 0, 0)>
module attributes {stable_mosaic.version = 14 : i64} {
  func.func @_sc_deg(%arg0: i32, %arg1: i32, %arg2: memref<2560x128xi32, #tpu.memory_space<hbm>>, %arg3: memref<128x128xf32, #tpu.memory_space<hbm>>, %arg4: memref<10112x128xf32, #tpu.memory_space<hbm>>, %arg5: memref<2x10112x128xf32, #tpu.memory_space<hbm>>, %arg6: memref<80x128xi32, #tpu.memory_space<vmem>>, %arg7: memref<128x128xf32, #tpu.memory_space<vmem>>, %arg8: memref<10112x128xf32, #tpu.memory_space<vmem_shared>>) attributes {dimension_semantics = [#tpu.dimension_semantics<core_parallel>, #tpu.dimension_semantics<subcore_parallel>], iteration_bounds = array<i64: 2, 16>, scalar_prefetch = 0 : i64, scratch_operands = 3 : i64, tpu.core_type = #tpu.core_type<sc_vector_subcore>, window_params = [{transform_indices = #map}, {transform_indices = #map}, {transform_indices = #map}, {transform_indices = #map1}]} {
    %mul3A = arith.constant 16 : i32
    %mul3A_0 = arith.muli %arg0, %mul3A : i32
    %add3A = arith.addi %mul3A_0, %arg1 : i32
    %mul3A_1 = arith.constant 632 : i32
    %mul3A_2 = arith.muli %arg1, %mul3A_1 : i32
    "tpu.region"() ({
      %run_scoped3A = tpu.sem_alloc : memref<!tpu.dma_semaphore, #tpu.memory_space<semaphore_mem>>
      %dma_start3A = arith.constant 0 : i32
      %dma_start3A_11 = tpu.memref_slice %arg8[%mul3A_2, %dma_start3A] : memref<10112x128xf32, #tpu.memory_space<vmem_shared>> -> memref<632x128xf32, #tpu.memory_space<vmem_shared>>
      %dma_start3A_12 = arith.constant 0 : i32
      %dma_start3A_13 = tpu.memref_slice %arg4[%mul3A_2, %dma_start3A_12] : memref<10112x128xf32, #tpu.memory_space<hbm>> -> memref<632x128xf32, #tpu.memory_space<hbm>>
      tpu.enqueue_dma source(%dma_start3A_13 : memref<632x128xf32, #tpu.memory_space<hbm>>) target(%dma_start3A_11 : memref<632x128xf32, #tpu.memory_space<vmem_shared>>) target_semaphore(%run_scoped3A : memref<!tpu.dma_semaphore, #tpu.memory_space<semaphore_mem>>)
      %dma_wait3A = arith.constant 0 : i32
      %dma_wait3A_14 = tpu.memref_slice %arg8[%mul3A_2, %dma_wait3A] : memref<10112x128xf32, #tpu.memory_space<vmem_shared>> -> memref<632x128xf32, #tpu.memory_space<vmem_shared>>
      %dma_wait3A_15 = arith.constant 0 : i32
      %dma_wait3A_16 = tpu.memref_slice %arg4[%mul3A_2, %dma_wait3A_15] : memref<10112x128xf32, #tpu.memory_space<hbm>> -> memref<632x128xf32, #tpu.memory_space<hbm>>
      tpu.wait_dma2 semaphore(%run_scoped3A : memref<!tpu.dma_semaphore, #tpu.memory_space<semaphore_mem>>) src(%dma_wait3A_16 : memref<632x128xf32, #tpu.memory_space<hbm>>) dst(%dma_wait3A_14 : memref<632x128xf32, #tpu.memory_space<vmem_shared>>)
      tpu.yield
    }) : () -> ()
    %mul3A_3 = arith.constant 80 : i32
    %mul3A_4 = arith.muli %add3A, %mul3A_3 : i32
    %multiple_of3A = tpu.assume_multiple %mul3A_4, 80 : i32
    "tpu.region"() ({
      %run_scoped3A = tpu.sem_alloc : memref<!tpu.dma_semaphore, #tpu.memory_space<semaphore_mem>>
      %dma_start3A = arith.constant 0 : i32
      %dma_start3A_11 = tpu.memref_slice %arg2[%multiple_of3A, %dma_start3A] : memref<2560x128xi32, #tpu.memory_space<hbm>> -> memref<80x128xi32, #tpu.memory_space<hbm>>
      %dma_start3A_12 = arith.constant 0 : i32
      %dma_start3A_13 = tpu.memref_slice %arg2[%multiple_of3A, %dma_start3A_12] : memref<2560x128xi32, #tpu.memory_space<hbm>> -> memref<80x128xi32, #tpu.memory_space<hbm>>
      tpu.enqueue_dma source(%dma_start3A_13 : memref<80x128xi32, #tpu.memory_space<hbm>>) target(%arg6 : memref<80x128xi32, #tpu.memory_space<vmem>>) target_semaphore(%run_scoped3A : memref<!tpu.dma_semaphore, #tpu.memory_space<semaphore_mem>>)
      %dma_wait3A = arith.constant 0 : i32
      %dma_wait3A_14 = tpu.memref_slice %arg2[%multiple_of3A, %dma_wait3A] : memref<2560x128xi32, #tpu.memory_space<hbm>> -> memref<80x128xi32, #tpu.memory_space<hbm>>
      %dma_wait3A_15 = arith.constant 0 : i32
      %dma_wait3A_16 = tpu.memref_slice %arg2[%multiple_of3A, %dma_wait3A_15] : memref<2560x128xi32, #tpu.memory_space<hbm>> -> memref<80x128xi32, #tpu.memory_space<hbm>>
      tpu.wait_dma2 semaphore(%run_scoped3A : memref<!tpu.dma_semaphore, #tpu.memory_space<semaphore_mem>>) src(%dma_wait3A_16 : memref<80x128xi32, #tpu.memory_space<hbm>>) dst(%arg6 : memref<80x128xi32, #tpu.memory_space<vmem>>)
      tpu.yield
    }) : () -> ()
    "tpu.region"() ({
      %run_scoped3A = tpu.sem_alloc : memref<!tpu.dma_semaphore, #tpu.memory_space<semaphore_mem>>
      tpu.enqueue_dma source(%arg3 : memref<128x128xf32, #tpu.memory_space<hbm>>) target(%arg7 : memref<128x128xf32, #tpu.memory_space<vmem>>) target_semaphore(%run_scoped3A : memref<!tpu.dma_semaphore, #tpu.memory_space<semaphore_mem>>)
      tpu.wait_dma2 semaphore(%run_scoped3A : memref<!tpu.dma_semaphore, #tpu.memory_space<semaphore_mem>>) src(%arg3 : memref<128x128xf32, #tpu.memory_space<hbm>>) dst(%arg7 : memref<128x128xf32, #tpu.memory_space<vmem>>)
      tpu.yield
    }) : () -> ()
    %barrier3A = arith.constant 0 : index
    tpu.barrier barrier_id(%barrier3A)
    %scan3A = arith.constant 0 : i32
    %scan3A_5 = arith.constant 0 : i32
    %scan3A_6 = arith.constant 80 : i32
    %scan3A_7 = arith.addi %scan3A_5, %scan3A_6 : i32
    %scan3A_8 = arith.constant 1 : i32
    scf.for %scan3A_11 = %scan3A_5 to %scan3A_7 step %scan3A_8  : i32 {
      "tpu.region"() ({
        %run_scoped3A = tpu.sem_alloc : memref<!tpu.dma_semaphore, #tpu.memory_space<semaphore_mem>>
        %dma_start3A = arith.constant 0 : i32
        %dma_start3A_12 = tpu.memref_slice %arg6[%scan3A_11, %dma_start3A] : memref<80x128xi32, #tpu.memory_space<vmem>> -> memref<1x128xi32, #tpu.memory_space<vmem>>
        %dma_start3A_13 = tpu.memref_squeeze %dma_start3A_12 : memref<1x128xi32, #tpu.memory_space<vmem>> -> memref<128xi32, #tpu.memory_space<vmem>>
        %dma_start3A_14 = arith.constant 0 : i32
        %dma_start3A_15 = arith.constant 0 : i32
        %dma_start3A_16 = tpu.memref_slice %arg8[%dma_start3A_14, %dma_start3A_15] : memref<10112x128xf32, #tpu.memory_space<vmem_shared>> -> memref<10112x128xf32, #tpu.memory_space<vmem_shared>>
        tpu.enqueue_indirect_dma source(%arg7 : memref<128x128xf32, #tpu.memory_space<vmem>>) target(%dma_start3A_16 : memref<10112x128xf32, #tpu.memory_space<vmem_shared>>) offsets(%dma_start3A_13 : memref<128xi32, #tpu.memory_space<vmem>>) semaphore(%run_scoped3A : memref<!tpu.dma_semaphore, #tpu.memory_space<semaphore_mem>>) {add = true}
        %dma_wait3A = arith.constant 0 : i32
        %dma_wait3A_17 = tpu.memref_slice %arg6[%scan3A_11, %dma_wait3A] : memref<80x128xi32, #tpu.memory_space<vmem>> -> memref<1x128xi32, #tpu.memory_space<vmem>>
        %dma_wait3A_18 = tpu.memref_squeeze %dma_wait3A_17 : memref<1x128xi32, #tpu.memory_space<vmem>> -> memref<128xi32, #tpu.memory_space<vmem>>
        %dma_wait3A_19 = arith.constant 0 : i32
        %dma_wait3A_20 = arith.constant 0 : i32
        %dma_wait3A_21 = tpu.memref_slice %arg8[%dma_wait3A_19, %dma_wait3A_20] : memref<10112x128xf32, #tpu.memory_space<vmem_shared>> -> memref<10112x128xf32, #tpu.memory_space<vmem_shared>>
        tpu.wait_indirect_dma semaphore(%run_scoped3A : memref<!tpu.dma_semaphore, #tpu.memory_space<semaphore_mem>>) src(%arg7 : memref<128x128xf32, #tpu.memory_space<vmem>>) dst(%dma_wait3A_21 : memref<10112x128xf32, #tpu.memory_space<vmem_shared>>)
        tpu.yield
      }) : () -> ()
    }
    %scan3A_9 = arith.constant 80 : i32
    %barrier3A_10 = arith.constant 0 : index
    tpu.barrier barrier_id(%barrier3A_10)
    "tpu.region"() ({
      %run_scoped3A = tpu.sem_alloc : memref<!tpu.dma_semaphore, #tpu.memory_space<semaphore_mem>>
      %dma_start3A = arith.constant 0 : i32
      %dma_start3A_11 = tpu.memref_slice %arg5[%arg0, %mul3A_2, %dma_start3A] : memref<2x10112x128xf32, #tpu.memory_space<hbm>> -> memref<1x632x128xf32, #tpu.memory_space<hbm>>
      %dma_start3A_12 = tpu.memref_squeeze %dma_start3A_11 : memref<1x632x128xf32, #tpu.memory_space<hbm>> -> memref<632x128xf32, #tpu.memory_space<hbm>>
      %dma_start3A_13 = arith.constant 0 : i32
      %dma_start3A_14 = tpu.memref_slice %arg8[%mul3A_2, %dma_start3A_13] : memref<10112x128xf32, #tpu.memory_space<vmem_shared>> -> memref<632x128xf32, #tpu.memory_space<vmem_shared>>
      tpu.enqueue_dma source(%dma_start3A_14 : memref<632x128xf32, #tpu.memory_space<vmem_shared>>) target(%dma_start3A_12 : memref<632x128xf32, #tpu.memory_space<hbm>>) target_semaphore(%run_scoped3A : memref<!tpu.dma_semaphore, #tpu.memory_space<semaphore_mem>>)
      %dma_wait3A = arith.constant 0 : i32
      %dma_wait3A_15 = tpu.memref_slice %arg5[%arg0, %mul3A_2, %dma_wait3A] : memref<2x10112x128xf32, #tpu.memory_space<hbm>> -> memref<1x632x128xf32, #tpu.memory_space<hbm>>
      %dma_wait3A_16 = tpu.memref_squeeze %dma_wait3A_15 : memref<1x632x128xf32, #tpu.memory_space<hbm>> -> memref<632x128xf32, #tpu.memory_space<hbm>>
      %dma_wait3A_17 = arith.constant 0 : i32
      %dma_wait3A_18 = tpu.memref_slice %arg8[%mul3A_2, %dma_wait3A_17] : memref<10112x128xf32, #tpu.memory_space<vmem_shared>> -> memref<632x128xf32, #tpu.memory_space<vmem_shared>>
      tpu.wait_dma2 semaphore(%run_scoped3A : memref<!tpu.dma_semaphore, #tpu.memory_space<semaphore_mem>>) src(%dma_wait3A_18 : memref<632x128xf32, #tpu.memory_space<vmem_shared>>) dst(%dma_wait3A_16 : memref<632x128xf32, #tpu.memory_space<hbm>>)
      tpu.yield
    }) : () -> ()
    return
  }
}

#map = affine_map<(d0, d1) -> (0, 0)>
#map1 = affine_map<(d0, d1) -> (0, 0, 0)>
module attributes {stable_mosaic.version = 14 : i64} {
  func.func @_sc_scatter(%arg0: i32, %arg1: i32, %arg2: memref<10112x128xf32, #tpu.memory_space<hbm>>, %arg3: memref<2560x128xi32, #tpu.memory_space<hbm>>, %arg4: memref<2560x128xi32, #tpu.memory_space<hbm>>, %arg5: memref<10112x128xf32, #tpu.memory_space<hbm>>, %arg6: memref<2x10112x128xf32, #tpu.memory_space<hbm>>, %arg7: memref<40x128xi32, #tpu.memory_space<vmem>>, %arg8: memref<40x128xi32, #tpu.memory_space<vmem>>, %arg9: memref<2x128x128xf32, #tpu.memory_space<vmem>>, %arg10: memref<10112x128xf32, #tpu.memory_space<vmem_shared>>, %arg11: memref<!tpu.dma_semaphore, #tpu.memory_space<semaphore_mem>>, %arg12: memref<!tpu.dma_semaphore, #tpu.memory_space<semaphore_mem>>) attributes {dimension_semantics = [#tpu.dimension_semantics<core_parallel>, #tpu.dimension_semantics<subcore_parallel>], iteration_bounds = array<i64: 2, 16>, scalar_prefetch = 0 : i64, scratch_operands = 6 : i64, tpu.core_type = #tpu.core_type<sc_vector_subcore>, window_params = [{transform_indices = #map}, {transform_indices = #map}, {transform_indices = #map}, {transform_indices = #map}, {transform_indices = #map1}]} {
    %mul3A = arith.constant 632 : i32
    %mul3A_0 = arith.muli %arg1, %mul3A : i32
    "tpu.region"() ({
      %run_scoped3A = tpu.sem_alloc : memref<!tpu.dma_semaphore, #tpu.memory_space<semaphore_mem>>
      %dma_start3A = arith.constant 0 : i32
      %dma_start3A_36 = tpu.memref_slice %arg10[%mul3A_0, %dma_start3A] : memref<10112x128xf32, #tpu.memory_space<vmem_shared>> -> memref<632x128xf32, #tpu.memory_space<vmem_shared>>
      %dma_start3A_37 = arith.constant 0 : i32
      %dma_start3A_38 = tpu.memref_slice %arg5[%mul3A_0, %dma_start3A_37] : memref<10112x128xf32, #tpu.memory_space<hbm>> -> memref<632x128xf32, #tpu.memory_space<hbm>>
      tpu.enqueue_dma source(%dma_start3A_38 : memref<632x128xf32, #tpu.memory_space<hbm>>) target(%dma_start3A_36 : memref<632x128xf32, #tpu.memory_space<vmem_shared>>) target_semaphore(%run_scoped3A : memref<!tpu.dma_semaphore, #tpu.memory_space<semaphore_mem>>)
      %dma_wait3A = arith.constant 0 : i32
      %dma_wait3A_39 = tpu.memref_slice %arg10[%mul3A_0, %dma_wait3A] : memref<10112x128xf32, #tpu.memory_space<vmem_shared>> -> memref<632x128xf32, #tpu.memory_space<vmem_shared>>
      %dma_wait3A_40 = arith.constant 0 : i32
      %dma_wait3A_41 = tpu.memref_slice %arg5[%mul3A_0, %dma_wait3A_40] : memref<10112x128xf32, #tpu.memory_space<hbm>> -> memref<632x128xf32, #tpu.memory_space<hbm>>
      tpu.wait_dma2 semaphore(%run_scoped3A : memref<!tpu.dma_semaphore, #tpu.memory_space<semaphore_mem>>) src(%dma_wait3A_41 : memref<632x128xf32, #tpu.memory_space<hbm>>) dst(%dma_wait3A_39 : memref<632x128xf32, #tpu.memory_space<vmem_shared>>)
      tpu.yield
    }) : () -> ()
    %barrier3A = arith.constant 0 : index
    tpu.barrier barrier_id(%barrier3A)
    %eq3A = arith.constant 0 : i32
    %eq3A_1 = arith.cmpi eq, %arg0, %eq3A : i32
    %jit3A = arith.constant 80 : i32
    %jit3A_2 = arith.constant 80 : i32
    %select_n3A = arith.select %eq3A_1, %jit3A, %jit3A_2 : i32
    %mul3A_3 = arith.constant 1280 : i32
    %mul3A_4 = arith.muli %arg0, %mul3A_3 : i32
    %mul3A_5 = arith.muli %arg1, %select_n3A : i32
    %add3A = arith.addi %mul3A_4, %mul3A_5 : i32
    %jit3A_6 = arith.constant 40 : i32
    %div3A = arith.divsi %select_n3A, %jit3A_6 : i32
    %sign3A = arith.constant 0 : i32
    %sign3A_7 = arith.cmpi sgt, %select_n3A, %sign3A : i32
    %sign3A_8 = arith.extui %sign3A_7 : i1 to i32
    %sign3A_9 = arith.constant 0 : i32
    %sign3A_10 = arith.cmpi slt, %select_n3A, %sign3A_9 : i32
    %sign3A_11 = arith.extui %sign3A_10 : i1 to i32
    %sign3A_12 = arith.subi %sign3A_8, %sign3A_11 : i32
    %sign3A_13 = arith.constant 0 : i32
    %sign3A_14 = arith.cmpi sgt, %jit3A_6, %sign3A_13 : i32
    %sign3A_15 = arith.extui %sign3A_14 : i1 to i32
    %sign3A_16 = arith.constant 0 : i32
    %sign3A_17 = arith.cmpi slt, %jit3A_6, %sign3A_16 : i32
    %sign3A_18 = arith.extui %sign3A_17 : i1 to i32
    %sign3A_19 = arith.subi %sign3A_15, %sign3A_18 : i32
    %ne3A = arith.cmpi ne, %sign3A_12, %sign3A_19 : i32
    %rem3A = arith.remsi %select_n3A, %jit3A_6 : i32
    %ne3A_20 = arith.constant 0 : i32
    %ne3A_21 = arith.cmpi ne, %rem3A, %ne3A_20 : i32
    %and3A = arith.andi %ne3A, %ne3A_21 : i1
    %sub3A = arith.constant 1 : i32
    %sub3A_22 = arith.subi %div3A, %sub3A : i32
    %select_n3A_23 = arith.select %and3A, %sub3A_22, %div3A : i32
    %gt3A = arith.constant 0 : i32
    %gt3A_24 = arith.cmpi sgt, %select_n3A_23, %gt3A : i32
    %convert_element_type3A = arith.extui %gt3A_24 : i1 to i32
    %cond3A = arith.constant 0 : i32
    %cond3A_25 = arith.constant 1 : i32
    %cond3A_26 = arith.constant 0 : i32
    %cond3A_27 = arith.cmpi ne, %convert_element_type3A, %cond3A_26 : i32
    scf.if %cond3A_27 {
      %add3A_36 = arith.constant 0 : i32
      %add3A_37 = arith.addi %add3A, %add3A_36 : i32
      %multiple_of3A = tpu.assume_multiple %add3A_37, 40 : i32
      "tpu.region"() ({
        %run_scoped3A = tpu.sem_alloc : memref<!tpu.dma_semaphore, #tpu.memory_space<semaphore_mem>>
        %dma_start3A_85 = arith.constant 0 : i32
        %dma_start3A_86 = tpu.memref_slice %arg3[%multiple_of3A, %dma_start3A_85] : memref<2560x128xi32, #tpu.memory_space<hbm>> -> memref<40x128xi32, #tpu.memory_space<hbm>>
        %dma_start3A_87 = arith.constant 0 : i32
        %dma_start3A_88 = tpu.memref_slice %arg3[%multiple_of3A, %dma_start3A_87] : memref<2560x128xi32, #tpu.memory_space<hbm>> -> memref<40x128xi32, #tpu.memory_space<hbm>>
        tpu.enqueue_dma source(%dma_start3A_88 : memref<40x128xi32, #tpu.memory_space<hbm>>) target(%arg7 : memref<40x128xi32, #tpu.memory_space<vmem>>) target_semaphore(%run_scoped3A : memref<!tpu.dma_semaphore, #tpu.memory_space<semaphore_mem>>)
        %dma_wait3A_89 = arith.constant 0 : i32
        %dma_wait3A_90 = tpu.memref_slice %arg3[%multiple_of3A, %dma_wait3A_89] : memref<2560x128xi32, #tpu.memory_space<hbm>> -> memref<40x128xi32, #tpu.memory_space<hbm>>
        %dma_wait3A_91 = arith.constant 0 : i32
        %dma_wait3A_92 = tpu.memref_slice %arg3[%multiple_of3A, %dma_wait3A_91] : memref<2560x128xi32, #tpu.memory_space<hbm>> -> memref<40x128xi32, #tpu.memory_space<hbm>>
        tpu.wait_dma2 semaphore(%run_scoped3A : memref<!tpu.dma_semaphore, #tpu.memory_space<semaphore_mem>>) src(%dma_wait3A_92 : memref<40x128xi32, #tpu.memory_space<hbm>>) dst(%arg7 : memref<40x128xi32, #tpu.memory_space<vmem>>)
        tpu.yield
      }) : () -> ()
      "tpu.region"() ({
        %run_scoped3A = tpu.sem_alloc : memref<!tpu.dma_semaphore, #tpu.memory_space<semaphore_mem>>
        %dma_start3A_85 = arith.constant 0 : i32
        %dma_start3A_86 = tpu.memref_slice %arg4[%multiple_of3A, %dma_start3A_85] : memref<2560x128xi32, #tpu.memory_space<hbm>> -> memref<40x128xi32, #tpu.memory_space<hbm>>
        %dma_start3A_87 = arith.constant 0 : i32
        %dma_start3A_88 = tpu.memref_slice %arg4[%multiple_of3A, %dma_start3A_87] : memref<2560x128xi32, #tpu.memory_space<hbm>> -> memref<40x128xi32, #tpu.memory_space<hbm>>
        tpu.enqueue_dma source(%dma_start3A_88 : memref<40x128xi32, #tpu.memory_space<hbm>>) target(%arg8 : memref<40x128xi32, #tpu.memory_space<vmem>>) target_semaphore(%run_scoped3A : memref<!tpu.dma_semaphore, #tpu.memory_space<semaphore_mem>>)
        %dma_wait3A_89 = arith.constant 0 : i32
        %dma_wait3A_90 = tpu.memref_slice %arg4[%multiple_of3A, %dma_wait3A_89] : memref<2560x128xi32, #tpu.memory_space<hbm>> -> memref<40x128xi32, #tpu.memory_space<hbm>>
        %dma_wait3A_91 = arith.constant 0 : i32
        %dma_wait3A_92 = tpu.memref_slice %arg4[%multiple_of3A, %dma_wait3A_91] : memref<2560x128xi32, #tpu.memory_space<hbm>> -> memref<40x128xi32, #tpu.memory_space<hbm>>
        tpu.wait_dma2 semaphore(%run_scoped3A : memref<!tpu.dma_semaphore, #tpu.memory_space<semaphore_mem>>) src(%dma_wait3A_92 : memref<40x128xi32, #tpu.memory_space<hbm>>) dst(%arg8 : memref<40x128xi32, #tpu.memory_space<vmem>>)
        tpu.yield
      }) : () -> ()
      %dma_start3A = arith.constant 0 : i32
      %dma_start3A_38 = arith.constant 0 : i32
      %dma_start3A_39 = arith.constant 0 : i32
      %dma_start3A_40 = tpu.memref_slice %arg9[%cond3A, %dma_start3A_38, %dma_start3A_39] : memref<2x128x128xf32, #tpu.memory_space<vmem>> -> memref<1x128x128xf32, #tpu.memory_space<vmem>>
      %dma_start3A_41 = tpu.memref_squeeze %dma_start3A_40 : memref<1x128x128xf32, #tpu.memory_space<vmem>> -> memref<128x128xf32, #tpu.memory_space<vmem>>
      %dma_start3A_42 = arith.constant 0 : i32
      %dma_start3A_43 = tpu.memref_slice %arg7[%dma_start3A, %dma_start3A_42] : memref<40x128xi32, #tpu.memory_space<vmem>> -> memref<1x128xi32, #tpu.memory_space<vmem>>
      %dma_start3A_44 = tpu.memref_squeeze %dma_start3A_43 : memref<1x128xi32, #tpu.memory_space<vmem>> -> memref<128xi32, #tpu.memory_space<vmem>>
      %dma_start3A_45 = arith.constant 0 : i32
      %dma_start3A_46 = arith.constant 0 : i32
      %dma_start3A_47 = tpu.memref_slice %arg2[%dma_start3A_45, %dma_start3A_46] : memref<10112x128xf32, #tpu.memory_space<hbm>> -> memref<10112x128xf32, #tpu.memory_space<hbm>>
      tpu.enqueue_indirect_dma source(%dma_start3A_47 : memref<10112x128xf32, #tpu.memory_space<hbm>>) target(%dma_start3A_41 : memref<128x128xf32, #tpu.memory_space<vmem>>) offsets(%dma_start3A_44 : memref<128xi32, #tpu.memory_space<vmem>>) semaphore(%arg11 : memref<!tpu.dma_semaphore, #tpu.memory_space<semaphore_mem>>)
      %dma_start3A_48 = arith.constant 1 : i32
      %dma_start3A_49 = arith.constant 0 : i32
      %dma_start3A_50 = arith.constant 0 : i32
      %dma_start3A_51 = tpu.memref_slice %arg9[%cond3A_25, %dma_start3A_49, %dma_start3A_50] : memref<2x128x128xf32, #tpu.memory_space<vmem>> -> memref<1x128x128xf32, #tpu.memory_space<vmem>>
      %dma_start3A_52 = tpu.memref_squeeze %dma_start3A_51 : memref<1x128x128xf32, #tpu.memory_space<vmem>> -> memref<128x128xf32, #tpu.memory_space<vmem>>
      %dma_start3A_53 = arith.constant 0 : i32
      %dma_start3A_54 = tpu.memref_slice %arg7[%dma_start3A_48, %dma_start3A_53] : memref<40x128xi32, #tpu.memory_space<vmem>> -> memref<1x128xi32, #tpu.memory_space<vmem>>
      %dma_start3A_55 = tpu.memref_squeeze %dma_start3A_54 : memref<1x128xi32, #tpu.memory_space<vmem>> -> memref<128xi32, #tpu.memory_space<vmem>>
      %dma_start3A_56 = arith.constant 0 : i32
      %dma_start3A_57 = arith.constant 0 : i32
      %dma_start3A_58 = tpu.memref_slice %arg2[%dma_start3A_56, %dma_start3A_57] : memref<10112x128xf32, #tpu.memory_space<hbm>> -> memref<10112x128xf32, #tpu.memory_space<hbm>>
      tpu.enqueue_indirect_dma source(%dma_start3A_58 : memref<10112x128xf32, #tpu.memory_space<hbm>>) target(%dma_start3A_52 : memref<128x128xf32, #tpu.memory_space<vmem>>) offsets(%dma_start3A_55 : memref<128xi32, #tpu.memory_space<vmem>>) semaphore(%arg12 : memref<!tpu.dma_semaphore, #tpu.memory_space<semaphore_mem>>)
      %scan3A = arith.constant 0 : i32
      %scan3A_59 = arith.constant 0 : i32
      %scan3A_60 = arith.constant 20 : i32
      %scan3A_61 = arith.addi %scan3A_59, %scan3A_60 : i32
      %scan3A_62 = arith.constant 1 : i32
      scf.for %scan3A_85 = %scan3A_59 to %scan3A_61 step %scan3A_62  : i32 {
        %mul3A_86 = arith.constant 2 : i32
        %mul3A_87 = arith.muli %scan3A_85, %mul3A_86 : i32
        %add3A_88 = arith.constant 0 : i32
        %add3A_89 = arith.addi %mul3A_87, %add3A_88 : i32
        %dma_wait3A_90 = arith.constant 0 : i32
        %dma_wait3A_91 = arith.constant 0 : i32
        %dma_wait3A_92 = tpu.memref_slice %arg9[%cond3A, %dma_wait3A_90, %dma_wait3A_91] : memref<2x128x128xf32, #tpu.memory_space<vmem>> -> memref<1x128x128xf32, #tpu.memory_space<vmem>>
        %dma_wait3A_93 = tpu.memref_squeeze %dma_wait3A_92 : memref<1x128x128xf32, #tpu.memory_space<vmem>> -> memref<128x128xf32, #tpu.memory_space<vmem>>
        %dma_wait3A_94 = arith.constant 0 : i32
        %dma_wait3A_95 = tpu.memref_slice %arg7[%add3A_89, %dma_wait3A_94] : memref<40x128xi32, #tpu.memory_space<vmem>> -> memref<1x128xi32, #tpu.memory_space<vmem>>
        %dma_wait3A_96 = tpu.memref_squeeze %dma_wait3A_95 : memref<1x128xi32, #tpu.memory_space<vmem>> -> memref<128xi32, #tpu.memory_space<vmem>>
        %dma_wait3A_97 = arith.constant 0 : i32
        %dma_wait3A_98 = arith.constant 0 : i32
        %dma_wait3A_99 = tpu.memref_slice %arg2[%dma_wait3A_97, %dma_wait3A_98] : memref<10112x128xf32, #tpu.memory_space<hbm>> -> memref<10112x128xf32, #tpu.memory_space<hbm>>
        tpu.wait_indirect_dma semaphore(%arg11 : memref<!tpu.dma_semaphore, #tpu.memory_space<semaphore_mem>>) src(%dma_wait3A_99 : memref<10112x128xf32, #tpu.memory_space<hbm>>) dst(%dma_wait3A_93 : memref<128x128xf32, #tpu.memory_space<vmem>>)
        "tpu.region"() ({
          %run_scoped3A = tpu.sem_alloc : memref<!tpu.dma_semaphore, #tpu.memory_space<semaphore_mem>>
          %dma_start3A_139 = arith.constant 0 : i32
          %dma_start3A_140 = arith.constant 0 : i32
          %dma_start3A_141 = tpu.memref_slice %arg9[%cond3A, %dma_start3A_139, %dma_start3A_140] : memref<2x128x128xf32, #tpu.memory_space<vmem>> -> memref<1x128x128xf32, #tpu.memory_space<vmem>>
          %dma_start3A_142 = tpu.memref_squeeze %dma_start3A_141 : memref<1x128x128xf32, #tpu.memory_space<vmem>> -> memref<128x128xf32, #tpu.memory_space<vmem>>
          %dma_start3A_143 = arith.constant 0 : i32
          %dma_start3A_144 = tpu.memref_slice %arg8[%add3A_89, %dma_start3A_143] : memref<40x128xi32, #tpu.memory_space<vmem>> -> memref<1x128xi32, #tpu.memory_space<vmem>>
          %dma_start3A_145 = tpu.memref_squeeze %dma_start3A_144 : memref<1x128xi32, #tpu.memory_space<vmem>> -> memref<128xi32, #tpu.memory_space<vmem>>
          %dma_start3A_146 = arith.constant 0 : i32
          %dma_start3A_147 = arith.constant 0 : i32
          %dma_start3A_148 = tpu.memref_slice %arg10[%dma_start3A_146, %dma_start3A_147] : memref<10112x128xf32, #tpu.memory_space<vmem_shared>> -> memref<10112x128xf32, #tpu.memory_space<vmem_shared>>
          tpu.enqueue_indirect_dma source(%dma_start3A_142 : memref<128x128xf32, #tpu.memory_space<vmem>>) target(%dma_start3A_148 : memref<10112x128xf32, #tpu.memory_space<vmem_shared>>) offsets(%dma_start3A_145 : memref<128xi32, #tpu.memory_space<vmem>>) semaphore(%run_scoped3A : memref<!tpu.dma_semaphore, #tpu.memory_space<semaphore_mem>>) {add = true}
          %dma_wait3A_149 = arith.constant 0 : i32
          %dma_wait3A_150 = arith.constant 0 : i32
          %dma_wait3A_151 = tpu.memref_slice %arg9[%cond3A, %dma_wait3A_149, %dma_wait3A_150] : memref<2x128x128xf32, #tpu.memory_space<vmem>> -> memref<1x128x128xf32, #tpu.memory_space<vmem>>
          %dma_wait3A_152 = tpu.memref_squeeze %dma_wait3A_151 : memref<1x128x128xf32, #tpu.memory_space<vmem>> -> memref<128x128xf32, #tpu.memory_space<vmem>>
          %dma_wait3A_153 = arith.constant 0 : i32
          %dma_wait3A_154 = tpu.memref_slice %arg8[%add3A_89, %dma_wait3A_153] : memref<40x128xi32, #tpu.memory_space<vmem>> -> memref<1x128xi32, #tpu.memory_space<vmem>>
          %dma_wait3A_155 = tpu.memref_squeeze %dma_wait3A_154 : memref<1x128xi32, #tpu.memory_space<vmem>> -> memref<128xi32, #tpu.memory_space<vmem>>
          %dma_wait3A_156 = arith.constant 0 : i32
          %dma_wait3A_157 = arith.constant 0 : i32
          %dma_wait3A_158 = tpu.memref_slice %arg10[%dma_wait3A_156, %dma_wait3A_157] : memref<10112x128xf32, #tpu.memory_space<vmem_shared>> -> memref<10112x128xf32, #tpu.memory_space<vmem_shared>>
          tpu.wait_indirect_dma semaphore(%run_scoped3A : memref<!tpu.dma_semaphore, #tpu.memory_space<semaphore_mem>>) src(%dma_wait3A_152 : memref<128x128xf32, #tpu.memory_space<vmem>>) dst(%dma_wait3A_158 : memref<10112x128xf32, #tpu.memory_space<vmem_shared>>)
          tpu.yield
        }) : () -> ()
        %add3A_100 = arith.constant 2 : i32
        %add3A_101 = arith.addi %add3A_89, %add3A_100 : i32
        %min3A = arith.constant 39 : i32
        %min3A_102 = arith.minsi %add3A_101, %min3A : i32
        %dma_start3A_103 = arith.constant 0 : i32
        %dma_start3A_104 = arith.constant 0 : i32
        %dma_start3A_105 = tpu.memref_slice %arg9[%cond3A, %dma_start3A_103, %dma_start3A_104] : memref<2x128x128xf32, #tpu.memory_space<vmem>> -> memref<1x128x128xf32, #tpu.memory_space<vmem>>
        %dma_start3A_106 = tpu.memref_squeeze %dma_start3A_105 : memref<1x128x128xf32, #tpu.memory_space<vmem>> -> memref<128x128xf32, #tpu.memory_space<vmem>>
        %dma_start3A_107 = arith.constant 0 : i32
        %dma_start3A_108 = tpu.memref_slice %arg7[%min3A_102, %dma_start3A_107] : memref<40x128xi32, #tpu.memory_space<vmem>> -> memref<1x128xi32, #tpu.memory_space<vmem>>
        %dma_start3A_109 = tpu.memref_squeeze %dma_start3A_108 : memref<1x128xi32, #tpu.memory_space<vmem>> -> memref<128xi32, #tpu.memory_space<vmem>>
        %dma_start3A_110 = arith.constant 0 : i32
        %dma_start3A_111 = arith.constant 0 : i32
        %dma_start3A_112 = tpu.memref_slice %arg2[%dma_start3A_110, %dma_start3A_111] : memref<10112x128xf32, #tpu.memory_space<hbm>> -> memref<10112x128xf32, #tpu.memory_space<hbm>>
        tpu.enqueue_indirect_dma source(%dma_start3A_112 : memref<10112x128xf32, #tpu.memory_space<hbm>>) target(%dma_start3A_106 : memref<128x128xf32, #tpu.memory_space<vmem>>) offsets(%dma_start3A_109 : memref<128xi32, #tpu.memory_space<vmem>>) semaphore(%arg11 : memref<!tpu.dma_semaphore, #tpu.memory_space<semaphore_mem>>)
        %add3A_113 = arith.constant 1 : i32
        %add3A_114 = arith.addi %mul3A_87, %add3A_113 : i32
        %dma_wait3A_115 = arith.constant 0 : i32
        %dma_wait3A_116 = arith.constant 0 : i32
        %dma_wait3A_117 = tpu.memref_slice %arg9[%cond3A_25, %dma_wait3A_115, %dma_wait3A_116] : memref<2x128x128xf32, #tpu.memory_space<vmem>> -> memref<1x128x128xf32, #tpu.memory_space<vmem>>
        %dma_wait3A_118 = tpu.memref_squeeze %dma_wait3A_117 : memref<1x128x128xf32, #tpu.memory_space<vmem>> -> memref<128x128xf32, #tpu.memory_space<vmem>>
        %dma_wait3A_119 = arith.constant 0 : i32
        %dma_wait3A_120 = tpu.memref_slice %arg7[%add3A_114, %dma_wait3A_119] : memref<40x128xi32, #tpu.memory_space<vmem>> -> memref<1x128xi32, #tpu.memory_space<vmem>>
        %dma_wait3A_121 = tpu.memref_squeeze %dma_wait3A_120 : memref<1x128xi32, #tpu.memory_space<vmem>> -> memref<128xi32, #tpu.memory_space<vmem>>
        %dma_wait3A_122 = arith.constant 0 : i32
        %dma_wait3A_123 = arith.constant 0 : i32
        %dma_wait3A_124 = tpu.memref_slice %arg2[%dma_wait3A_122, %dma_wait3A_123] : memref<10112x128xf32, #tpu.memory_space<hbm>> -> memref<10112x128xf32, #tpu.memory_space<hbm>>
        tpu.wait_indirect_dma semaphore(%arg12 : memref<!tpu.dma_semaphore, #tpu.memory_space<semaphore_mem>>) src(%dma_wait3A_124 : memref<10112x128xf32, #tpu.memory_space<hbm>>) dst(%dma_wait3A_118 : memref<128x128xf32, #tpu.memory_space<vmem>>)
        "tpu.region"() ({
          %run_scoped3A = tpu.sem_alloc : memref<!tpu.dma_semaphore, #tpu.memory_space<semaphore_mem>>
          %dma_start3A_139 = arith.constant 0 : i32
          %dma_start3A_140 = arith.constant 0 : i32
          %dma_start3A_141 = tpu.memref_slice %arg9[%cond3A_25, %dma_start3A_139, %dma_start3A_140] : memref<2x128x128xf32, #tpu.memory_space<vmem>> -> memref<1x128x128xf32, #tpu.memory_space<vmem>>
          %dma_start3A_142 = tpu.memref_squeeze %dma_start3A_141 : memref<1x128x128xf32, #tpu.memory_space<vmem>> -> memref<128x128xf32, #tpu.memory_space<vmem>>
          %dma_start3A_143 = arith.constant 0 : i32
          %dma_start3A_144 = tpu.memref_slice %arg8[%add3A_114, %dma_start3A_143] : memref<40x128xi32, #tpu.memory_space<vmem>> -> memref<1x128xi32, #tpu.memory_space<vmem>>
          %dma_start3A_145 = tpu.memref_squeeze %dma_start3A_144 : memref<1x128xi32, #tpu.memory_space<vmem>> -> memref<128xi32, #tpu.memory_space<vmem>>
          %dma_start3A_146 = arith.constant 0 : i32
          %dma_start3A_147 = arith.constant 0 : i32
          %dma_start3A_148 = tpu.memref_slice %arg10[%dma_start3A_146, %dma_start3A_147] : memref<10112x128xf32, #tpu.memory_space<vmem_shared>> -> memref<10112x128xf32, #tpu.memory_space<vmem_shared>>
          tpu.enqueue_indirect_dma source(%dma_start3A_142 : memref<128x128xf32, #tpu.memory_space<vmem>>) target(%dma_start3A_148 : memref<10112x128xf32, #tpu.memory_space<vmem_shared>>) offsets(%dma_start3A_145 : memref<128xi32, #tpu.memory_space<vmem>>) semaphore(%run_scoped3A : memref<!tpu.dma_semaphore, #tpu.memory_space<semaphore_mem>>) {add = true}
          %dma_wait3A_149 = arith.constant 0 : i32
          %dma_wait3A_150 = arith.constant 0 : i32
          %dma_wait3A_151 = tpu.memref_slice %arg9[%cond3A_25, %dma_wait3A_149, %dma_wait3A_150] : memref<2x128x128xf32, #tpu.memory_space<vmem>> -> memref<1x128x128xf32, #tpu.memory_space<vmem>>
          %dma_wait3A_152 = tpu.memref_squeeze %dma_wait3A_151 : memref<1x128x128xf32, #tpu.memory_space<vmem>> -> memref<128x128xf32, #tpu.memory_space<vmem>>
          %dma_wait3A_153 = arith.constant 0 : i32
          %dma_wait3A_154 = tpu.memref_slice %arg8[%add3A_114, %dma_wait3A_153] : memref<40x128xi32, #tpu.memory_space<vmem>> -> memref<1x128xi32, #tpu.memory_space<vmem>>
          %dma_wait3A_155 = tpu.memref_squeeze %dma_wait3A_154 : memref<1x128xi32, #tpu.memory_space<vmem>> -> memref<128xi32, #tpu.memory_space<vmem>>
          %dma_wait3A_156 = arith.constant 0 : i32
          %dma_wait3A_157 = arith.constant 0 : i32
          %dma_wait3A_158 = tpu.memref_slice %arg10[%dma_wait3A_156, %dma_wait3A_157] : memref<10112x128xf32, #tpu.memory_space<vmem_shared>> -> memref<10112x128xf32, #tpu.memory_space<vmem_shared>>
          tpu.wait_indirect_dma semaphore(%run_scoped3A : memref<!tpu.dma_semaphore, #tpu.memory_space<semaphore_mem>>) src(%dma_wait3A_152 : memref<128x128xf32, #tpu.memory_space<vmem>>) dst(%dma_wait3A_158 : memref<10112x128xf32, #tpu.memory_space<vmem_shared>>)
          tpu.yield
        }) : () -> ()
        %add3A_125 = arith.constant 2 : i32
        %add3A_126 = arith.addi %add3A_114, %add3A_125 : i32
        %min3A_127 = arith.constant 39 : i32
        %min3A_128 = arith.minsi %add3A_126, %min3A_127 : i32
        %dma_start3A_129 = arith.constant 0 : i32
        %dma_start3A_130 = arith.constant 0 : i32
        %dma_start3A_131 = tpu.memref_slice %arg9[%cond3A_25, %dma_start3A_129, %dma_start3A_130] : memref<2x128x128xf32, #tpu.memory_space<vmem>> -> memref<1x128x128xf32, #tpu.memory_space<vmem>>
        %dma_start3A_132 = tpu.memref_squeeze %dma_start3A_131 : memref<1x128x128xf32, #tpu.memory_space<vmem>> -> memref<128x128xf32, #tpu.memory_space<vmem>>
        %dma_start3A_133 = arith.constant 0 : i32
        %dma_start3A_134 = tpu.memref_slice %arg7[%min3A_128, %dma_start3A_133] : memref<40x128xi32, #tpu.memory_space<vmem>> -> memref<1x128xi32, #tpu.memory_space<vmem>>
        %dma_start3A_135 = tpu.memref_squeeze %dma_start3A_134 : memref<1x128xi32, #tpu.memory_space<vmem>> -> memref<128xi32, #tpu.memory_space<vmem>>
        %dma_start3A_136 = arith.constant 0 : i32
        %dma_start3A_137 = arith.constant 0 : i32
        %dma_start3A_138 = tpu.memref_slice %arg2[%dma_start3A_136, %dma_start3A_137] : memref<10112x128xf32, #tpu.memory_space<hbm>> -> memref<10112x128xf32, #tpu.memory_space<hbm>>
        tpu.enqueue_indirect_dma source(%dma_start3A_138 : memref<10112x128xf32, #tpu.memory_space<hbm>>) target(%dma_start3A_132 : memref<128x128xf32, #tpu.memory_space<vmem>>) offsets(%dma_start3A_135 : memref<128xi32, #tpu.memory_space<vmem>>) semaphore(%arg12 : memref<!tpu.dma_semaphore, #tpu.memory_space<semaphore_mem>>)
      }
      %scan3A_63 = arith.constant 20 : i32
      %dma_wait3A = arith.constant 39 : i32
      %dma_wait3A_64 = arith.constant 0 : i32
      %dma_wait3A_65 = arith.constant 0 : i32
      %dma_wait3A_66 = tpu.memref_slice %arg9[%cond3A, %dma_wait3A_64, %dma_wait3A_65] : memref<2x128x128xf32, #tpu.memory_space<vmem>> -> memref<1x128x128xf32, #tpu.memory_space<vmem>>
      %dma_wait3A_67 = tpu.memref_squeeze %dma_wait3A_66 : memref<1x128x128xf32, #tpu.memory_space<vmem>> -> memref<128x128xf32, #tpu.memory_space<vmem>>
      %dma_wait3A_68 = arith.constant 0 : i32
      %dma_wait3A_69 = tpu.memref_slice %arg7[%dma_wait3A, %dma_wait3A_68] : memref<40x128xi32, #tpu.memory_space<vmem>> -> memref<1x128xi32, #tpu.memory_space<vmem>>
      %dma_wait3A_70 = tpu.memref_squeeze %dma_wait3A_69 : memref<1x128xi32, #tpu.memory_space<vmem>> -> memref<128xi32, #tpu.memory_space<vmem>>
      %dma_wait3A_71 = arith.constant 0 : i32
      %dma_wait3A_72 = arith.constant 0 : i32
      %dma_wait3A_73 = tpu.memref_slice %arg2[%dma_wait3A_71, %dma_wait3A_72] : memref<10112x128xf32, #tpu.memory_space<hbm>> -> memref<10112x128xf32, #tpu.memory_space<hbm>>
      tpu.wait_indirect_dma semaphore(%arg11 : memref<!tpu.dma_semaphore, #tpu.memory_space<semaphore_mem>>) src(%dma_wait3A_73 : memref<10112x128xf32, #tpu.memory_space<hbm>>) dst(%dma_wait3A_67 : memref<128x128xf32, #tpu.memory_space<vmem>>)
      %dma_wait3A_74 = arith.constant 39 : i32
      %dma_wait3A_75 = arith.constant 0 : i32
      %dma_wait3A_76 = arith.constant 0 : i32
      %dma_wait3A_77 = tpu.memref_slice %arg9[%cond3A_25, %dma_wait3A_75, %dma_wait3A_76] : memref<2x128x128xf32, #tpu.memory_space<vmem>> -> memref<1x128x128xf32, #tpu.memory_space<vmem>>
      %dma_wait3A_78 = tpu.memref_squeeze %dma_wait3A_77 : memref<1x128x128xf32, #tpu.memory_space<vmem>> -> memref<128x128xf32, #tpu.memory_space<vmem>>
      %dma_wait3A_79 = arith.constant 0 : i32
      %dma_wait3A_80 = tpu.memref_slice %arg7[%dma_wait3A_74, %dma_wait3A_79] : memref<40x128xi32, #tpu.memory_space<vmem>> -> memref<1x128xi32, #tpu.memory_space<vmem>>
      %dma_wait3A_81 = tpu.memref_squeeze %dma_wait3A_80 : memref<1x128xi32, #tpu.memory_space<vmem>> -> memref<128xi32, #tpu.memory_space<vmem>>
      %dma_wait3A_82 = arith.constant 0 : i32
      %dma_wait3A_83 = arith.constant 0 : i32
      %dma_wait3A_84 = tpu.memref_slice %arg2[%dma_wait3A_82, %dma_wait3A_83] : memref<10112x128xf32, #tpu.memory_space<hbm>> -> memref<10112x128xf32, #tpu.memory_space<hbm>>
      tpu.wait_indirect_dma semaphore(%arg12 : memref<!tpu.dma_semaphore, #tpu.memory_space<semaphore_mem>>) src(%dma_wait3A_84 : memref<10112x128xf32, #tpu.memory_space<hbm>>) dst(%dma_wait3A_78 : memref<128x128xf32, #tpu.memory_space<vmem>>)
    } else {
    }
    %gt3A_28 = arith.constant 1 : i32
    %gt3A_29 = arith.cmpi sgt, %select_n3A_23, %gt3A_28 : i32
    %convert_element_type3A_30 = arith.extui %gt3A_29 : i1 to i32
    %cond3A_31 = arith.constant 0 : i32
    %cond3A_32 = arith.constant 1 : i32
    %cond3A_33 = arith.constant 0 : i32
    %cond3A_34 = arith.cmpi ne, %convert_element_type3A_30, %cond3A_33 : i32
    scf.if %cond3A_34 {
      %add3A_36 = arith.constant 40 : i32
      %add3A_37 = arith.addi %add3A, %add3A_36 : i32
      %multiple_of3A = tpu.assume_multiple %add3A_37, 40 : i32
      "tpu.region"() ({
        %run_scoped3A = tpu.sem_alloc : memref<!tpu.dma_semaphore, #tpu.memory_space<semaphore_mem>>
        %dma_start3A_85 = arith.constant 0 : i32
        %dma_start3A_86 = tpu.memref_slice %arg3[%multiple_of3A, %dma_start3A_85] : memref<2560x128xi32, #tpu.memory_space<hbm>> -> memref<40x128xi32, #tpu.memory_space<hbm>>
        %dma_start3A_87 = arith.constant 0 : i32
        %dma_start3A_88 = tpu.memref_slice %arg3[%multiple_of3A, %dma_start3A_87] : memref<2560x128xi32, #tpu.memory_space<hbm>> -> memref<40x128xi32, #tpu.memory_space<hbm>>
        tpu.enqueue_dma source(%dma_start3A_88 : memref<40x128xi32, #tpu.memory_space<hbm>>) target(%arg7 : memref<40x128xi32, #tpu.memory_space<vmem>>) target_semaphore(%run_scoped3A : memref<!tpu.dma_semaphore, #tpu.memory_space<semaphore_mem>>)
        %dma_wait3A_89 = arith.constant 0 : i32
        %dma_wait3A_90 = tpu.memref_slice %arg3[%multiple_of3A, %dma_wait3A_89] : memref<2560x128xi32, #tpu.memory_space<hbm>> -> memref<40x128xi32, #tpu.memory_space<hbm>>
        %dma_wait3A_91 = arith.constant 0 : i32
        %dma_wait3A_92 = tpu.memref_slice %arg3[%multiple_of3A, %dma_wait3A_91] : memref<2560x128xi32, #tpu.memory_space<hbm>> -> memref<40x128xi32, #tpu.memory_space<hbm>>
        tpu.wait_dma2 semaphore(%run_scoped3A : memref<!tpu.dma_semaphore, #tpu.memory_space<semaphore_mem>>) src(%dma_wait3A_92 : memref<40x128xi32, #tpu.memory_space<hbm>>) dst(%arg7 : memref<40x128xi32, #tpu.memory_space<vmem>>)
        tpu.yield
      }) : () -> ()
      "tpu.region"() ({
        %run_scoped3A = tpu.sem_alloc : memref<!tpu.dma_semaphore, #tpu.memory_space<semaphore_mem>>
        %dma_start3A_85 = arith.constant 0 : i32
        %dma_start3A_86 = tpu.memref_slice %arg4[%multiple_of3A, %dma_start3A_85] : memref<2560x128xi32, #tpu.memory_space<hbm>> -> memref<40x128xi32, #tpu.memory_space<hbm>>
        %dma_start3A_87 = arith.constant 0 : i32
        %dma_start3A_88 = tpu.memref_slice %arg4[%multiple_of3A, %dma_start3A_87] : memref<2560x128xi32, #tpu.memory_space<hbm>> -> memref<40x128xi32, #tpu.memory_space<hbm>>
        tpu.enqueue_dma source(%dma_start3A_88 : memref<40x128xi32, #tpu.memory_space<hbm>>) target(%arg8 : memref<40x128xi32, #tpu.memory_space<vmem>>) target_semaphore(%run_scoped3A : memref<!tpu.dma_semaphore, #tpu.memory_space<semaphore_mem>>)
        %dma_wait3A_89 = arith.constant 0 : i32
        %dma_wait3A_90 = tpu.memref_slice %arg4[%multiple_of3A, %dma_wait3A_89] : memref<2560x128xi32, #tpu.memory_space<hbm>> -> memref<40x128xi32, #tpu.memory_space<hbm>>
        %dma_wait3A_91 = arith.constant 0 : i32
        %dma_wait3A_92 = tpu.memref_slice %arg4[%multiple_of3A, %dma_wait3A_91] : memref<2560x128xi32, #tpu.memory_space<hbm>> -> memref<40x128xi32, #tpu.memory_space<hbm>>
        tpu.wait_dma2 semaphore(%run_scoped3A : memref<!tpu.dma_semaphore, #tpu.memory_space<semaphore_mem>>) src(%dma_wait3A_92 : memref<40x128xi32, #tpu.memory_space<hbm>>) dst(%arg8 : memref<40x128xi32, #tpu.memory_space<vmem>>)
        tpu.yield
      }) : () -> ()
      %dma_start3A = arith.constant 0 : i32
      %dma_start3A_38 = arith.constant 0 : i32
      %dma_start3A_39 = arith.constant 0 : i32
      %dma_start3A_40 = tpu.memref_slice %arg9[%cond3A_31, %dma_start3A_38, %dma_start3A_39] : memref<2x128x128xf32, #tpu.memory_space<vmem>> -> memref<1x128x128xf32, #tpu.memory_space<vmem>>
      %dma_start3A_41 = tpu.memref_squeeze %dma_start3A_40 : memref<1x128x128xf32, #tpu.memory_space<vmem>> -> memref<128x128xf32, #tpu.memory_space<vmem>>
      %dma_start3A_42 = arith.constant 0 : i32
      %dma_start3A_43 = tpu.memref_slice %arg7[%dma_start3A, %dma_start3A_42] : memref<40x128xi32, #tpu.memory_space<vmem>> -> memref<1x128xi32, #tpu.memory_space<vmem>>
      %dma_start3A_44 = tpu.memref_squeeze %dma_start3A_43 : memref<1x128xi32, #tpu.memory_space<vmem>> -> memref<128xi32, #tpu.memory_space<vmem>>
      %dma_start3A_45 = arith.constant 0 : i32
      %dma_start3A_46 = arith.constant 0 : i32
      %dma_start3A_47 = tpu.memref_slice %arg2[%dma_start3A_45, %dma_start3A_46] : memref<10112x128xf32, #tpu.memory_space<hbm>> -> memref<10112x128xf32, #tpu.memory_space<hbm>>
      tpu.enqueue_indirect_dma source(%dma_start3A_47 : memref<10112x128xf32, #tpu.memory_space<hbm>>) target(%dma_start3A_41 : memref<128x128xf32, #tpu.memory_space<vmem>>) offsets(%dma_start3A_44 : memref<128xi32, #tpu.memory_space<vmem>>) semaphore(%arg11 : memref<!tpu.dma_semaphore, #tpu.memory_space<semaphore_mem>>)
      %dma_start3A_48 = arith.constant 1 : i32
      %dma_start3A_49 = arith.constant 0 : i32
      %dma_start3A_50 = arith.constant 0 : i32
      %dma_start3A_51 = tpu.memref_slice %arg9[%cond3A_32, %dma_start3A_49, %dma_start3A_50] : memref<2x128x128xf32, #tpu.memory_space<vmem>> -> memref<1x128x128xf32, #tpu.memory_space<vmem>>
      %dma_start3A_52 = tpu.memref_squeeze %dma_start3A_51 : memref<1x128x128xf32, #tpu.memory_space<vmem>> -> memref<128x128xf32, #tpu.memory_space<vmem>>
      %dma_start3A_53 = arith.constant 0 : i32
      %dma_start3A_54 = tpu.memref_slice %arg7[%dma_start3A_48, %dma_start3A_53] : memref<40x128xi32, #tpu.memory_space<vmem>> -> memref<1x128xi32, #tpu.memory_space<vmem>>
      %dma_start3A_55 = tpu.memref_squeeze %dma_start3A_54 : memref<1x128xi32, #tpu.memory_space<vmem>> -> memref<128xi32, #tpu.memory_space<vmem>>
      %dma_start3A_56 = arith.constant 0 : i32
      %dma_start3A_57 = arith.constant 0 : i32
      %dma_start3A_58 = tpu.memref_slice %arg2[%dma_start3A_56, %dma_start3A_57] : memref<10112x128xf32, #tpu.memory_space<hbm>> -> memref<10112x128xf32, #tpu.memory_space<hbm>>
      tpu.enqueue_indirect_dma source(%dma_start3A_58 : memref<10112x128xf32, #tpu.memory_space<hbm>>) target(%dma_start3A_52 : memref<128x128xf32, #tpu.memory_space<vmem>>) offsets(%dma_start3A_55 : memref<128xi32, #tpu.memory_space<vmem>>) semaphore(%arg12 : memref<!tpu.dma_semaphore, #tpu.memory_space<semaphore_mem>>)
      %scan3A = arith.constant 0 : i32
      %scan3A_59 = arith.constant 0 : i32
      %scan3A_60 = arith.constant 20 : i32
      %scan3A_61 = arith.addi %scan3A_59, %scan3A_60 : i32
      %scan3A_62 = arith.constant 1 : i32
      scf.for %scan3A_85 = %scan3A_59 to %scan3A_61 step %scan3A_62  : i32 {
        %mul3A_86 = arith.constant 2 : i32
        %mul3A_87 = arith.muli %scan3A_85, %mul3A_86 : i32
        %add3A_88 = arith.constant 0 : i32
        %add3A_89 = arith.addi %mul3A_87, %add3A_88 : i32
        %dma_wait3A_90 = arith.constant 0 : i32
        %dma_wait3A_91 = arith.constant 0 : i32
        %dma_wait3A_92 = tpu.memref_slice %arg9[%cond3A_31, %dma_wait3A_90, %dma_wait3A_91] : memref<2x128x128xf32, #tpu.memory_space<vmem>> -> memref<1x128x128xf32, #tpu.memory_space<vmem>>
        %dma_wait3A_93 = tpu.memref_squeeze %dma_wait3A_92 : memref<1x128x128xf32, #tpu.memory_space<vmem>> -> memref<128x128xf32, #tpu.memory_space<vmem>>
        %dma_wait3A_94 = arith.constant 0 : i32
        %dma_wait3A_95 = tpu.memref_slice %arg7[%add3A_89, %dma_wait3A_94] : memref<40x128xi32, #tpu.memory_space<vmem>> -> memref<1x128xi32, #tpu.memory_space<vmem>>
        %dma_wait3A_96 = tpu.memref_squeeze %dma_wait3A_95 : memref<1x128xi32, #tpu.memory_space<vmem>> -> memref<128xi32, #tpu.memory_space<vmem>>
        %dma_wait3A_97 = arith.constant 0 : i32
        %dma_wait3A_98 = arith.constant 0 : i32
        %dma_wait3A_99 = tpu.memref_slice %arg2[%dma_wait3A_97, %dma_wait3A_98] : memref<10112x128xf32, #tpu.memory_space<hbm>> -> memref<10112x128xf32, #tpu.memory_space<hbm>>
        tpu.wait_indirect_dma semaphore(%arg11 : memref<!tpu.dma_semaphore, #tpu.memory_space<semaphore_mem>>) src(%dma_wait3A_99 : memref<10112x128xf32, #tpu.memory_space<hbm>>) dst(%dma_wait3A_93 : memref<128x128xf32, #tpu.memory_space<vmem>>)
        "tpu.region"() ({
          %run_scoped3A = tpu.sem_alloc : memref<!tpu.dma_semaphore, #tpu.memory_space<semaphore_mem>>
          %dma_start3A_139 = arith.constant 0 : i32
          %dma_start3A_140 = arith.constant 0 : i32
          %dma_start3A_141 = tpu.memref_slice %arg9[%cond3A_31, %dma_start3A_139, %dma_start3A_140] : memref<2x128x128xf32, #tpu.memory_space<vmem>> -> memref<1x128x128xf32, #tpu.memory_space<vmem>>
          %dma_start3A_142 = tpu.memref_squeeze %dma_start3A_141 : memref<1x128x128xf32, #tpu.memory_space<vmem>> -> memref<128x128xf32, #tpu.memory_space<vmem>>
          %dma_start3A_143 = arith.constant 0 : i32
          %dma_start3A_144 = tpu.memref_slice %arg8[%add3A_89, %dma_start3A_143] : memref<40x128xi32, #tpu.memory_space<vmem>> -> memref<1x128xi32, #tpu.memory_space<vmem>>
          %dma_start3A_145 = tpu.memref_squeeze %dma_start3A_144 : memref<1x128xi32, #tpu.memory_space<vmem>> -> memref<128xi32, #tpu.memory_space<vmem>>
          %dma_start3A_146 = arith.constant 0 : i32
          %dma_start3A_147 = arith.constant 0 : i32
          %dma_start3A_148 = tpu.memref_slice %arg10[%dma_start3A_146, %dma_start3A_147] : memref<10112x128xf32, #tpu.memory_space<vmem_shared>> -> memref<10112x128xf32, #tpu.memory_space<vmem_shared>>
          tpu.enqueue_indirect_dma source(%dma_start3A_142 : memref<128x128xf32, #tpu.memory_space<vmem>>) target(%dma_start3A_148 : memref<10112x128xf32, #tpu.memory_space<vmem_shared>>) offsets(%dma_start3A_145 : memref<128xi32, #tpu.memory_space<vmem>>) semaphore(%run_scoped3A : memref<!tpu.dma_semaphore, #tpu.memory_space<semaphore_mem>>) {add = true}
          %dma_wait3A_149 = arith.constant 0 : i32
          %dma_wait3A_150 = arith.constant 0 : i32
          %dma_wait3A_151 = tpu.memref_slice %arg9[%cond3A_31, %dma_wait3A_149, %dma_wait3A_150] : memref<2x128x128xf32, #tpu.memory_space<vmem>> -> memref<1x128x128xf32, #tpu.memory_space<vmem>>
          %dma_wait3A_152 = tpu.memref_squeeze %dma_wait3A_151 : memref<1x128x128xf32, #tpu.memory_space<vmem>> -> memref<128x128xf32, #tpu.memory_space<vmem>>
          %dma_wait3A_153 = arith.constant 0 : i32
          %dma_wait3A_154 = tpu.memref_slice %arg8[%add3A_89, %dma_wait3A_153] : memref<40x128xi32, #tpu.memory_space<vmem>> -> memref<1x128xi32, #tpu.memory_space<vmem>>
          %dma_wait3A_155 = tpu.memref_squeeze %dma_wait3A_154 : memref<1x128xi32, #tpu.memory_space<vmem>> -> memref<128xi32, #tpu.memory_space<vmem>>
          %dma_wait3A_156 = arith.constant 0 : i32
          %dma_wait3A_157 = arith.constant 0 : i32
          %dma_wait3A_158 = tpu.memref_slice %arg10[%dma_wait3A_156, %dma_wait3A_157] : memref<10112x128xf32, #tpu.memory_space<vmem_shared>> -> memref<10112x128xf32, #tpu.memory_space<vmem_shared>>
          tpu.wait_indirect_dma semaphore(%run_scoped3A : memref<!tpu.dma_semaphore, #tpu.memory_space<semaphore_mem>>) src(%dma_wait3A_152 : memref<128x128xf32, #tpu.memory_space<vmem>>) dst(%dma_wait3A_158 : memref<10112x128xf32, #tpu.memory_space<vmem_shared>>)
          tpu.yield
        }) : () -> ()
        %add3A_100 = arith.constant 2 : i32
        %add3A_101 = arith.addi %add3A_89, %add3A_100 : i32
        %min3A = arith.constant 39 : i32
        %min3A_102 = arith.minsi %add3A_101, %min3A : i32
        %dma_start3A_103 = arith.constant 0 : i32
        %dma_start3A_104 = arith.constant 0 : i32
        %dma_start3A_105 = tpu.memref_slice %arg9[%cond3A_31, %dma_start3A_103, %dma_start3A_104] : memref<2x128x128xf32, #tpu.memory_space<vmem>> -> memref<1x128x128xf32, #tpu.memory_space<vmem>>
        %dma_start3A_106 = tpu.memref_squeeze %dma_start3A_105 : memref<1x128x128xf32, #tpu.memory_space<vmem>> -> memref<128x128xf32, #tpu.memory_space<vmem>>
        %dma_start3A_107 = arith.constant 0 : i32
        %dma_start3A_108 = tpu.memref_slice %arg7[%min3A_102, %dma_start3A_107] : memref<40x128xi32, #tpu.memory_space<vmem>> -> memref<1x128xi32, #tpu.memory_space<vmem>>
        %dma_start3A_109 = tpu.memref_squeeze %dma_start3A_108 : memref<1x128xi32, #tpu.memory_space<vmem>> -> memref<128xi32, #tpu.memory_space<vmem>>
        %dma_start3A_110 = arith.constant 0 : i32
        %dma_start3A_111 = arith.constant 0 : i32
        %dma_start3A_112 = tpu.memref_slice %arg2[%dma_start3A_110, %dma_start3A_111] : memref<10112x128xf32, #tpu.memory_space<hbm>> -> memref<10112x128xf32, #tpu.memory_space<hbm>>
        tpu.enqueue_indirect_dma source(%dma_start3A_112 : memref<10112x128xf32, #tpu.memory_space<hbm>>) target(%dma_start3A_106 : memref<128x128xf32, #tpu.memory_space<vmem>>) offsets(%dma_start3A_109 : memref<128xi32, #tpu.memory_space<vmem>>) semaphore(%arg11 : memref<!tpu.dma_semaphore, #tpu.memory_space<semaphore_mem>>)
        %add3A_113 = arith.constant 1 : i32
        %add3A_114 = arith.addi %mul3A_87, %add3A_113 : i32
        %dma_wait3A_115 = arith.constant 0 : i32
        %dma_wait3A_116 = arith.constant 0 : i32
        %dma_wait3A_117 = tpu.memref_slice %arg9[%cond3A_32, %dma_wait3A_115, %dma_wait3A_116] : memref<2x128x128xf32, #tpu.memory_space<vmem>> -> memref<1x128x128xf32, #tpu.memory_space<vmem>>
        %dma_wait3A_118 = tpu.memref_squeeze %dma_wait3A_117 : memref<1x128x128xf32, #tpu.memory_space<vmem>> -> memref<128x128xf32, #tpu.memory_space<vmem>>
        %dma_wait3A_119 = arith.constant 0 : i32
        %dma_wait3A_120 = tpu.memref_slice %arg7[%add3A_114, %dma_wait3A_119] : memref<40x128xi32, #tpu.memory_space<vmem>> -> memref<1x128xi32, #tpu.memory_space<vmem>>
        %dma_wait3A_121 = tpu.memref_squeeze %dma_wait3A_120 : memref<1x128xi32, #tpu.memory_space<vmem>> -> memref<128xi32, #tpu.memory_space<vmem>>
        %dma_wait3A_122 = arith.constant 0 : i32
        %dma_wait3A_123 = arith.constant 0 : i32
        %dma_wait3A_124 = tpu.memref_slice %arg2[%dma_wait3A_122, %dma_wait3A_123] : memref<10112x128xf32, #tpu.memory_space<hbm>> -> memref<10112x128xf32, #tpu.memory_space<hbm>>
        tpu.wait_indirect_dma semaphore(%arg12 : memref<!tpu.dma_semaphore, #tpu.memory_space<semaphore_mem>>) src(%dma_wait3A_124 : memref<10112x128xf32, #tpu.memory_space<hbm>>) dst(%dma_wait3A_118 : memref<128x128xf32, #tpu.memory_space<vmem>>)
        "tpu.region"() ({
          %run_scoped3A = tpu.sem_alloc : memref<!tpu.dma_semaphore, #tpu.memory_space<semaphore_mem>>
          %dma_start3A_139 = arith.constant 0 : i32
          %dma_start3A_140 = arith.constant 0 : i32
          %dma_start3A_141 = tpu.memref_slice %arg9[%cond3A_32, %dma_start3A_139, %dma_start3A_140] : memref<2x128x128xf32, #tpu.memory_space<vmem>> -> memref<1x128x128xf32, #tpu.memory_space<vmem>>
          %dma_start3A_142 = tpu.memref_squeeze %dma_start3A_141 : memref<1x128x128xf32, #tpu.memory_space<vmem>> -> memref<128x128xf32, #tpu.memory_space<vmem>>
          %dma_start3A_143 = arith.constant 0 : i32
          %dma_start3A_144 = tpu.memref_slice %arg8[%add3A_114, %dma_start3A_143] : memref<40x128xi32, #tpu.memory_space<vmem>> -> memref<1x128xi32, #tpu.memory_space<vmem>>
          %dma_start3A_145 = tpu.memref_squeeze %dma_start3A_144 : memref<1x128xi32, #tpu.memory_space<vmem>> -> memref<128xi32, #tpu.memory_space<vmem>>
          %dma_start3A_146 = arith.constant 0 : i32
          %dma_start3A_147 = arith.constant 0 : i32
          %dma_start3A_148 = tpu.memref_slice %arg10[%dma_start3A_146, %dma_start3A_147] : memref<10112x128xf32, #tpu.memory_space<vmem_shared>> -> memref<10112x128xf32, #tpu.memory_space<vmem_shared>>
          tpu.enqueue_indirect_dma source(%dma_start3A_142 : memref<128x128xf32, #tpu.memory_space<vmem>>) target(%dma_start3A_148 : memref<10112x128xf32, #tpu.memory_space<vmem_shared>>) offsets(%dma_start3A_145 : memref<128xi32, #tpu.memory_space<vmem>>) semaphore(%run_scoped3A : memref<!tpu.dma_semaphore, #tpu.memory_space<semaphore_mem>>) {add = true}
          %dma_wait3A_149 = arith.constant 0 : i32
          %dma_wait3A_150 = arith.constant 0 : i32
          %dma_wait3A_151 = tpu.memref_slice %arg9[%cond3A_32, %dma_wait3A_149, %dma_wait3A_150] : memref<2x128x128xf32, #tpu.memory_space<vmem>> -> memref<1x128x128xf32, #tpu.memory_space<vmem>>
          %dma_wait3A_152 = tpu.memref_squeeze %dma_wait3A_151 : memref<1x128x128xf32, #tpu.memory_space<vmem>> -> memref<128x128xf32, #tpu.memory_space<vmem>>
          %dma_wait3A_153 = arith.constant 0 : i32
          %dma_wait3A_154 = tpu.memref_slice %arg8[%add3A_114, %dma_wait3A_153] : memref<40x128xi32, #tpu.memory_space<vmem>> -> memref<1x128xi32, #tpu.memory_space<vmem>>
          %dma_wait3A_155 = tpu.memref_squeeze %dma_wait3A_154 : memref<1x128xi32, #tpu.memory_space<vmem>> -> memref<128xi32, #tpu.memory_space<vmem>>
          %dma_wait3A_156 = arith.constant 0 : i32
          %dma_wait3A_157 = arith.constant 0 : i32
          %dma_wait3A_158 = tpu.memref_slice %arg10[%dma_wait3A_156, %dma_wait3A_157] : memref<10112x128xf32, #tpu.memory_space<vmem_shared>> -> memref<10112x128xf32, #tpu.memory_space<vmem_shared>>
          tpu.wait_indirect_dma semaphore(%run_scoped3A : memref<!tpu.dma_semaphore, #tpu.memory_space<semaphore_mem>>) src(%dma_wait3A_152 : memref<128x128xf32, #tpu.memory_space<vmem>>) dst(%dma_wait3A_158 : memref<10112x128xf32, #tpu.memory_space<vmem_shared>>)
          tpu.yield
        }) : () -> ()
        %add3A_125 = arith.constant 2 : i32
        %add3A_126 = arith.addi %add3A_114, %add3A_125 : i32
        %min3A_127 = arith.constant 39 : i32
        %min3A_128 = arith.minsi %add3A_126, %min3A_127 : i32
        %dma_start3A_129 = arith.constant 0 : i32
        %dma_start3A_130 = arith.constant 0 : i32
        %dma_start3A_131 = tpu.memref_slice %arg9[%cond3A_32, %dma_start3A_129, %dma_start3A_130] : memref<2x128x128xf32, #tpu.memory_space<vmem>> -> memref<1x128x128xf32, #tpu.memory_space<vmem>>
        %dma_start3A_132 = tpu.memref_squeeze %dma_start3A_131 : memref<1x128x128xf32, #tpu.memory_space<vmem>> -> memref<128x128xf32, #tpu.memory_space<vmem>>
        %dma_start3A_133 = arith.constant 0 : i32
        %dma_start3A_134 = tpu.memref_slice %arg7[%min3A_128, %dma_start3A_133] : memref<40x128xi32, #tpu.memory_space<vmem>> -> memref<1x128xi32, #tpu.memory_space<vmem>>
        %dma_start3A_135 = tpu.memref_squeeze %dma_start3A_134 : memref<1x128xi32, #tpu.memory_space<vmem>> -> memref<128xi32, #tpu.memory_space<vmem>>
        %dma_start3A_136 = arith.constant 0 : i32
        %dma_start3A_137 = arith.constant 0 : i32
        %dma_start3A_138 = tpu.memref_slice %arg2[%dma_start3A_136, %dma_start3A_137] : memref<10112x128xf32, #tpu.memory_space<hbm>> -> memref<10112x128xf32, #tpu.memory_space<hbm>>
        tpu.enqueue_indirect_dma source(%dma_start3A_138 : memref<10112x128xf32, #tpu.memory_space<hbm>>) target(%dma_start3A_132 : memref<128x128xf32, #tpu.memory_space<vmem>>) offsets(%dma_start3A_135 : memref<128xi32, #tpu.memory_space<vmem>>) semaphore(%arg12 : memref<!tpu.dma_semaphore, #tpu.memory_space<semaphore_mem>>)
      }
      %scan3A_63 = arith.constant 20 : i32
      %dma_wait3A = arith.constant 39 : i32
      %dma_wait3A_64 = arith.constant 0 : i32
      %dma_wait3A_65 = arith.constant 0 : i32
      %dma_wait3A_66 = tpu.memref_slice %arg9[%cond3A_31, %dma_wait3A_64, %dma_wait3A_65] : memref<2x128x128xf32, #tpu.memory_space<vmem>> -> memref<1x128x128xf32, #tpu.memory_space<vmem>>
      %dma_wait3A_67 = tpu.memref_squeeze %dma_wait3A_66 : memref<1x128x128xf32, #tpu.memory_space<vmem>> -> memref<128x128xf32, #tpu.memory_space<vmem>>
      %dma_wait3A_68 = arith.constant 0 : i32
      %dma_wait3A_69 = tpu.memref_slice %arg7[%dma_wait3A, %dma_wait3A_68] : memref<40x128xi32, #tpu.memory_space<vmem>> -> memref<1x128xi32, #tpu.memory_space<vmem>>
      %dma_wait3A_70 = tpu.memref_squeeze %dma_wait3A_69 : memref<1x128xi32, #tpu.memory_space<vmem>> -> memref<128xi32, #tpu.memory_space<vmem>>
      %dma_wait3A_71 = arith.constant 0 : i32
      %dma_wait3A_72 = arith.constant 0 : i32
      %dma_wait3A_73 = tpu.memref_slice %arg2[%dma_wait3A_71, %dma_wait3A_72] : memref<10112x128xf32, #tpu.memory_space<hbm>> -> memref<10112x128xf32, #tpu.memory_space<hbm>>
      tpu.wait_indirect_dma semaphore(%arg11 : memref<!tpu.dma_semaphore, #tpu.memory_space<semaphore_mem>>) src(%dma_wait3A_73 : memref<10112x128xf32, #tpu.memory_space<hbm>>) dst(%dma_wait3A_67 : memref<128x128xf32, #tpu.memory_space<vmem>>)
      %dma_wait3A_74 = arith.constant 39 : i32
      %dma_wait3A_75 = arith.constant 0 : i32
      %dma_wait3A_76 = arith.constant 0 : i32
      %dma_wait3A_77 = tpu.memref_slice %arg9[%cond3A_32, %dma_wait3A_75, %dma_wait3A_76] : memref<2x128x128xf32, #tpu.memory_space<vmem>> -> memref<1x128x128xf32, #tpu.memory_space<vmem>>
      %dma_wait3A_78 = tpu.memref_squeeze %dma_wait3A_77 : memref<1x128x128xf32, #tpu.memory_space<vmem>> -> memref<128x128xf32, #tpu.memory_space<vmem>>
      %dma_wait3A_79 = arith.constant 0 : i32
      %dma_wait3A_80 = tpu.memref_slice %arg7[%dma_wait3A_74, %dma_wait3A_79] : memref<40x128xi32, #tpu.memory_space<vmem>> -> memref<1x128xi32, #tpu.memory_space<vmem>>
      %dma_wait3A_81 = tpu.memref_squeeze %dma_wait3A_80 : memref<1x128xi32, #tpu.memory_space<vmem>> -> memref<128xi32, #tpu.memory_space<vmem>>
      %dma_wait3A_82 = arith.constant 0 : i32
      %dma_wait3A_83 = arith.constant 0 : i32
      %dma_wait3A_84 = tpu.memref_slice %arg2[%dma_wait3A_82, %dma_wait3A_83] : memref<10112x128xf32, #tpu.memory_space<hbm>> -> memref<10112x128xf32, #tpu.memory_space<hbm>>
      tpu.wait_indirect_dma semaphore(%arg12 : memref<!tpu.dma_semaphore, #tpu.memory_space<semaphore_mem>>) src(%dma_wait3A_84 : memref<10112x128xf32, #tpu.memory_space<hbm>>) dst(%dma_wait3A_78 : memref<128x128xf32, #tpu.memory_space<vmem>>)
    } else {
    }
    %barrier3A_35 = arith.constant 0 : index
    tpu.barrier barrier_id(%barrier3A_35)
    "tpu.region"() ({
      %run_scoped3A = tpu.sem_alloc : memref<!tpu.dma_semaphore, #tpu.memory_space<semaphore_mem>>
      %dma_start3A = arith.constant 0 : i32
      %dma_start3A_36 = tpu.memref_slice %arg6[%arg0, %mul3A_0, %dma_start3A] : memref<2x10112x128xf32, #tpu.memory_space<hbm>> -> memref<1x632x128xf32, #tpu.memory_space<hbm>>
      %dma_start3A_37 = tpu.memref_squeeze %dma_start3A_36 : memref<1x632x128xf32, #tpu.memory_space<hbm>> -> memref<632x128xf32, #tpu.memory_space<hbm>>
      %dma_start3A_38 = arith.constant 0 : i32
      %dma_start3A_39 = tpu.memref_slice %arg10[%mul3A_0, %dma_start3A_38] : memref<10112x128xf32, #tpu.memory_space<vmem_shared>> -> memref<632x128xf32, #tpu.memory_space<vmem_shared>>
      tpu.enqueue_dma source(%dma_start3A_39 : memref<632x128xf32, #tpu.memory_space<vmem_shared>>) target(%dma_start3A_37 : memref<632x128xf32, #tpu.memory_space<hbm>>) target_semaphore(%run_scoped3A : memref<!tpu.dma_semaphore, #tpu.memory_space<semaphore_mem>>)
      %dma_wait3A = arith.constant 0 : i32
      %dma_wait3A_40 = tpu.memref_slice %arg6[%arg0, %mul3A_0, %dma_wait3A] : memref<2x10112x128xf32, #tpu.memory_space<hbm>> -> memref<1x632x128xf32, #tpu.memory_space<hbm>>
      %dma_wait3A_41 = tpu.memref_squeeze %dma_wait3A_40 : memref<1x632x128xf32, #tpu.memory_space<hbm>> -> memref<632x128xf32, #tpu.memory_space<hbm>>
      %dma_wait3A_42 = arith.constant 0 : i32
      %dma_wait3A_43 = tpu.memref_slice %arg10[%mul3A_0, %dma_wait3A_42] : memref<10112x128xf32, #tpu.memory_space<vmem_shared>> -> memref<632x128xf32, #tpu.memory_space<vmem_shared>>
      tpu.wait_dma2 semaphore(%run_scoped3A : memref<!tpu.dma_semaphore, #tpu.memory_space<semaphore_mem>>) src(%dma_wait3A_43 : memref<632x128xf32, #tpu.memory_space<vmem_shared>>) dst(%dma_wait3A_41 : memref<632x128xf32, #tpu.memory_space<hbm>>)
      tpu.yield
    }) : () -> ()
    return
  }
}

#map = affine_map<(d0, d1) -> (0, 0)>
#map1 = affine_map<(d0, d1) -> (0, 0, 0)>
module attributes {stable_mosaic.version = 14 : i64} {
  func.func @_sc_scatter(%arg0: i32, %arg1: i32, %arg2: memref<10112x128xf32, #tpu.memory_space<hbm>>, %arg3: memref<2560x128xi32, #tpu.memory_space<hbm>>, %arg4: memref<2560x128xi32, #tpu.memory_space<hbm>>, %arg5: memref<10112x128xf32, #tpu.memory_space<hbm>>, %arg6: memref<2x10112x128xf32, #tpu.memory_space<hbm>>, %arg7: memref<40x128xi32, #tpu.memory_space<vmem>>, %arg8: memref<40x128xi32, #tpu.memory_space<vmem>>, %arg9: memref<2x128x128xf32, #tpu.memory_space<vmem>>, %arg10: memref<10112x128xf32, #tpu.memory_space<vmem_shared>>, %arg11: memref<!tpu.dma_semaphore, #tpu.memory_space<semaphore_mem>>, %arg12: memref<!tpu.dma_semaphore, #tpu.memory_space<semaphore_mem>>) attributes {dimension_semantics = [#tpu.dimension_semantics<core_parallel>, #tpu.dimension_semantics<subcore_parallel>], iteration_bounds = array<i64: 2, 16>, scalar_prefetch = 0 : i64, scratch_operands = 6 : i64, tpu.core_type = #tpu.core_type<sc_vector_subcore>, window_params = [{transform_indices = #map}, {transform_indices = #map}, {transform_indices = #map}, {transform_indices = #map}, {transform_indices = #map1}]} {
    %mul3A = arith.constant 632 : i32
    %mul3A_0 = arith.muli %arg1, %mul3A : i32
    "tpu.region"() ({
      %run_scoped3A = tpu.sem_alloc : memref<!tpu.dma_semaphore, #tpu.memory_space<semaphore_mem>>
      %dma_start3A = arith.constant 0 : i32
      %dma_start3A_36 = tpu.memref_slice %arg10[%mul3A_0, %dma_start3A] : memref<10112x128xf32, #tpu.memory_space<vmem_shared>> -> memref<632x128xf32, #tpu.memory_space<vmem_shared>>
      %dma_start3A_37 = arith.constant 0 : i32
      %dma_start3A_38 = tpu.memref_slice %arg5[%mul3A_0, %dma_start3A_37] : memref<10112x128xf32, #tpu.memory_space<hbm>> -> memref<632x128xf32, #tpu.memory_space<hbm>>
      tpu.enqueue_dma source(%dma_start3A_38 : memref<632x128xf32, #tpu.memory_space<hbm>>) target(%dma_start3A_36 : memref<632x128xf32, #tpu.memory_space<vmem_shared>>) target_semaphore(%run_scoped3A : memref<!tpu.dma_semaphore, #tpu.memory_space<semaphore_mem>>)
      %dma_wait3A = arith.constant 0 : i32
      %dma_wait3A_39 = tpu.memref_slice %arg10[%mul3A_0, %dma_wait3A] : memref<10112x128xf32, #tpu.memory_space<vmem_shared>> -> memref<632x128xf32, #tpu.memory_space<vmem_shared>>
      %dma_wait3A_40 = arith.constant 0 : i32
      %dma_wait3A_41 = tpu.memref_slice %arg5[%mul3A_0, %dma_wait3A_40] : memref<10112x128xf32, #tpu.memory_space<hbm>> -> memref<632x128xf32, #tpu.memory_space<hbm>>
      tpu.wait_dma2 semaphore(%run_scoped3A : memref<!tpu.dma_semaphore, #tpu.memory_space<semaphore_mem>>) src(%dma_wait3A_41 : memref<632x128xf32, #tpu.memory_space<hbm>>) dst(%dma_wait3A_39 : memref<632x128xf32, #tpu.memory_space<vmem_shared>>)
      tpu.yield
    }) : () -> ()
    %barrier3A = arith.constant 0 : index
    tpu.barrier barrier_id(%barrier3A)
    %eq3A = arith.constant 0 : i32
    %eq3A_1 = arith.cmpi eq, %arg0, %eq3A : i32
    %jit3A = arith.constant 80 : i32
    %jit3A_2 = arith.constant 80 : i32
    %select_n3A = arith.select %eq3A_1, %jit3A, %jit3A_2 : i32
    %mul3A_3 = arith.constant 1280 : i32
    %mul3A_4 = arith.muli %arg0, %mul3A_3 : i32
    %mul3A_5 = arith.muli %arg1, %select_n3A : i32
    %add3A = arith.addi %mul3A_4, %mul3A_5 : i32
    %jit3A_6 = arith.constant 40 : i32
    %div3A = arith.divsi %select_n3A, %jit3A_6 : i32
    %sign3A = arith.constant 0 : i32
    %sign3A_7 = arith.cmpi sgt, %select_n3A, %sign3A : i32
    %sign3A_8 = arith.extui %sign3A_7 : i1 to i32
    %sign3A_9 = arith.constant 0 : i32
    %sign3A_10 = arith.cmpi slt, %select_n3A, %sign3A_9 : i32
    %sign3A_11 = arith.extui %sign3A_10 : i1 to i32
    %sign3A_12 = arith.subi %sign3A_8, %sign3A_11 : i32
    %sign3A_13 = arith.constant 0 : i32
    %sign3A_14 = arith.cmpi sgt, %jit3A_6, %sign3A_13 : i32
    %sign3A_15 = arith.extui %sign3A_14 : i1 to i32
    %sign3A_16 = arith.constant 0 : i32
    %sign3A_17 = arith.cmpi slt, %jit3A_6, %sign3A_16 : i32
    %sign3A_18 = arith.extui %sign3A_17 : i1 to i32
    %sign3A_19 = arith.subi %sign3A_15, %sign3A_18 : i32
    %ne3A = arith.cmpi ne, %sign3A_12, %sign3A_19 : i32
    %rem3A = arith.remsi %select_n3A, %jit3A_6 : i32
    %ne3A_20 = arith.constant 0 : i32
    %ne3A_21 = arith.cmpi ne, %rem3A, %ne3A_20 : i32
    %and3A = arith.andi %ne3A, %ne3A_21 : i1
    %sub3A = arith.constant 1 : i32
    %sub3A_22 = arith.subi %div3A, %sub3A : i32
    %select_n3A_23 = arith.select %and3A, %sub3A_22, %div3A : i32
    %gt3A = arith.constant 0 : i32
    %gt3A_24 = arith.cmpi sgt, %select_n3A_23, %gt3A : i32
    %convert_element_type3A = arith.extui %gt3A_24 : i1 to i32
    %cond3A = arith.constant 0 : i32
    %cond3A_25 = arith.constant 1 : i32
    %cond3A_26 = arith.constant 0 : i32
    %cond3A_27 = arith.cmpi ne, %convert_element_type3A, %cond3A_26 : i32
    scf.if %cond3A_27 {
      %add3A_36 = arith.constant 0 : i32
      %add3A_37 = arith.addi %add3A, %add3A_36 : i32
      %multiple_of3A = tpu.assume_multiple %add3A_37, 40 : i32
      "tpu.region"() ({
        %run_scoped3A = tpu.sem_alloc : memref<!tpu.dma_semaphore, #tpu.memory_space<semaphore_mem>>
        %dma_start3A_85 = arith.constant 0 : i32
        %dma_start3A_86 = tpu.memref_slice %arg3[%multiple_of3A, %dma_start3A_85] : memref<2560x128xi32, #tpu.memory_space<hbm>> -> memref<40x128xi32, #tpu.memory_space<hbm>>
        %dma_start3A_87 = arith.constant 0 : i32
        %dma_start3A_88 = tpu.memref_slice %arg3[%multiple_of3A, %dma_start3A_87] : memref<2560x128xi32, #tpu.memory_space<hbm>> -> memref<40x128xi32, #tpu.memory_space<hbm>>
        tpu.enqueue_dma source(%dma_start3A_88 : memref<40x128xi32, #tpu.memory_space<hbm>>) target(%arg7 : memref<40x128xi32, #tpu.memory_space<vmem>>) target_semaphore(%run_scoped3A : memref<!tpu.dma_semaphore, #tpu.memory_space<semaphore_mem>>)
        %dma_wait3A_89 = arith.constant 0 : i32
        %dma_wait3A_90 = tpu.memref_slice %arg3[%multiple_of3A, %dma_wait3A_89] : memref<2560x128xi32, #tpu.memory_space<hbm>> -> memref<40x128xi32, #tpu.memory_space<hbm>>
        %dma_wait3A_91 = arith.constant 0 : i32
        %dma_wait3A_92 = tpu.memref_slice %arg3[%multiple_of3A, %dma_wait3A_91] : memref<2560x128xi32, #tpu.memory_space<hbm>> -> memref<40x128xi32, #tpu.memory_space<hbm>>
        tpu.wait_dma2 semaphore(%run_scoped3A : memref<!tpu.dma_semaphore, #tpu.memory_space<semaphore_mem>>) src(%dma_wait3A_92 : memref<40x128xi32, #tpu.memory_space<hbm>>) dst(%arg7 : memref<40x128xi32, #tpu.memory_space<vmem>>)
        tpu.yield
      }) : () -> ()
      "tpu.region"() ({
        %run_scoped3A = tpu.sem_alloc : memref<!tpu.dma_semaphore, #tpu.memory_space<semaphore_mem>>
        %dma_start3A_85 = arith.constant 0 : i32
        %dma_start3A_86 = tpu.memref_slice %arg4[%multiple_of3A, %dma_start3A_85] : memref<2560x128xi32, #tpu.memory_space<hbm>> -> memref<40x128xi32, #tpu.memory_space<hbm>>
        %dma_start3A_87 = arith.constant 0 : i32
        %dma_start3A_88 = tpu.memref_slice %arg4[%multiple_of3A, %dma_start3A_87] : memref<2560x128xi32, #tpu.memory_space<hbm>> -> memref<40x128xi32, #tpu.memory_space<hbm>>
        tpu.enqueue_dma source(%dma_start3A_88 : memref<40x128xi32, #tpu.memory_space<hbm>>) target(%arg8 : memref<40x128xi32, #tpu.memory_space<vmem>>) target_semaphore(%run_scoped3A : memref<!tpu.dma_semaphore, #tpu.memory_space<semaphore_mem>>)
        %dma_wait3A_89 = arith.constant 0 : i32
        %dma_wait3A_90 = tpu.memref_slice %arg4[%multiple_of3A, %dma_wait3A_89] : memref<2560x128xi32, #tpu.memory_space<hbm>> -> memref<40x128xi32, #tpu.memory_space<hbm>>
        %dma_wait3A_91 = arith.constant 0 : i32
        %dma_wait3A_92 = tpu.memref_slice %arg4[%multiple_of3A, %dma_wait3A_91] : memref<2560x128xi32, #tpu.memory_space<hbm>> -> memref<40x128xi32, #tpu.memory_space<hbm>>
        tpu.wait_dma2 semaphore(%run_scoped3A : memref<!tpu.dma_semaphore, #tpu.memory_space<semaphore_mem>>) src(%dma_wait3A_92 : memref<40x128xi32, #tpu.memory_space<hbm>>) dst(%arg8 : memref<40x128xi32, #tpu.memory_space<vmem>>)
        tpu.yield
      }) : () -> ()
      %dma_start3A = arith.constant 0 : i32
      %dma_start3A_38 = arith.constant 0 : i32
      %dma_start3A_39 = arith.constant 0 : i32
      %dma_start3A_40 = tpu.memref_slice %arg9[%cond3A, %dma_start3A_38, %dma_start3A_39] : memref<2x128x128xf32, #tpu.memory_space<vmem>> -> memref<1x128x128xf32, #tpu.memory_space<vmem>>
      %dma_start3A_41 = tpu.memref_squeeze %dma_start3A_40 : memref<1x128x128xf32, #tpu.memory_space<vmem>> -> memref<128x128xf32, #tpu.memory_space<vmem>>
      %dma_start3A_42 = arith.constant 0 : i32
      %dma_start3A_43 = tpu.memref_slice %arg7[%dma_start3A, %dma_start3A_42] : memref<40x128xi32, #tpu.memory_space<vmem>> -> memref<1x128xi32, #tpu.memory_space<vmem>>
      %dma_start3A_44 = tpu.memref_squeeze %dma_start3A_43 : memref<1x128xi32, #tpu.memory_space<vmem>> -> memref<128xi32, #tpu.memory_space<vmem>>
      %dma_start3A_45 = arith.constant 0 : i32
      %dma_start3A_46 = arith.constant 0 : i32
      %dma_start3A_47 = tpu.memref_slice %arg2[%dma_start3A_45, %dma_start3A_46] : memref<10112x128xf32, #tpu.memory_space<hbm>> -> memref<10112x128xf32, #tpu.memory_space<hbm>>
      tpu.enqueue_indirect_dma source(%dma_start3A_47 : memref<10112x128xf32, #tpu.memory_space<hbm>>) target(%dma_start3A_41 : memref<128x128xf32, #tpu.memory_space<vmem>>) offsets(%dma_start3A_44 : memref<128xi32, #tpu.memory_space<vmem>>) semaphore(%arg11 : memref<!tpu.dma_semaphore, #tpu.memory_space<semaphore_mem>>)
      %dma_start3A_48 = arith.constant 1 : i32
      %dma_start3A_49 = arith.constant 0 : i32
      %dma_start3A_50 = arith.constant 0 : i32
      %dma_start3A_51 = tpu.memref_slice %arg9[%cond3A_25, %dma_start3A_49, %dma_start3A_50] : memref<2x128x128xf32, #tpu.memory_space<vmem>> -> memref<1x128x128xf32, #tpu.memory_space<vmem>>
      %dma_start3A_52 = tpu.memref_squeeze %dma_start3A_51 : memref<1x128x128xf32, #tpu.memory_space<vmem>> -> memref<128x128xf32, #tpu.memory_space<vmem>>
      %dma_start3A_53 = arith.constant 0 : i32
      %dma_start3A_54 = tpu.memref_slice %arg7[%dma_start3A_48, %dma_start3A_53] : memref<40x128xi32, #tpu.memory_space<vmem>> -> memref<1x128xi32, #tpu.memory_space<vmem>>
      %dma_start3A_55 = tpu.memref_squeeze %dma_start3A_54 : memref<1x128xi32, #tpu.memory_space<vmem>> -> memref<128xi32, #tpu.memory_space<vmem>>
      %dma_start3A_56 = arith.constant 0 : i32
      %dma_start3A_57 = arith.constant 0 : i32
      %dma_start3A_58 = tpu.memref_slice %arg2[%dma_start3A_56, %dma_start3A_57] : memref<10112x128xf32, #tpu.memory_space<hbm>> -> memref<10112x128xf32, #tpu.memory_space<hbm>>
      tpu.enqueue_indirect_dma source(%dma_start3A_58 : memref<10112x128xf32, #tpu.memory_space<hbm>>) target(%dma_start3A_52 : memref<128x128xf32, #tpu.memory_space<vmem>>) offsets(%dma_start3A_55 : memref<128xi32, #tpu.memory_space<vmem>>) semaphore(%arg12 : memref<!tpu.dma_semaphore, #tpu.memory_space<semaphore_mem>>)
      %scan3A = arith.constant 0 : i32
      %scan3A_59 = arith.constant 0 : i32
      %scan3A_60 = arith.constant 20 : i32
      %scan3A_61 = arith.addi %scan3A_59, %scan3A_60 : i32
      %scan3A_62 = arith.constant 1 : i32
      scf.for %scan3A_85 = %scan3A_59 to %scan3A_61 step %scan3A_62  : i32 {
        %mul3A_86 = arith.constant 2 : i32
        %mul3A_87 = arith.muli %scan3A_85, %mul3A_86 : i32
        %add3A_88 = arith.constant 0 : i32
        %add3A_89 = arith.addi %mul3A_87, %add3A_88 : i32
        %dma_wait3A_90 = arith.constant 0 : i32
        %dma_wait3A_91 = arith.constant 0 : i32
        %dma_wait3A_92 = tpu.memref_slice %arg9[%cond3A, %dma_wait3A_90, %dma_wait3A_91] : memref<2x128x128xf32, #tpu.memory_space<vmem>> -> memref<1x128x128xf32, #tpu.memory_space<vmem>>
        %dma_wait3A_93 = tpu.memref_squeeze %dma_wait3A_92 : memref<1x128x128xf32, #tpu.memory_space<vmem>> -> memref<128x128xf32, #tpu.memory_space<vmem>>
        %dma_wait3A_94 = arith.constant 0 : i32
        %dma_wait3A_95 = tpu.memref_slice %arg7[%add3A_89, %dma_wait3A_94] : memref<40x128xi32, #tpu.memory_space<vmem>> -> memref<1x128xi32, #tpu.memory_space<vmem>>
        %dma_wait3A_96 = tpu.memref_squeeze %dma_wait3A_95 : memref<1x128xi32, #tpu.memory_space<vmem>> -> memref<128xi32, #tpu.memory_space<vmem>>
        %dma_wait3A_97 = arith.constant 0 : i32
        %dma_wait3A_98 = arith.constant 0 : i32
        %dma_wait3A_99 = tpu.memref_slice %arg2[%dma_wait3A_97, %dma_wait3A_98] : memref<10112x128xf32, #tpu.memory_space<hbm>> -> memref<10112x128xf32, #tpu.memory_space<hbm>>
        tpu.wait_indirect_dma semaphore(%arg11 : memref<!tpu.dma_semaphore, #tpu.memory_space<semaphore_mem>>) src(%dma_wait3A_99 : memref<10112x128xf32, #tpu.memory_space<hbm>>) dst(%dma_wait3A_93 : memref<128x128xf32, #tpu.memory_space<vmem>>)
        "tpu.region"() ({
          %run_scoped3A = tpu.sem_alloc : memref<!tpu.dma_semaphore, #tpu.memory_space<semaphore_mem>>
          %dma_start3A_139 = arith.constant 0 : i32
          %dma_start3A_140 = arith.constant 0 : i32
          %dma_start3A_141 = tpu.memref_slice %arg9[%cond3A, %dma_start3A_139, %dma_start3A_140] : memref<2x128x128xf32, #tpu.memory_space<vmem>> -> memref<1x128x128xf32, #tpu.memory_space<vmem>>
          %dma_start3A_142 = tpu.memref_squeeze %dma_start3A_141 : memref<1x128x128xf32, #tpu.memory_space<vmem>> -> memref<128x128xf32, #tpu.memory_space<vmem>>
          %dma_start3A_143 = arith.constant 0 : i32
          %dma_start3A_144 = tpu.memref_slice %arg8[%add3A_89, %dma_start3A_143] : memref<40x128xi32, #tpu.memory_space<vmem>> -> memref<1x128xi32, #tpu.memory_space<vmem>>
          %dma_start3A_145 = tpu.memref_squeeze %dma_start3A_144 : memref<1x128xi32, #tpu.memory_space<vmem>> -> memref<128xi32, #tpu.memory_space<vmem>>
          %dma_start3A_146 = arith.constant 0 : i32
          %dma_start3A_147 = arith.constant 0 : i32
          %dma_start3A_148 = tpu.memref_slice %arg10[%dma_start3A_146, %dma_start3A_147] : memref<10112x128xf32, #tpu.memory_space<vmem_shared>> -> memref<10112x128xf32, #tpu.memory_space<vmem_shared>>
          tpu.enqueue_indirect_dma source(%dma_start3A_142 : memref<128x128xf32, #tpu.memory_space<vmem>>) target(%dma_start3A_148 : memref<10112x128xf32, #tpu.memory_space<vmem_shared>>) offsets(%dma_start3A_145 : memref<128xi32, #tpu.memory_space<vmem>>) semaphore(%run_scoped3A : memref<!tpu.dma_semaphore, #tpu.memory_space<semaphore_mem>>) {add = true}
          %dma_wait3A_149 = arith.constant 0 : i32
          %dma_wait3A_150 = arith.constant 0 : i32
          %dma_wait3A_151 = tpu.memref_slice %arg9[%cond3A, %dma_wait3A_149, %dma_wait3A_150] : memref<2x128x128xf32, #tpu.memory_space<vmem>> -> memref<1x128x128xf32, #tpu.memory_space<vmem>>
          %dma_wait3A_152 = tpu.memref_squeeze %dma_wait3A_151 : memref<1x128x128xf32, #tpu.memory_space<vmem>> -> memref<128x128xf32, #tpu.memory_space<vmem>>
          %dma_wait3A_153 = arith.constant 0 : i32
          %dma_wait3A_154 = tpu.memref_slice %arg8[%add3A_89, %dma_wait3A_153] : memref<40x128xi32, #tpu.memory_space<vmem>> -> memref<1x128xi32, #tpu.memory_space<vmem>>
          %dma_wait3A_155 = tpu.memref_squeeze %dma_wait3A_154 : memref<1x128xi32, #tpu.memory_space<vmem>> -> memref<128xi32, #tpu.memory_space<vmem>>
          %dma_wait3A_156 = arith.constant 0 : i32
          %dma_wait3A_157 = arith.constant 0 : i32
          %dma_wait3A_158 = tpu.memref_slice %arg10[%dma_wait3A_156, %dma_wait3A_157] : memref<10112x128xf32, #tpu.memory_space<vmem_shared>> -> memref<10112x128xf32, #tpu.memory_space<vmem_shared>>
          tpu.wait_indirect_dma semaphore(%run_scoped3A : memref<!tpu.dma_semaphore, #tpu.memory_space<semaphore_mem>>) src(%dma_wait3A_152 : memref<128x128xf32, #tpu.memory_space<vmem>>) dst(%dma_wait3A_158 : memref<10112x128xf32, #tpu.memory_space<vmem_shared>>)
          tpu.yield
        }) : () -> ()
        %add3A_100 = arith.constant 2 : i32
        %add3A_101 = arith.addi %add3A_89, %add3A_100 : i32
        %min3A = arith.constant 39 : i32
        %min3A_102 = arith.minsi %add3A_101, %min3A : i32
        %dma_start3A_103 = arith.constant 0 : i32
        %dma_start3A_104 = arith.constant 0 : i32
        %dma_start3A_105 = tpu.memref_slice %arg9[%cond3A, %dma_start3A_103, %dma_start3A_104] : memref<2x128x128xf32, #tpu.memory_space<vmem>> -> memref<1x128x128xf32, #tpu.memory_space<vmem>>
        %dma_start3A_106 = tpu.memref_squeeze %dma_start3A_105 : memref<1x128x128xf32, #tpu.memory_space<vmem>> -> memref<128x128xf32, #tpu.memory_space<vmem>>
        %dma_start3A_107 = arith.constant 0 : i32
        %dma_start3A_108 = tpu.memref_slice %arg7[%min3A_102, %dma_start3A_107] : memref<40x128xi32, #tpu.memory_space<vmem>> -> memref<1x128xi32, #tpu.memory_space<vmem>>
        %dma_start3A_109 = tpu.memref_squeeze %dma_start3A_108 : memref<1x128xi32, #tpu.memory_space<vmem>> -> memref<128xi32, #tpu.memory_space<vmem>>
        %dma_start3A_110 = arith.constant 0 : i32
        %dma_start3A_111 = arith.constant 0 : i32
        %dma_start3A_112 = tpu.memref_slice %arg2[%dma_start3A_110, %dma_start3A_111] : memref<10112x128xf32, #tpu.memory_space<hbm>> -> memref<10112x128xf32, #tpu.memory_space<hbm>>
        tpu.enqueue_indirect_dma source(%dma_start3A_112 : memref<10112x128xf32, #tpu.memory_space<hbm>>) target(%dma_start3A_106 : memref<128x128xf32, #tpu.memory_space<vmem>>) offsets(%dma_start3A_109 : memref<128xi32, #tpu.memory_space<vmem>>) semaphore(%arg11 : memref<!tpu.dma_semaphore, #tpu.memory_space<semaphore_mem>>)
        %add3A_113 = arith.constant 1 : i32
        %add3A_114 = arith.addi %mul3A_87, %add3A_113 : i32
        %dma_wait3A_115 = arith.constant 0 : i32
        %dma_wait3A_116 = arith.constant 0 : i32
        %dma_wait3A_117 = tpu.memref_slice %arg9[%cond3A_25, %dma_wait3A_115, %dma_wait3A_116] : memref<2x128x128xf32, #tpu.memory_space<vmem>> -> memref<1x128x128xf32, #tpu.memory_space<vmem>>
        %dma_wait3A_118 = tpu.memref_squeeze %dma_wait3A_117 : memref<1x128x128xf32, #tpu.memory_space<vmem>> -> memref<128x128xf32, #tpu.memory_space<vmem>>
        %dma_wait3A_119 = arith.constant 0 : i32
        %dma_wait3A_120 = tpu.memref_slice %arg7[%add3A_114, %dma_wait3A_119] : memref<40x128xi32, #tpu.memory_space<vmem>> -> memref<1x128xi32, #tpu.memory_space<vmem>>
        %dma_wait3A_121 = tpu.memref_squeeze %dma_wait3A_120 : memref<1x128xi32, #tpu.memory_space<vmem>> -> memref<128xi32, #tpu.memory_space<vmem>>
        %dma_wait3A_122 = arith.constant 0 : i32
        %dma_wait3A_123 = arith.constant 0 : i32
        %dma_wait3A_124 = tpu.memref_slice %arg2[%dma_wait3A_122, %dma_wait3A_123] : memref<10112x128xf32, #tpu.memory_space<hbm>> -> memref<10112x128xf32, #tpu.memory_space<hbm>>
        tpu.wait_indirect_dma semaphore(%arg12 : memref<!tpu.dma_semaphore, #tpu.memory_space<semaphore_mem>>) src(%dma_wait3A_124 : memref<10112x128xf32, #tpu.memory_space<hbm>>) dst(%dma_wait3A_118 : memref<128x128xf32, #tpu.memory_space<vmem>>)
        "tpu.region"() ({
          %run_scoped3A = tpu.sem_alloc : memref<!tpu.dma_semaphore, #tpu.memory_space<semaphore_mem>>
          %dma_start3A_139 = arith.constant 0 : i32
          %dma_start3A_140 = arith.constant 0 : i32
          %dma_start3A_141 = tpu.memref_slice %arg9[%cond3A_25, %dma_start3A_139, %dma_start3A_140] : memref<2x128x128xf32, #tpu.memory_space<vmem>> -> memref<1x128x128xf32, #tpu.memory_space<vmem>>
          %dma_start3A_142 = tpu.memref_squeeze %dma_start3A_141 : memref<1x128x128xf32, #tpu.memory_space<vmem>> -> memref<128x128xf32, #tpu.memory_space<vmem>>
          %dma_start3A_143 = arith.constant 0 : i32
          %dma_start3A_144 = tpu.memref_slice %arg8[%add3A_114, %dma_start3A_143] : memref<40x128xi32, #tpu.memory_space<vmem>> -> memref<1x128xi32, #tpu.memory_space<vmem>>
          %dma_start3A_145 = tpu.memref_squeeze %dma_start3A_144 : memref<1x128xi32, #tpu.memory_space<vmem>> -> memref<128xi32, #tpu.memory_space<vmem>>
          %dma_start3A_146 = arith.constant 0 : i32
          %dma_start3A_147 = arith.constant 0 : i32
          %dma_start3A_148 = tpu.memref_slice %arg10[%dma_start3A_146, %dma_start3A_147] : memref<10112x128xf32, #tpu.memory_space<vmem_shared>> -> memref<10112x128xf32, #tpu.memory_space<vmem_shared>>
          tpu.enqueue_indirect_dma source(%dma_start3A_142 : memref<128x128xf32, #tpu.memory_space<vmem>>) target(%dma_start3A_148 : memref<10112x128xf32, #tpu.memory_space<vmem_shared>>) offsets(%dma_start3A_145 : memref<128xi32, #tpu.memory_space<vmem>>) semaphore(%run_scoped3A : memref<!tpu.dma_semaphore, #tpu.memory_space<semaphore_mem>>) {add = true}
          %dma_wait3A_149 = arith.constant 0 : i32
          %dma_wait3A_150 = arith.constant 0 : i32
          %dma_wait3A_151 = tpu.memref_slice %arg9[%cond3A_25, %dma_wait3A_149, %dma_wait3A_150] : memref<2x128x128xf32, #tpu.memory_space<vmem>> -> memref<1x128x128xf32, #tpu.memory_space<vmem>>
          %dma_wait3A_152 = tpu.memref_squeeze %dma_wait3A_151 : memref<1x128x128xf32, #tpu.memory_space<vmem>> -> memref<128x128xf32, #tpu.memory_space<vmem>>
          %dma_wait3A_153 = arith.constant 0 : i32
          %dma_wait3A_154 = tpu.memref_slice %arg8[%add3A_114, %dma_wait3A_153] : memref<40x128xi32, #tpu.memory_space<vmem>> -> memref<1x128xi32, #tpu.memory_space<vmem>>
          %dma_wait3A_155 = tpu.memref_squeeze %dma_wait3A_154 : memref<1x128xi32, #tpu.memory_space<vmem>> -> memref<128xi32, #tpu.memory_space<vmem>>
          %dma_wait3A_156 = arith.constant 0 : i32
          %dma_wait3A_157 = arith.constant 0 : i32
          %dma_wait3A_158 = tpu.memref_slice %arg10[%dma_wait3A_156, %dma_wait3A_157] : memref<10112x128xf32, #tpu.memory_space<vmem_shared>> -> memref<10112x128xf32, #tpu.memory_space<vmem_shared>>
          tpu.wait_indirect_dma semaphore(%run_scoped3A : memref<!tpu.dma_semaphore, #tpu.memory_space<semaphore_mem>>) src(%dma_wait3A_152 : memref<128x128xf32, #tpu.memory_space<vmem>>) dst(%dma_wait3A_158 : memref<10112x128xf32, #tpu.memory_space<vmem_shared>>)
          tpu.yield
        }) : () -> ()
        %add3A_125 = arith.constant 2 : i32
        %add3A_126 = arith.addi %add3A_114, %add3A_125 : i32
        %min3A_127 = arith.constant 39 : i32
        %min3A_128 = arith.minsi %add3A_126, %min3A_127 : i32
        %dma_start3A_129 = arith.constant 0 : i32
        %dma_start3A_130 = arith.constant 0 : i32
        %dma_start3A_131 = tpu.memref_slice %arg9[%cond3A_25, %dma_start3A_129, %dma_start3A_130] : memref<2x128x128xf32, #tpu.memory_space<vmem>> -> memref<1x128x128xf32, #tpu.memory_space<vmem>>
        %dma_start3A_132 = tpu.memref_squeeze %dma_start3A_131 : memref<1x128x128xf32, #tpu.memory_space<vmem>> -> memref<128x128xf32, #tpu.memory_space<vmem>>
        %dma_start3A_133 = arith.constant 0 : i32
        %dma_start3A_134 = tpu.memref_slice %arg7[%min3A_128, %dma_start3A_133] : memref<40x128xi32, #tpu.memory_space<vmem>> -> memref<1x128xi32, #tpu.memory_space<vmem>>
        %dma_start3A_135 = tpu.memref_squeeze %dma_start3A_134 : memref<1x128xi32, #tpu.memory_space<vmem>> -> memref<128xi32, #tpu.memory_space<vmem>>
        %dma_start3A_136 = arith.constant 0 : i32
        %dma_start3A_137 = arith.constant 0 : i32
        %dma_start3A_138 = tpu.memref_slice %arg2[%dma_start3A_136, %dma_start3A_137] : memref<10112x128xf32, #tpu.memory_space<hbm>> -> memref<10112x128xf32, #tpu.memory_space<hbm>>
        tpu.enqueue_indirect_dma source(%dma_start3A_138 : memref<10112x128xf32, #tpu.memory_space<hbm>>) target(%dma_start3A_132 : memref<128x128xf32, #tpu.memory_space<vmem>>) offsets(%dma_start3A_135 : memref<128xi32, #tpu.memory_space<vmem>>) semaphore(%arg12 : memref<!tpu.dma_semaphore, #tpu.memory_space<semaphore_mem>>)
      }
      %scan3A_63 = arith.constant 20 : i32
      %dma_wait3A = arith.constant 39 : i32
      %dma_wait3A_64 = arith.constant 0 : i32
      %dma_wait3A_65 = arith.constant 0 : i32
      %dma_wait3A_66 = tpu.memref_slice %arg9[%cond3A, %dma_wait3A_64, %dma_wait3A_65] : memref<2x128x128xf32, #tpu.memory_space<vmem>> -> memref<1x128x128xf32, #tpu.memory_space<vmem>>
      %dma_wait3A_67 = tpu.memref_squeeze %dma_wait3A_66 : memref<1x128x128xf32, #tpu.memory_space<vmem>> -> memref<128x128xf32, #tpu.memory_space<vmem>>
      %dma_wait3A_68 = arith.constant 0 : i32
      %dma_wait3A_69 = tpu.memref_slice %arg7[%dma_wait3A, %dma_wait3A_68] : memref<40x128xi32, #tpu.memory_space<vmem>> -> memref<1x128xi32, #tpu.memory_space<vmem>>
      %dma_wait3A_70 = tpu.memref_squeeze %dma_wait3A_69 : memref<1x128xi32, #tpu.memory_space<vmem>> -> memref<128xi32, #tpu.memory_space<vmem>>
      %dma_wait3A_71 = arith.constant 0 : i32
      %dma_wait3A_72 = arith.constant 0 : i32
      %dma_wait3A_73 = tpu.memref_slice %arg2[%dma_wait3A_71, %dma_wait3A_72] : memref<10112x128xf32, #tpu.memory_space<hbm>> -> memref<10112x128xf32, #tpu.memory_space<hbm>>
      tpu.wait_indirect_dma semaphore(%arg11 : memref<!tpu.dma_semaphore, #tpu.memory_space<semaphore_mem>>) src(%dma_wait3A_73 : memref<10112x128xf32, #tpu.memory_space<hbm>>) dst(%dma_wait3A_67 : memref<128x128xf32, #tpu.memory_space<vmem>>)
      %dma_wait3A_74 = arith.constant 39 : i32
      %dma_wait3A_75 = arith.constant 0 : i32
      %dma_wait3A_76 = arith.constant 0 : i32
      %dma_wait3A_77 = tpu.memref_slice %arg9[%cond3A_25, %dma_wait3A_75, %dma_wait3A_76] : memref<2x128x128xf32, #tpu.memory_space<vmem>> -> memref<1x128x128xf32, #tpu.memory_space<vmem>>
      %dma_wait3A_78 = tpu.memref_squeeze %dma_wait3A_77 : memref<1x128x128xf32, #tpu.memory_space<vmem>> -> memref<128x128xf32, #tpu.memory_space<vmem>>
      %dma_wait3A_79 = arith.constant 0 : i32
      %dma_wait3A_80 = tpu.memref_slice %arg7[%dma_wait3A_74, %dma_wait3A_79] : memref<40x128xi32, #tpu.memory_space<vmem>> -> memref<1x128xi32, #tpu.memory_space<vmem>>
      %dma_wait3A_81 = tpu.memref_squeeze %dma_wait3A_80 : memref<1x128xi32, #tpu.memory_space<vmem>> -> memref<128xi32, #tpu.memory_space<vmem>>
      %dma_wait3A_82 = arith.constant 0 : i32
      %dma_wait3A_83 = arith.constant 0 : i32
      %dma_wait3A_84 = tpu.memref_slice %arg2[%dma_wait3A_82, %dma_wait3A_83] : memref<10112x128xf32, #tpu.memory_space<hbm>> -> memref<10112x128xf32, #tpu.memory_space<hbm>>
      tpu.wait_indirect_dma semaphore(%arg12 : memref<!tpu.dma_semaphore, #tpu.memory_space<semaphore_mem>>) src(%dma_wait3A_84 : memref<10112x128xf32, #tpu.memory_space<hbm>>) dst(%dma_wait3A_78 : memref<128x128xf32, #tpu.memory_space<vmem>>)
    } else {
    }
    %gt3A_28 = arith.constant 1 : i32
    %gt3A_29 = arith.cmpi sgt, %select_n3A_23, %gt3A_28 : i32
    %convert_element_type3A_30 = arith.extui %gt3A_29 : i1 to i32
    %cond3A_31 = arith.constant 0 : i32
    %cond3A_32 = arith.constant 1 : i32
    %cond3A_33 = arith.constant 0 : i32
    %cond3A_34 = arith.cmpi ne, %convert_element_type3A_30, %cond3A_33 : i32
    scf.if %cond3A_34 {
      %add3A_36 = arith.constant 40 : i32
      %add3A_37 = arith.addi %add3A, %add3A_36 : i32
      %multiple_of3A = tpu.assume_multiple %add3A_37, 40 : i32
      "tpu.region"() ({
        %run_scoped3A = tpu.sem_alloc : memref<!tpu.dma_semaphore, #tpu.memory_space<semaphore_mem>>
        %dma_start3A_85 = arith.constant 0 : i32
        %dma_start3A_86 = tpu.memref_slice %arg3[%multiple_of3A, %dma_start3A_85] : memref<2560x128xi32, #tpu.memory_space<hbm>> -> memref<40x128xi32, #tpu.memory_space<hbm>>
        %dma_start3A_87 = arith.constant 0 : i32
        %dma_start3A_88 = tpu.memref_slice %arg3[%multiple_of3A, %dma_start3A_87] : memref<2560x128xi32, #tpu.memory_space<hbm>> -> memref<40x128xi32, #tpu.memory_space<hbm>>
        tpu.enqueue_dma source(%dma_start3A_88 : memref<40x128xi32, #tpu.memory_space<hbm>>) target(%arg7 : memref<40x128xi32, #tpu.memory_space<vmem>>) target_semaphore(%run_scoped3A : memref<!tpu.dma_semaphore, #tpu.memory_space<semaphore_mem>>)
        %dma_wait3A_89 = arith.constant 0 : i32
        %dma_wait3A_90 = tpu.memref_slice %arg3[%multiple_of3A, %dma_wait3A_89] : memref<2560x128xi32, #tpu.memory_space<hbm>> -> memref<40x128xi32, #tpu.memory_space<hbm>>
        %dma_wait3A_91 = arith.constant 0 : i32
        %dma_wait3A_92 = tpu.memref_slice %arg3[%multiple_of3A, %dma_wait3A_91] : memref<2560x128xi32, #tpu.memory_space<hbm>> -> memref<40x128xi32, #tpu.memory_space<hbm>>
        tpu.wait_dma2 semaphore(%run_scoped3A : memref<!tpu.dma_semaphore, #tpu.memory_space<semaphore_mem>>) src(%dma_wait3A_92 : memref<40x128xi32, #tpu.memory_space<hbm>>) dst(%arg7 : memref<40x128xi32, #tpu.memory_space<vmem>>)
        tpu.yield
      }) : () -> ()
      "tpu.region"() ({
        %run_scoped3A = tpu.sem_alloc : memref<!tpu.dma_semaphore, #tpu.memory_space<semaphore_mem>>
        %dma_start3A_85 = arith.constant 0 : i32
        %dma_start3A_86 = tpu.memref_slice %arg4[%multiple_of3A, %dma_start3A_85] : memref<2560x128xi32, #tpu.memory_space<hbm>> -> memref<40x128xi32, #tpu.memory_space<hbm>>
        %dma_start3A_87 = arith.constant 0 : i32
        %dma_start3A_88 = tpu.memref_slice %arg4[%multiple_of3A, %dma_start3A_87] : memref<2560x128xi32, #tpu.memory_space<hbm>> -> memref<40x128xi32, #tpu.memory_space<hbm>>
        tpu.enqueue_dma source(%dma_start3A_88 : memref<40x128xi32, #tpu.memory_space<hbm>>) target(%arg8 : memref<40x128xi32, #tpu.memory_space<vmem>>) target_semaphore(%run_scoped3A : memref<!tpu.dma_semaphore, #tpu.memory_space<semaphore_mem>>)
        %dma_wait3A_89 = arith.constant 0 : i32
        %dma_wait3A_90 = tpu.memref_slice %arg4[%multiple_of3A, %dma_wait3A_89] : memref<2560x128xi32, #tpu.memory_space<hbm>> -> memref<40x128xi32, #tpu.memory_space<hbm>>
        %dma_wait3A_91 = arith.constant 0 : i32
        %dma_wait3A_92 = tpu.memref_slice %arg4[%multiple_of3A, %dma_wait3A_91] : memref<2560x128xi32, #tpu.memory_space<hbm>> -> memref<40x128xi32, #tpu.memory_space<hbm>>
        tpu.wait_dma2 semaphore(%run_scoped3A : memref<!tpu.dma_semaphore, #tpu.memory_space<semaphore_mem>>) src(%dma_wait3A_92 : memref<40x128xi32, #tpu.memory_space<hbm>>) dst(%arg8 : memref<40x128xi32, #tpu.memory_space<vmem>>)
        tpu.yield
      }) : () -> ()
      %dma_start3A = arith.constant 0 : i32
      %dma_start3A_38 = arith.constant 0 : i32
      %dma_start3A_39 = arith.constant 0 : i32
      %dma_start3A_40 = tpu.memref_slice %arg9[%cond3A_31, %dma_start3A_38, %dma_start3A_39] : memref<2x128x128xf32, #tpu.memory_space<vmem>> -> memref<1x128x128xf32, #tpu.memory_space<vmem>>
      %dma_start3A_41 = tpu.memref_squeeze %dma_start3A_40 : memref<1x128x128xf32, #tpu.memory_space<vmem>> -> memref<128x128xf32, #tpu.memory_space<vmem>>
      %dma_start3A_42 = arith.constant 0 : i32
      %dma_start3A_43 = tpu.memref_slice %arg7[%dma_start3A, %dma_start3A_42] : memref<40x128xi32, #tpu.memory_space<vmem>> -> memref<1x128xi32, #tpu.memory_space<vmem>>
      %dma_start3A_44 = tpu.memref_squeeze %dma_start3A_43 : memref<1x128xi32, #tpu.memory_space<vmem>> -> memref<128xi32, #tpu.memory_space<vmem>>
      %dma_start3A_45 = arith.constant 0 : i32
      %dma_start3A_46 = arith.constant 0 : i32
      %dma_start3A_47 = tpu.memref_slice %arg2[%dma_start3A_45, %dma_start3A_46] : memref<10112x128xf32, #tpu.memory_space<hbm>> -> memref<10112x128xf32, #tpu.memory_space<hbm>>
      tpu.enqueue_indirect_dma source(%dma_start3A_47 : memref<10112x128xf32, #tpu.memory_space<hbm>>) target(%dma_start3A_41 : memref<128x128xf32, #tpu.memory_space<vmem>>) offsets(%dma_start3A_44 : memref<128xi32, #tpu.memory_space<vmem>>) semaphore(%arg11 : memref<!tpu.dma_semaphore, #tpu.memory_space<semaphore_mem>>)
      %dma_start3A_48 = arith.constant 1 : i32
      %dma_start3A_49 = arith.constant 0 : i32
      %dma_start3A_50 = arith.constant 0 : i32
      %dma_start3A_51 = tpu.memref_slice %arg9[%cond3A_32, %dma_start3A_49, %dma_start3A_50] : memref<2x128x128xf32, #tpu.memory_space<vmem>> -> memref<1x128x128xf32, #tpu.memory_space<vmem>>
      %dma_start3A_52 = tpu.memref_squeeze %dma_start3A_51 : memref<1x128x128xf32, #tpu.memory_space<vmem>> -> memref<128x128xf32, #tpu.memory_space<vmem>>
      %dma_start3A_53 = arith.constant 0 : i32
      %dma_start3A_54 = tpu.memref_slice %arg7[%dma_start3A_48, %dma_start3A_53] : memref<40x128xi32, #tpu.memory_space<vmem>> -> memref<1x128xi32, #tpu.memory_space<vmem>>
      %dma_start3A_55 = tpu.memref_squeeze %dma_start3A_54 : memref<1x128xi32, #tpu.memory_space<vmem>> -> memref<128xi32, #tpu.memory_space<vmem>>
      %dma_start3A_56 = arith.constant 0 : i32
      %dma_start3A_57 = arith.constant 0 : i32
      %dma_start3A_58 = tpu.memref_slice %arg2[%dma_start3A_56, %dma_start3A_57] : memref<10112x128xf32, #tpu.memory_space<hbm>> -> memref<10112x128xf32, #tpu.memory_space<hbm>>
      tpu.enqueue_indirect_dma source(%dma_start3A_58 : memref<10112x128xf32, #tpu.memory_space<hbm>>) target(%dma_start3A_52 : memref<128x128xf32, #tpu.memory_space<vmem>>) offsets(%dma_start3A_55 : memref<128xi32, #tpu.memory_space<vmem>>) semaphore(%arg12 : memref<!tpu.dma_semaphore, #tpu.memory_space<semaphore_mem>>)
      %scan3A = arith.constant 0 : i32
      %scan3A_59 = arith.constant 0 : i32
      %scan3A_60 = arith.constant 20 : i32
      %scan3A_61 = arith.addi %scan3A_59, %scan3A_60 : i32
      %scan3A_62 = arith.constant 1 : i32
      scf.for %scan3A_85 = %scan3A_59 to %scan3A_61 step %scan3A_62  : i32 {
        %mul3A_86 = arith.constant 2 : i32
        %mul3A_87 = arith.muli %scan3A_85, %mul3A_86 : i32
        %add3A_88 = arith.constant 0 : i32
        %add3A_89 = arith.addi %mul3A_87, %add3A_88 : i32
        %dma_wait3A_90 = arith.constant 0 : i32
        %dma_wait3A_91 = arith.constant 0 : i32
        %dma_wait3A_92 = tpu.memref_slice %arg9[%cond3A_31, %dma_wait3A_90, %dma_wait3A_91] : memref<2x128x128xf32, #tpu.memory_space<vmem>> -> memref<1x128x128xf32, #tpu.memory_space<vmem>>
        %dma_wait3A_93 = tpu.memref_squeeze %dma_wait3A_92 : memref<1x128x128xf32, #tpu.memory_space<vmem>> -> memref<128x128xf32, #tpu.memory_space<vmem>>
        %dma_wait3A_94 = arith.constant 0 : i32
        %dma_wait3A_95 = tpu.memref_slice %arg7[%add3A_89, %dma_wait3A_94] : memref<40x128xi32, #tpu.memory_space<vmem>> -> memref<1x128xi32, #tpu.memory_space<vmem>>
        %dma_wait3A_96 = tpu.memref_squeeze %dma_wait3A_95 : memref<1x128xi32, #tpu.memory_space<vmem>> -> memref<128xi32, #tpu.memory_space<vmem>>
        %dma_wait3A_97 = arith.constant 0 : i32
        %dma_wait3A_98 = arith.constant 0 : i32
        %dma_wait3A_99 = tpu.memref_slice %arg2[%dma_wait3A_97, %dma_wait3A_98] : memref<10112x128xf32, #tpu.memory_space<hbm>> -> memref<10112x128xf32, #tpu.memory_space<hbm>>
        tpu.wait_indirect_dma semaphore(%arg11 : memref<!tpu.dma_semaphore, #tpu.memory_space<semaphore_mem>>) src(%dma_wait3A_99 : memref<10112x128xf32, #tpu.memory_space<hbm>>) dst(%dma_wait3A_93 : memref<128x128xf32, #tpu.memory_space<vmem>>)
        "tpu.region"() ({
          %run_scoped3A = tpu.sem_alloc : memref<!tpu.dma_semaphore, #tpu.memory_space<semaphore_mem>>
          %dma_start3A_139 = arith.constant 0 : i32
          %dma_start3A_140 = arith.constant 0 : i32
          %dma_start3A_141 = tpu.memref_slice %arg9[%cond3A_31, %dma_start3A_139, %dma_start3A_140] : memref<2x128x128xf32, #tpu.memory_space<vmem>> -> memref<1x128x128xf32, #tpu.memory_space<vmem>>
          %dma_start3A_142 = tpu.memref_squeeze %dma_start3A_141 : memref<1x128x128xf32, #tpu.memory_space<vmem>> -> memref<128x128xf32, #tpu.memory_space<vmem>>
          %dma_start3A_143 = arith.constant 0 : i32
          %dma_start3A_144 = tpu.memref_slice %arg8[%add3A_89, %dma_start3A_143] : memref<40x128xi32, #tpu.memory_space<vmem>> -> memref<1x128xi32, #tpu.memory_space<vmem>>
          %dma_start3A_145 = tpu.memref_squeeze %dma_start3A_144 : memref<1x128xi32, #tpu.memory_space<vmem>> -> memref<128xi32, #tpu.memory_space<vmem>>
          %dma_start3A_146 = arith.constant 0 : i32
          %dma_start3A_147 = arith.constant 0 : i32
          %dma_start3A_148 = tpu.memref_slice %arg10[%dma_start3A_146, %dma_start3A_147] : memref<10112x128xf32, #tpu.memory_space<vmem_shared>> -> memref<10112x128xf32, #tpu.memory_space<vmem_shared>>
          tpu.enqueue_indirect_dma source(%dma_start3A_142 : memref<128x128xf32, #tpu.memory_space<vmem>>) target(%dma_start3A_148 : memref<10112x128xf32, #tpu.memory_space<vmem_shared>>) offsets(%dma_start3A_145 : memref<128xi32, #tpu.memory_space<vmem>>) semaphore(%run_scoped3A : memref<!tpu.dma_semaphore, #tpu.memory_space<semaphore_mem>>) {add = true}
          %dma_wait3A_149 = arith.constant 0 : i32
          %dma_wait3A_150 = arith.constant 0 : i32
          %dma_wait3A_151 = tpu.memref_slice %arg9[%cond3A_31, %dma_wait3A_149, %dma_wait3A_150] : memref<2x128x128xf32, #tpu.memory_space<vmem>> -> memref<1x128x128xf32, #tpu.memory_space<vmem>>
          %dma_wait3A_152 = tpu.memref_squeeze %dma_wait3A_151 : memref<1x128x128xf32, #tpu.memory_space<vmem>> -> memref<128x128xf32, #tpu.memory_space<vmem>>
          %dma_wait3A_153 = arith.constant 0 : i32
          %dma_wait3A_154 = tpu.memref_slice %arg8[%add3A_89, %dma_wait3A_153] : memref<40x128xi32, #tpu.memory_space<vmem>> -> memref<1x128xi32, #tpu.memory_space<vmem>>
          %dma_wait3A_155 = tpu.memref_squeeze %dma_wait3A_154 : memref<1x128xi32, #tpu.memory_space<vmem>> -> memref<128xi32, #tpu.memory_space<vmem>>
          %dma_wait3A_156 = arith.constant 0 : i32
          %dma_wait3A_157 = arith.constant 0 : i32
          %dma_wait3A_158 = tpu.memref_slice %arg10[%dma_wait3A_156, %dma_wait3A_157] : memref<10112x128xf32, #tpu.memory_space<vmem_shared>> -> memref<10112x128xf32, #tpu.memory_space<vmem_shared>>
          tpu.wait_indirect_dma semaphore(%run_scoped3A : memref<!tpu.dma_semaphore, #tpu.memory_space<semaphore_mem>>) src(%dma_wait3A_152 : memref<128x128xf32, #tpu.memory_space<vmem>>) dst(%dma_wait3A_158 : memref<10112x128xf32, #tpu.memory_space<vmem_shared>>)
          tpu.yield
        }) : () -> ()
        %add3A_100 = arith.constant 2 : i32
        %add3A_101 = arith.addi %add3A_89, %add3A_100 : i32
        %min3A = arith.constant 39 : i32
        %min3A_102 = arith.minsi %add3A_101, %min3A : i32
        %dma_start3A_103 = arith.constant 0 : i32
        %dma_start3A_104 = arith.constant 0 : i32
        %dma_start3A_105 = tpu.memref_slice %arg9[%cond3A_31, %dma_start3A_103, %dma_start3A_104] : memref<2x128x128xf32, #tpu.memory_space<vmem>> -> memref<1x128x128xf32, #tpu.memory_space<vmem>>
        %dma_start3A_106 = tpu.memref_squeeze %dma_start3A_105 : memref<1x128x128xf32, #tpu.memory_space<vmem>> -> memref<128x128xf32, #tpu.memory_space<vmem>>
        %dma_start3A_107 = arith.constant 0 : i32
        %dma_start3A_108 = tpu.memref_slice %arg7[%min3A_102, %dma_start3A_107] : memref<40x128xi32, #tpu.memory_space<vmem>> -> memref<1x128xi32, #tpu.memory_space<vmem>>
        %dma_start3A_109 = tpu.memref_squeeze %dma_start3A_108 : memref<1x128xi32, #tpu.memory_space<vmem>> -> memref<128xi32, #tpu.memory_space<vmem>>
        %dma_start3A_110 = arith.constant 0 : i32
        %dma_start3A_111 = arith.constant 0 : i32
        %dma_start3A_112 = tpu.memref_slice %arg2[%dma_start3A_110, %dma_start3A_111] : memref<10112x128xf32, #tpu.memory_space<hbm>> -> memref<10112x128xf32, #tpu.memory_space<hbm>>
        tpu.enqueue_indirect_dma source(%dma_start3A_112 : memref<10112x128xf32, #tpu.memory_space<hbm>>) target(%dma_start3A_106 : memref<128x128xf32, #tpu.memory_space<vmem>>) offsets(%dma_start3A_109 : memref<128xi32, #tpu.memory_space<vmem>>) semaphore(%arg11 : memref<!tpu.dma_semaphore, #tpu.memory_space<semaphore_mem>>)
        %add3A_113 = arith.constant 1 : i32
        %add3A_114 = arith.addi %mul3A_87, %add3A_113 : i32
        %dma_wait3A_115 = arith.constant 0 : i32
        %dma_wait3A_116 = arith.constant 0 : i32
        %dma_wait3A_117 = tpu.memref_slice %arg9[%cond3A_32, %dma_wait3A_115, %dma_wait3A_116] : memref<2x128x128xf32, #tpu.memory_space<vmem>> -> memref<1x128x128xf32, #tpu.memory_space<vmem>>
        %dma_wait3A_118 = tpu.memref_squeeze %dma_wait3A_117 : memref<1x128x128xf32, #tpu.memory_space<vmem>> -> memref<128x128xf32, #tpu.memory_space<vmem>>
        %dma_wait3A_119 = arith.constant 0 : i32
        %dma_wait3A_120 = tpu.memref_slice %arg7[%add3A_114, %dma_wait3A_119] : memref<40x128xi32, #tpu.memory_space<vmem>> -> memref<1x128xi32, #tpu.memory_space<vmem>>
        %dma_wait3A_121 = tpu.memref_squeeze %dma_wait3A_120 : memref<1x128xi32, #tpu.memory_space<vmem>> -> memref<128xi32, #tpu.memory_space<vmem>>
        %dma_wait3A_122 = arith.constant 0 : i32
        %dma_wait3A_123 = arith.constant 0 : i32
        %dma_wait3A_124 = tpu.memref_slice %arg2[%dma_wait3A_122, %dma_wait3A_123] : memref<10112x128xf32, #tpu.memory_space<hbm>> -> memref<10112x128xf32, #tpu.memory_space<hbm>>
        tpu.wait_indirect_dma semaphore(%arg12 : memref<!tpu.dma_semaphore, #tpu.memory_space<semaphore_mem>>) src(%dma_wait3A_124 : memref<10112x128xf32, #tpu.memory_space<hbm>>) dst(%dma_wait3A_118 : memref<128x128xf32, #tpu.memory_space<vmem>>)
        "tpu.region"() ({
          %run_scoped3A = tpu.sem_alloc : memref<!tpu.dma_semaphore, #tpu.memory_space<semaphore_mem>>
          %dma_start3A_139 = arith.constant 0 : i32
          %dma_start3A_140 = arith.constant 0 : i32
          %dma_start3A_141 = tpu.memref_slice %arg9[%cond3A_32, %dma_start3A_139, %dma_start3A_140] : memref<2x128x128xf32, #tpu.memory_space<vmem>> -> memref<1x128x128xf32, #tpu.memory_space<vmem>>
          %dma_start3A_142 = tpu.memref_squeeze %dma_start3A_141 : memref<1x128x128xf32, #tpu.memory_space<vmem>> -> memref<128x128xf32, #tpu.memory_space<vmem>>
          %dma_start3A_143 = arith.constant 0 : i32
          %dma_start3A_144 = tpu.memref_slice %arg8[%add3A_114, %dma_start3A_143] : memref<40x128xi32, #tpu.memory_space<vmem>> -> memref<1x128xi32, #tpu.memory_space<vmem>>
          %dma_start3A_145 = tpu.memref_squeeze %dma_start3A_144 : memref<1x128xi32, #tpu.memory_space<vmem>> -> memref<128xi32, #tpu.memory_space<vmem>>
          %dma_start3A_146 = arith.constant 0 : i32
          %dma_start3A_147 = arith.constant 0 : i32
          %dma_start3A_148 = tpu.memref_slice %arg10[%dma_start3A_146, %dma_start3A_147] : memref<10112x128xf32, #tpu.memory_space<vmem_shared>> -> memref<10112x128xf32, #tpu.memory_space<vmem_shared>>
          tpu.enqueue_indirect_dma source(%dma_start3A_142 : memref<128x128xf32, #tpu.memory_space<vmem>>) target(%dma_start3A_148 : memref<10112x128xf32, #tpu.memory_space<vmem_shared>>) offsets(%dma_start3A_145 : memref<128xi32, #tpu.memory_space<vmem>>) semaphore(%run_scoped3A : memref<!tpu.dma_semaphore, #tpu.memory_space<semaphore_mem>>) {add = true}
          %dma_wait3A_149 = arith.constant 0 : i32
          %dma_wait3A_150 = arith.constant 0 : i32
          %dma_wait3A_151 = tpu.memref_slice %arg9[%cond3A_32, %dma_wait3A_149, %dma_wait3A_150] : memref<2x128x128xf32, #tpu.memory_space<vmem>> -> memref<1x128x128xf32, #tpu.memory_space<vmem>>
          %dma_wait3A_152 = tpu.memref_squeeze %dma_wait3A_151 : memref<1x128x128xf32, #tpu.memory_space<vmem>> -> memref<128x128xf32, #tpu.memory_space<vmem>>
          %dma_wait3A_153 = arith.constant 0 : i32
          %dma_wait3A_154 = tpu.memref_slice %arg8[%add3A_114, %dma_wait3A_153] : memref<40x128xi32, #tpu.memory_space<vmem>> -> memref<1x128xi32, #tpu.memory_space<vmem>>
          %dma_wait3A_155 = tpu.memref_squeeze %dma_wait3A_154 : memref<1x128xi32, #tpu.memory_space<vmem>> -> memref<128xi32, #tpu.memory_space<vmem>>
          %dma_wait3A_156 = arith.constant 0 : i32
          %dma_wait3A_157 = arith.constant 0 : i32
          %dma_wait3A_158 = tpu.memref_slice %arg10[%dma_wait3A_156, %dma_wait3A_157] : memref<10112x128xf32, #tpu.memory_space<vmem_shared>> -> memref<10112x128xf32, #tpu.memory_space<vmem_shared>>
          tpu.wait_indirect_dma semaphore(%run_scoped3A : memref<!tpu.dma_semaphore, #tpu.memory_space<semaphore_mem>>) src(%dma_wait3A_152 : memref<128x128xf32, #tpu.memory_space<vmem>>) dst(%dma_wait3A_158 : memref<10112x128xf32, #tpu.memory_space<vmem_shared>>)
          tpu.yield
        }) : () -> ()
        %add3A_125 = arith.constant 2 : i32
        %add3A_126 = arith.addi %add3A_114, %add3A_125 : i32
        %min3A_127 = arith.constant 39 : i32
        %min3A_128 = arith.minsi %add3A_126, %min3A_127 : i32
        %dma_start3A_129 = arith.constant 0 : i32
        %dma_start3A_130 = arith.constant 0 : i32
        %dma_start3A_131 = tpu.memref_slice %arg9[%cond3A_32, %dma_start3A_129, %dma_start3A_130] : memref<2x128x128xf32, #tpu.memory_space<vmem>> -> memref<1x128x128xf32, #tpu.memory_space<vmem>>
        %dma_start3A_132 = tpu.memref_squeeze %dma_start3A_131 : memref<1x128x128xf32, #tpu.memory_space<vmem>> -> memref<128x128xf32, #tpu.memory_space<vmem>>
        %dma_start3A_133 = arith.constant 0 : i32
        %dma_start3A_134 = tpu.memref_slice %arg7[%min3A_128, %dma_start3A_133] : memref<40x128xi32, #tpu.memory_space<vmem>> -> memref<1x128xi32, #tpu.memory_space<vmem>>
        %dma_start3A_135 = tpu.memref_squeeze %dma_start3A_134 : memref<1x128xi32, #tpu.memory_space<vmem>> -> memref<128xi32, #tpu.memory_space<vmem>>
        %dma_start3A_136 = arith.constant 0 : i32
        %dma_start3A_137 = arith.constant 0 : i32
        %dma_start3A_138 = tpu.memref_slice %arg2[%dma_start3A_136, %dma_start3A_137] : memref<10112x128xf32, #tpu.memory_space<hbm>> -> memref<10112x128xf32, #tpu.memory_space<hbm>>
        tpu.enqueue_indirect_dma source(%dma_start3A_138 : memref<10112x128xf32, #tpu.memory_space<hbm>>) target(%dma_start3A_132 : memref<128x128xf32, #tpu.memory_space<vmem>>) offsets(%dma_start3A_135 : memref<128xi32, #tpu.memory_space<vmem>>) semaphore(%arg12 : memref<!tpu.dma_semaphore, #tpu.memory_space<semaphore_mem>>)
      }
      %scan3A_63 = arith.constant 20 : i32
      %dma_wait3A = arith.constant 39 : i32
      %dma_wait3A_64 = arith.constant 0 : i32
      %dma_wait3A_65 = arith.constant 0 : i32
      %dma_wait3A_66 = tpu.memref_slice %arg9[%cond3A_31, %dma_wait3A_64, %dma_wait3A_65] : memref<2x128x128xf32, #tpu.memory_space<vmem>> -> memref<1x128x128xf32, #tpu.memory_space<vmem>>
      %dma_wait3A_67 = tpu.memref_squeeze %dma_wait3A_66 : memref<1x128x128xf32, #tpu.memory_space<vmem>> -> memref<128x128xf32, #tpu.memory_space<vmem>>
      %dma_wait3A_68 = arith.constant 0 : i32
      %dma_wait3A_69 = tpu.memref_slice %arg7[%dma_wait3A, %dma_wait3A_68] : memref<40x128xi32, #tpu.memory_space<vmem>> -> memref<1x128xi32, #tpu.memory_space<vmem>>
      %dma_wait3A_70 = tpu.memref_squeeze %dma_wait3A_69 : memref<1x128xi32, #tpu.memory_space<vmem>> -> memref<128xi32, #tpu.memory_space<vmem>>
      %dma_wait3A_71 = arith.constant 0 : i32
      %dma_wait3A_72 = arith.constant 0 : i32
      %dma_wait3A_73 = tpu.memref_slice %arg2[%dma_wait3A_71, %dma_wait3A_72] : memref<10112x128xf32, #tpu.memory_space<hbm>> -> memref<10112x128xf32, #tpu.memory_space<hbm>>
      tpu.wait_indirect_dma semaphore(%arg11 : memref<!tpu.dma_semaphore, #tpu.memory_space<semaphore_mem>>) src(%dma_wait3A_73 : memref<10112x128xf32, #tpu.memory_space<hbm>>) dst(%dma_wait3A_67 : memref<128x128xf32, #tpu.memory_space<vmem>>)
      %dma_wait3A_74 = arith.constant 39 : i32
      %dma_wait3A_75 = arith.constant 0 : i32
      %dma_wait3A_76 = arith.constant 0 : i32
      %dma_wait3A_77 = tpu.memref_slice %arg9[%cond3A_32, %dma_wait3A_75, %dma_wait3A_76] : memref<2x128x128xf32, #tpu.memory_space<vmem>> -> memref<1x128x128xf32, #tpu.memory_space<vmem>>
      %dma_wait3A_78 = tpu.memref_squeeze %dma_wait3A_77 : memref<1x128x128xf32, #tpu.memory_space<vmem>> -> memref<128x128xf32, #tpu.memory_space<vmem>>
      %dma_wait3A_79 = arith.constant 0 : i32
      %dma_wait3A_80 = tpu.memref_slice %arg7[%dma_wait3A_74, %dma_wait3A_79] : memref<40x128xi32, #tpu.memory_space<vmem>> -> memref<1x128xi32, #tpu.memory_space<vmem>>
      %dma_wait3A_81 = tpu.memref_squeeze %dma_wait3A_80 : memref<1x128xi32, #tpu.memory_space<vmem>> -> memref<128xi32, #tpu.memory_space<vmem>>
      %dma_wait3A_82 = arith.constant 0 : i32
      %dma_wait3A_83 = arith.constant 0 : i32
      %dma_wait3A_84 = tpu.memref_slice %arg2[%dma_wait3A_82, %dma_wait3A_83] : memref<10112x128xf32, #tpu.memory_space<hbm>> -> memref<10112x128xf32, #tpu.memory_space<hbm>>
      tpu.wait_indirect_dma semaphore(%arg12 : memref<!tpu.dma_semaphore, #tpu.memory_space<semaphore_mem>>) src(%dma_wait3A_84 : memref<10112x128xf32, #tpu.memory_space<hbm>>) dst(%dma_wait3A_78 : memref<128x128xf32, #tpu.memory_space<vmem>>)
    } else {
    }
    %barrier3A_35 = arith.constant 0 : index
    tpu.barrier barrier_id(%barrier3A_35)
    "tpu.region"() ({
      %run_scoped3A = tpu.sem_alloc : memref<!tpu.dma_semaphore, #tpu.memory_space<semaphore_mem>>
      %dma_start3A = arith.constant 0 : i32
      %dma_start3A_36 = tpu.memref_slice %arg6[%arg0, %mul3A_0, %dma_start3A] : memref<2x10112x128xf32, #tpu.memory_space<hbm>> -> memref<1x632x128xf32, #tpu.memory_space<hbm>>
      %dma_start3A_37 = tpu.memref_squeeze %dma_start3A_36 : memref<1x632x128xf32, #tpu.memory_space<hbm>> -> memref<632x128xf32, #tpu.memory_space<hbm>>
      %dma_start3A_38 = arith.constant 0 : i32
      %dma_start3A_39 = tpu.memref_slice %arg10[%mul3A_0, %dma_start3A_38] : memref<10112x128xf32, #tpu.memory_space<vmem_shared>> -> memref<632x128xf32, #tpu.memory_space<vmem_shared>>
      tpu.enqueue_dma source(%dma_start3A_39 : memref<632x128xf32, #tpu.memory_space<vmem_shared>>) target(%dma_start3A_37 : memref<632x128xf32, #tpu.memory_space<hbm>>) target_semaphore(%run_scoped3A : memref<!tpu.dma_semaphore, #tpu.memory_space<semaphore_mem>>)
      %dma_wait3A = arith.constant 0 : i32
      %dma_wait3A_40 = tpu.memref_slice %arg6[%arg0, %mul3A_0, %dma_wait3A] : memref<2x10112x128xf32, #tpu.memory_space<hbm>> -> memref<1x632x128xf32, #tpu.memory_space<hbm>>
      %dma_wait3A_41 = tpu.memref_squeeze %dma_wait3A_40 : memref<1x632x128xf32, #tpu.memory_space<hbm>> -> memref<632x128xf32, #tpu.memory_space<hbm>>
      %dma_wait3A_42 = arith.constant 0 : i32
      %dma_wait3A_43 = tpu.memref_slice %arg10[%mul3A_0, %dma_wait3A_42] : memref<10112x128xf32, #tpu.memory_space<vmem_shared>> -> memref<632x128xf32, #tpu.memory_space<vmem_shared>>
      tpu.wait_dma2 semaphore(%run_scoped3A : memref<!tpu.dma_semaphore, #tpu.memory_space<semaphore_mem>>) src(%dma_wait3A_43 : memref<632x128xf32, #tpu.memory_space<vmem_shared>>) dst(%dma_wait3A_41 : memref<632x128xf32, #tpu.memory_space<hbm>>)
      tpu.yield
    }) : () -> ()
    return
  }
}

module attributes {stable_mosaic.version = 14 : i64} {
  func.func @_tc_combine_body(%arg0: memref<2x10112x128xf32, #tpu.memory_space<vmem>>, %arg1: memref<10112x128xf32, #tpu.memory_space<vmem>>, %arg2: memref<2x10112x128xf32, #tpu.memory_space<vmem>>, %arg3: memref<1x128xf32, #tpu.memory_space<vmem>>, %arg4: memref<1x128xf32, #tpu.memory_space<vmem>>, %arg5: memref<1x128xf32, #tpu.memory_space<vmem>>, %arg6: memref<128x128xf32, #tpu.memory_space<vmem>>, %arg7: memref<10112x128xf32, #tpu.memory_space<vmem>>) attributes {dimension_semantics = [], scalar_prefetch = 0 : i64, scratch_operands = 0 : i64, tpu.core_type = #tpu.core_type<tc>} {
    %get3A = arith.constant 0 : index
    %get3A_0 = arith.constant 0 : index
    %get3A_1 = arith.constant 0 : index
    %get3A_2 = vector.load %arg2[%get3A, %get3A_0, %get3A_1] : memref<2x10112x128xf32, #tpu.memory_space<vmem>>, vector<1x10000x1xf32>
    %get3A_3 = vector.shape_cast %get3A_2 : vector<1x10000x1xf32> to vector<10000x1xf32>
    %get3A_4 = arith.constant 1 : index
    %get3A_5 = arith.constant 0 : index
    %get3A_6 = arith.constant 0 : index
    %get3A_7 = vector.load %arg2[%get3A_4, %get3A_5, %get3A_6] : memref<2x10112x128xf32, #tpu.memory_space<vmem>>, vector<1x10000x1xf32>
    %get3A_8 = vector.shape_cast %get3A_7 : vector<1x10000x1xf32> to vector<10000x1xf32>
    %add3A = arith.addf %get3A_3, %get3A_8 : vector<10000x1xf32>
    %add3A_9 = arith.constant 1.000000e+00 : f32
    %add3A_10 = vector.broadcast %add3A_9 : f32 to vector<10000x1xf32>
    %add3A_11 = arith.addf %add3A, %add3A_10 : vector<10000x1xf32>
    %rsqrt3A = math.rsqrt %add3A_11 : vector<10000x1xf32>
    %get3A_12 = arith.constant 0 : index
    %get3A_13 = arith.constant 0 : index
    %get3A_14 = arith.constant 0 : index
    %get3A_15 = vector.load %arg0[%get3A_12, %get3A_13, %get3A_14] : memref<2x10112x128xf32, #tpu.memory_space<vmem>>, vector<1x10000x128xf32>
    %get3A_16 = vector.shape_cast %get3A_15 : vector<1x10000x128xf32> to vector<10000x128xf32>
    %get3A_17 = arith.constant 1 : index
    %get3A_18 = arith.constant 0 : index
    %get3A_19 = arith.constant 0 : index
    %get3A_20 = vector.load %arg0[%get3A_17, %get3A_18, %get3A_19] : memref<2x10112x128xf32, #tpu.memory_space<vmem>>, vector<1x10000x128xf32>
    %get3A_21 = vector.shape_cast %get3A_20 : vector<1x10000x128xf32> to vector<10000x128xf32>
    %add3A_22 = arith.addf %get3A_16, %get3A_21 : vector<10000x128xf32>
    %get3A_23 = arith.constant 0 : index
    %get3A_24 = arith.constant 0 : index
    %get3A_25 = vector.load %arg1[%get3A_23, %get3A_24] : memref<10112x128xf32, #tpu.memory_space<vmem>>, vector<10000x128xf32>
    %add3A_26 = arith.addf %add3A_22, %get3A_25 : vector<10000x128xf32>
    %mul3A = vector.broadcast %rsqrt3A : vector<10000x1xf32> to vector<10000x128xf32>
    %mul3A_27 = arith.mulf %mul3A, %add3A_26 : vector<10000x128xf32>
    %get3A_28 = arith.constant 0 : index
    %get3A_29 = arith.constant 0 : index
    %get3A_30 = vector.load %arg3[%get3A_28, %get3A_29] : memref<1x128xf32, #tpu.memory_space<vmem>>, vector<1x128xf32>
    %add3A_31 = vector.broadcast %get3A_30 : vector<1x128xf32> to vector<10000x128xf32>
    %add3A_32 = arith.addf %mul3A_27, %add3A_31 : vector<10000x128xf32>
    %max3A = arith.constant 0.000000e+00 : f32
    %max3A_33 = vector.broadcast %max3A : f32 to vector<10000x128xf32>
    %max3A_34 = arith.maximumf %add3A_32, %max3A_33 : vector<10000x128xf32>
    %get3A_35 = arith.constant 0 : index
    %get3A_36 = arith.constant 0 : index
    %get3A_37 = vector.load %arg4[%get3A_35, %get3A_36] : memref<1x128xf32, #tpu.memory_space<vmem>>, vector<1x128xf32>
    %get3A_38 = arith.constant 0 : index
    %get3A_39 = arith.constant 0 : index
    %get3A_40 = vector.load %arg5[%get3A_38, %get3A_39] : memref<1x128xf32, #tpu.memory_space<vmem>>, vector<1x128xf32>
    %reduce_sum3A = arith.constant dense<0.000000e+00> : vector<128xf32>
    %reduce_sum3A_41 = vector.multi_reduction <add>, %max3A_34, %reduce_sum3A [0] : vector<10000x128xf32> to vector<128xf32>
    %broadcast_in_dim3A = vector.shape_cast %reduce_sum3A_41 : vector<128xf32> to vector<1x128xf32>
    %div3A = arith.constant 1.000000e+04 : f32
    %div3A_42 = vector.broadcast %div3A : f32 to vector<1x128xf32>
    %div3A_43 = arith.divf %broadcast_in_dim3A, %div3A_42 : vector<1x128xf32>
    %jit3A = arith.constant 0 : i32
    %reduce_sum3A_44 = arith.constant dense<0.000000e+00> : vector<128xf32>
    %reduce_sum3A_45 = vector.multi_reduction <add>, %max3A_34, %reduce_sum3A_44 [0] : vector<10000x128xf32> to vector<128xf32>
    %broadcast_in_dim3A_46 = vector.shape_cast %reduce_sum3A_45 : vector<128xf32> to vector<1x128xf32>
    %div3A_47 = arith.constant 1.000000e+04 : f32
    %div3A_48 = vector.broadcast %div3A_47 : f32 to vector<1x128xf32>
    %div3A_49 = arith.divf %broadcast_in_dim3A_46, %div3A_48 : vector<1x128xf32>
    %sub3A = vector.broadcast %div3A_49 : vector<1x128xf32> to vector<10000x128xf32>
    %sub3A_50 = arith.subf %max3A_34, %sub3A : vector<10000x128xf32>
    %square3A = arith.mulf %sub3A_50, %sub3A_50 : vector<10000x128xf32>
    %convert_element_type3A = arith.sitofp %jit3A : i32 to f32
    %sub3A_51 = arith.constant 1.000000e+04 : f32
    %sub3A_52 = arith.subf %sub3A_51, %convert_element_type3A : f32
    %reduce_sum3A_53 = arith.constant dense<0.000000e+00> : vector<128xf32>
    %reduce_sum3A_54 = vector.multi_reduction <add>, %square3A, %reduce_sum3A_53 [0] : vector<10000x128xf32> to vector<128xf32>
    %broadcast_in_dim3A_55 = vector.shape_cast %reduce_sum3A_54 : vector<128xf32> to vector<1x128xf32>
    %div3A_56 = vector.broadcast %sub3A_52 : f32 to vector<1x128xf32>
    %div3A_57 = arith.divf %broadcast_in_dim3A_55, %div3A_56 : vector<1x128xf32>
    %gt3A = arith.constant 0.000000e+00 : f32
    %gt3A_58 = arith.cmpf ogt, %sub3A_52, %gt3A : f32
    %jit3A_59 = arith.constant 0x7FC00000 : f32
    %broadcast_in_dim3A_60 = vector.broadcast %jit3A_59 : f32 to vector<1x128xf32>
    %select_n3A = arith.select %gt3A_58, %div3A_57, %broadcast_in_dim3A_60 : vector<1x128xf32>
    %sub3A_61 = vector.broadcast %div3A_43 : vector<1x128xf32> to vector<10000x128xf32>
    %sub3A_62 = arith.subf %max3A_34, %sub3A_61 : vector<10000x128xf32>
    %mul3A_63 = vector.broadcast %get3A_37 : vector<1x128xf32> to vector<10000x128xf32>
    %mul3A_64 = arith.mulf %mul3A_63, %sub3A_62 : vector<10000x128xf32>
    %add3A_65 = arith.constant 9.99999974E-6 : f32
    %add3A_66 = vector.broadcast %add3A_65 : f32 to vector<1x128xf32>
    %add3A_67 = arith.addf %select_n3A, %add3A_66 : vector<1x128xf32>
    %sqrt3A = math.sqrt %add3A_67 : vector<1x128xf32>
    %div3A_68 = vector.broadcast %sqrt3A : vector<1x128xf32> to vector<10000x128xf32>
    %div3A_69 = arith.divf %mul3A_64, %div3A_68 : vector<10000x128xf32>
    %add3A_70 = vector.broadcast %get3A_40 : vector<1x128xf32> to vector<10000x128xf32>
    %add3A_71 = arith.addf %div3A_69, %add3A_70 : vector<10000x128xf32>
    %get3A_72 = arith.constant 0 : index
    %get3A_73 = arith.constant 0 : index
    %get3A_74 = vector.load %arg6[%get3A_72, %get3A_73] : memref<128x128xf32, #tpu.memory_space<vmem>>, vector<128x128xf32>
    %dot_general3A = arith.constant dense<0.000000e+00> : vector<10000x128xf32>
    %dot_general3A_75 = tpu.matmul %add3A_71, %get3A_74, %dot_general3A {dimension_numbers = #tpu.dot_dimension_numbers<[1], [0], [0], [1], [0, 0, 1, 1], [], []>, transpose_lhs_hint = false} : vector<10000x128xf32>, vector<128x128xf32>, vector<10000x128xf32> -> vector<10000x128xf32>
    %mul3A_76 = vector.broadcast %rsqrt3A : vector<10000x1xf32> to vector<10000x128xf32>
    %mul3A_77 = arith.mulf %mul3A_76, %dot_general3A_75 : vector<10000x128xf32>
    %swap3A = arith.constant 0 : index
    %swap3A_78 = arith.constant 0 : index
    %swap3A_79 = vector.load %arg7[%swap3A, %swap3A_78] : memref<10112x128xf32, #tpu.memory_space<vmem>>, vector<10000x128xf32>
    tpu.vector_store %arg7[%swap3A, %swap3A_78], %mul3A_77 {strides = array<i32>} : memref<10112x128xf32, #tpu.memory_space<vmem>>, vector<10000x128xf32>,
    %broadcast_in_dim3A_80 = arith.constant 0.000000e+00 : f32
    %broadcast_in_dim3A_81 = vector.broadcast %broadcast_in_dim3A_80 : f32 to vector<112x128xf32>
    %swap3A_82 = arith.constant 10000 : index
    %swap3A_83 = arith.constant 0 : index
    %swap3A_84 = vector.load %arg7[%swap3A_82, %swap3A_83] : memref<10112x128xf32, #tpu.memory_space<vmem>>, vector<112x128xf32>
    tpu.vector_store %arg7[%swap3A_82, %swap3A_83], %broadcast_in_dim3A_81 {strides = array<i32>} : memref<10112x128xf32, #tpu.memory_space<vmem>>, vector<112x128xf32>,
    return
  }
}

module attributes {stable_mosaic.version = 14 : i64} {
  func.func @_tc_feat_body(%arg0: memref<10000x128xf32, #tpu.memory_space<vmem>>, %arg1: memref<1x128xf32, #tpu.memory_space<vmem>>, %arg2: memref<1x128xf32, #tpu.memory_space<vmem>>, %arg3: memref<128x128xf32, #tpu.memory_space<vmem>>, %arg4: memref<1x128xf32, #tpu.memory_space<vmem>>, %arg5: memref<1x128xf32, #tpu.memory_space<vmem>>, %arg6: memref<128x128xf32, #tpu.memory_space<vmem>>, %arg7: memref<2x10112x128xf32, #tpu.memory_space<vmem>>, %arg8: memref<10112x128xf32, #tpu.memory_space<vmem>>) attributes {dimension_semantics = [], scalar_prefetch = 0 : i64, scratch_operands = 0 : i64, tpu.core_type = #tpu.core_type<tc>} {
    %get3A = arith.constant 0 : index
    %get3A_0 = arith.constant 0 : index
    %get3A_1 = vector.load %arg0[%get3A, %get3A_0] : memref<10000x128xf32, #tpu.memory_space<vmem>>, vector<10000x128xf32>
    %get3A_2 = arith.constant 0 : index
    %get3A_3 = arith.constant 0 : index
    %get3A_4 = vector.load %arg1[%get3A_2, %get3A_3] : memref<1x128xf32, #tpu.memory_space<vmem>>, vector<1x128xf32>
    %get3A_5 = arith.constant 0 : index
    %get3A_6 = arith.constant 0 : index
    %get3A_7 = vector.load %arg2[%get3A_5, %get3A_6] : memref<1x128xf32, #tpu.memory_space<vmem>>, vector<1x128xf32>
    %reduce_sum3A = arith.constant dense<0.000000e+00> : vector<128xf32>
    %reduce_sum3A_8 = vector.multi_reduction <add>, %get3A_1, %reduce_sum3A [0] : vector<10000x128xf32> to vector<128xf32>
    %broadcast_in_dim3A = vector.shape_cast %reduce_sum3A_8 : vector<128xf32> to vector<1x128xf32>
    %div3A = arith.constant 1.000000e+04 : f32
    %div3A_9 = vector.broadcast %div3A : f32 to vector<1x128xf32>
    %div3A_10 = arith.divf %broadcast_in_dim3A, %div3A_9 : vector<1x128xf32>
    %jit3A = arith.constant 0 : i32
    %reduce_sum3A_11 = arith.constant dense<0.000000e+00> : vector<128xf32>
    %reduce_sum3A_12 = vector.multi_reduction <add>, %get3A_1, %reduce_sum3A_11 [0] : vector<10000x128xf32> to vector<128xf32>
    %broadcast_in_dim3A_13 = vector.shape_cast %reduce_sum3A_12 : vector<128xf32> to vector<1x128xf32>
    %div3A_14 = arith.constant 1.000000e+04 : f32
    %div3A_15 = vector.broadcast %div3A_14 : f32 to vector<1x128xf32>
    %div3A_16 = arith.divf %broadcast_in_dim3A_13, %div3A_15 : vector<1x128xf32>
    %sub3A = vector.broadcast %div3A_16 : vector<1x128xf32> to vector<10000x128xf32>
    %sub3A_17 = arith.subf %get3A_1, %sub3A : vector<10000x128xf32>
    %square3A = arith.mulf %sub3A_17, %sub3A_17 : vector<10000x128xf32>
    %convert_element_type3A = arith.sitofp %jit3A : i32 to f32
    %sub3A_18 = arith.constant 1.000000e+04 : f32
    %sub3A_19 = arith.subf %sub3A_18, %convert_element_type3A : f32
    %reduce_sum3A_20 = arith.constant dense<0.000000e+00> : vector<128xf32>
    %reduce_sum3A_21 = vector.multi_reduction <add>, %square3A, %reduce_sum3A_20 [0] : vector<10000x128xf32> to vector<128xf32>
    %broadcast_in_dim3A_22 = vector.shape_cast %reduce_sum3A_21 : vector<128xf32> to vector<1x128xf32>
    %div3A_23 = vector.broadcast %sub3A_19 : f32 to vector<1x128xf32>
    %div3A_24 = arith.divf %broadcast_in_dim3A_22, %div3A_23 : vector<1x128xf32>
    %gt3A = arith.constant 0.000000e+00 : f32
    %gt3A_25 = arith.cmpf ogt, %sub3A_19, %gt3A : f32
    %jit3A_26 = arith.constant 0x7FC00000 : f32
    %broadcast_in_dim3A_27 = vector.broadcast %jit3A_26 : f32 to vector<1x128xf32>
    %select_n3A = arith.select %gt3A_25, %div3A_24, %broadcast_in_dim3A_27 : vector<1x128xf32>
    %sub3A_28 = vector.broadcast %div3A_10 : vector<1x128xf32> to vector<10000x128xf32>
    %sub3A_29 = arith.subf %get3A_1, %sub3A_28 : vector<10000x128xf32>
    %mul3A = vector.broadcast %get3A_4 : vector<1x128xf32> to vector<10000x128xf32>
    %mul3A_30 = arith.mulf %mul3A, %sub3A_29 : vector<10000x128xf32>
    %add3A = arith.constant 9.99999974E-6 : f32
    %add3A_31 = vector.broadcast %add3A : f32 to vector<1x128xf32>
    %add3A_32 = arith.addf %select_n3A, %add3A_31 : vector<1x128xf32>
    %sqrt3A = math.sqrt %add3A_32 : vector<1x128xf32>
    %div3A_33 = vector.broadcast %sqrt3A : vector<1x128xf32> to vector<10000x128xf32>
    %div3A_34 = arith.divf %mul3A_30, %div3A_33 : vector<10000x128xf32>
    %add3A_35 = vector.broadcast %get3A_7 : vector<1x128xf32> to vector<10000x128xf32>
    %add3A_36 = arith.addf %div3A_34, %add3A_35 : vector<10000x128xf32>
    %get3A_37 = arith.constant 0 : index
    %get3A_38 = arith.constant 0 : index
    %get3A_39 = vector.load %arg3[%get3A_37, %get3A_38] : memref<128x128xf32, #tpu.memory_space<vmem>>, vector<128x128xf32>
    %dot_general3A = arith.constant dense<0.000000e+00> : vector<10000x128xf32>
    %dot_general3A_40 = tpu.matmul %add3A_36, %get3A_39, %dot_general3A {dimension_numbers = #tpu.dot_dimension_numbers<[1], [0], [0], [1], [0, 0, 1, 1], [], []>, transpose_lhs_hint = false} : vector<10000x128xf32>, vector<128x128xf32>, vector<10000x128xf32> -> vector<10000x128xf32>
    %max3A = arith.constant 0.000000e+00 : f32
    %max3A_41 = vector.broadcast %max3A : f32 to vector<10000x128xf32>
    %max3A_42 = arith.maximumf %dot_general3A_40, %max3A_41 : vector<10000x128xf32>
    %get3A_43 = arith.constant 0 : index
    %get3A_44 = arith.constant 0 : index
    %get3A_45 = vector.load %arg4[%get3A_43, %get3A_44] : memref<1x128xf32, #tpu.memory_space<vmem>>, vector<1x128xf32>
    %get3A_46 = arith.constant 0 : index
    %get3A_47 = arith.constant 0 : index
    %get3A_48 = vector.load %arg5[%get3A_46, %get3A_47] : memref<1x128xf32, #tpu.memory_space<vmem>>, vector<1x128xf32>
    %reduce_sum3A_49 = arith.constant dense<0.000000e+00> : vector<128xf32>
    %reduce_sum3A_50 = vector.multi_reduction <add>, %max3A_42, %reduce_sum3A_49 [0] : vector<10000x128xf32> to vector<128xf32>
    %broadcast_in_dim3A_51 = vector.shape_cast %reduce_sum3A_50 : vector<128xf32> to vector<1x128xf32>
    %div3A_52 = arith.constant 1.000000e+04 : f32
    %div3A_53 = vector.broadcast %div3A_52 : f32 to vector<1x128xf32>
    %div3A_54 = arith.divf %broadcast_in_dim3A_51, %div3A_53 : vector<1x128xf32>
    %jit3A_55 = arith.constant 0 : i32
    %reduce_sum3A_56 = arith.constant dense<0.000000e+00> : vector<128xf32>
    %reduce_sum3A_57 = vector.multi_reduction <add>, %max3A_42, %reduce_sum3A_56 [0] : vector<10000x128xf32> to vector<128xf32>
    %broadcast_in_dim3A_58 = vector.shape_cast %reduce_sum3A_57 : vector<128xf32> to vector<1x128xf32>
    %div3A_59 = arith.constant 1.000000e+04 : f32
    %div3A_60 = vector.broadcast %div3A_59 : f32 to vector<1x128xf32>
    %div3A_61 = arith.divf %broadcast_in_dim3A_58, %div3A_60 : vector<1x128xf32>
    %sub3A_62 = vector.broadcast %div3A_61 : vector<1x128xf32> to vector<10000x128xf32>
    %sub3A_63 = arith.subf %max3A_42, %sub3A_62 : vector<10000x128xf32>
    %square3A_64 = arith.mulf %sub3A_63, %sub3A_63 : vector<10000x128xf32>
    %convert_element_type3A_65 = arith.sitofp %jit3A_55 : i32 to f32
    %sub3A_66 = arith.constant 1.000000e+04 : f32
    %sub3A_67 = arith.subf %sub3A_66, %convert_element_type3A_65 : f32
    %reduce_sum3A_68 = arith.constant dense<0.000000e+00> : vector<128xf32>
    %reduce_sum3A_69 = vector.multi_reduction <add>, %square3A_64, %reduce_sum3A_68 [0] : vector<10000x128xf32> to vector<128xf32>
    %broadcast_in_dim3A_70 = vector.shape_cast %reduce_sum3A_69 : vector<128xf32> to vector<1x128xf32>
    %div3A_71 = vector.broadcast %sub3A_67 : f32 to vector<1x128xf32>
    %div3A_72 = arith.divf %broadcast_in_dim3A_70, %div3A_71 : vector<1x128xf32>
    %gt3A_73 = arith.constant 0.000000e+00 : f32
    %gt3A_74 = arith.cmpf ogt, %sub3A_67, %gt3A_73 : f32
    %jit3A_75 = arith.constant 0x7FC00000 : f32
    %broadcast_in_dim3A_76 = vector.broadcast %jit3A_75 : f32 to vector<1x128xf32>
    %select_n3A_77 = arith.select %gt3A_74, %div3A_72, %broadcast_in_dim3A_76 : vector<1x128xf32>
    %sub3A_78 = vector.broadcast %div3A_54 : vector<1x128xf32> to vector<10000x128xf32>
    %sub3A_79 = arith.subf %max3A_42, %sub3A_78 : vector<10000x128xf32>
    %mul3A_80 = vector.broadcast %get3A_45 : vector<1x128xf32> to vector<10000x128xf32>
    %mul3A_81 = arith.mulf %mul3A_80, %sub3A_79 : vector<10000x128xf32>
    %add3A_82 = arith.constant 9.99999974E-6 : f32
    %add3A_83 = vector.broadcast %add3A_82 : f32 to vector<1x128xf32>
    %add3A_84 = arith.addf %select_n3A_77, %add3A_83 : vector<1x128xf32>
    %sqrt3A_85 = math.sqrt %add3A_84 : vector<1x128xf32>
    %div3A_86 = vector.broadcast %sqrt3A_85 : vector<1x128xf32> to vector<10000x128xf32>
    %div3A_87 = arith.divf %mul3A_81, %div3A_86 : vector<10000x128xf32>
    %add3A_88 = vector.broadcast %get3A_48 : vector<1x128xf32> to vector<10000x128xf32>
    %add3A_89 = arith.addf %div3A_87, %add3A_88 : vector<10000x128xf32>
    %get3A_90 = arith.constant 0 : index
    %get3A_91 = arith.constant 0 : index
    %get3A_92 = vector.load %arg6[%get3A_90, %get3A_91] : memref<128x128xf32, #tpu.memory_space<vmem>>, vector<128x128xf32>
    %dot_general3A_93 = arith.constant dense<0.000000e+00> : vector<10000x128xf32>
    %dot_general3A_94 = tpu.matmul %add3A_89, %get3A_92, %dot_general3A_93 {dimension_numbers = #tpu.dot_dimension_numbers<[1], [0], [0], [1], [0, 0, 1, 1], [], []>, transpose_lhs_hint = false} : vector<10000x128xf32>, vector<128x128xf32>, vector<10000x128xf32> -> vector<10000x128xf32>
    %get3A_95 = arith.constant 0 : index
    %get3A_96 = arith.constant 0 : index
    %get3A_97 = arith.constant 0 : index
    %get3A_98 = vector.load %arg7[%get3A_95, %get3A_96, %get3A_97] : memref<2x10112x128xf32, #tpu.memory_space<vmem>>, vector<1x10000x1xf32>
    %get3A_99 = vector.shape_cast %get3A_98 : vector<1x10000x1xf32> to vector<10000x1xf32>
    %get3A_100 = arith.constant 1 : index
    %get3A_101 = arith.constant 0 : index
    %get3A_102 = arith.constant 0 : index
    %get3A_103 = vector.load %arg7[%get3A_100, %get3A_101, %get3A_102] : memref<2x10112x128xf32, #tpu.memory_space<vmem>>, vector<1x10000x1xf32>
    %get3A_104 = vector.shape_cast %get3A_103 : vector<1x10000x1xf32> to vector<10000x1xf32>
    %add3A_105 = arith.addf %get3A_99, %get3A_104 : vector<10000x1xf32>
    %add3A_106 = arith.constant 1.000000e+00 : f32
    %add3A_107 = vector.broadcast %add3A_106 : f32 to vector<10000x1xf32>
    %add3A_108 = arith.addf %add3A_105, %add3A_107 : vector<10000x1xf32>
    %rsqrt3A = math.rsqrt %add3A_108 : vector<10000x1xf32>
    %mul3A_109 = vector.broadcast %rsqrt3A : vector<10000x1xf32> to vector<10000x128xf32>
    %mul3A_110 = arith.mulf %mul3A_109, %dot_general3A_94 : vector<10000x128xf32>
    %swap3A = arith.constant 0 : index
    %swap3A_111 = arith.constant 0 : index
    %swap3A_112 = vector.load %arg8[%swap3A, %swap3A_111] : memref<10112x128xf32, #tpu.memory_space<vmem>>, vector<10000x128xf32>
    tpu.vector_store %arg8[%swap3A, %swap3A_111], %mul3A_110 {strides = array<i32>} : memref<10112x128xf32, #tpu.memory_space<vmem>>, vector<10000x128xf32>,
    %broadcast_in_dim3A_113 = arith.constant 0.000000e+00 : f32
    %broadcast_in_dim3A_114 = vector.broadcast %broadcast_in_dim3A_113 : f32 to vector<112x128xf32>
    %swap3A_115 = arith.constant 10000 : index
    %swap3A_116 = arith.constant 0 : index
    %swap3A_117 = vector.load %arg8[%swap3A_115, %swap3A_116] : memref<10112x128xf32, #tpu.memory_space<vmem>>, vector<112x128xf32>
    tpu.vector_store %arg8[%swap3A_115, %swap3A_116], %broadcast_in_dim3A_114 {strides = array<i32>} : memref<10112x128xf32, #tpu.memory_space<vmem>>, vector<112x128xf32>,
    return
  }
}

module attributes {stable_mosaic.version = 14 : i64} {
  func.func @_tc_head_body(%arg0: memref<2x10112x128xf32, #tpu.memory_space<vmem>>, %arg1: memref<10112x128xf32, #tpu.memory_space<vmem>>, %arg2: memref<2x10112x128xf32, #tpu.memory_space<vmem>>, %arg3: memref<1x128xf32, #tpu.memory_space<vmem>>, %arg4: memref<1x10000xi32, #tpu.memory_space<vmem>>, %arg5: memref<1x128xf32, #tpu.memory_space<vmem>>, %arg6: memref<1x128xf32, #tpu.memory_space<vmem>>, %arg7: memref<128x128xf32, #tpu.memory_space<vmem>>, %arg8: memref<1x128xf32, #tpu.memory_space<vmem>>, %arg9: memref<1x128xf32, #tpu.memory_space<vmem>>, %arg10: memref<1x128xf32, #tpu.memory_space<vmem>>, %arg11: memref<128x10xf32, #tpu.memory_space<vmem>>, %arg12: memref<1x10xf32, #tpu.memory_space<vmem>>, %arg13: memref<64x10xf32, #tpu.memory_space<vmem>>) attributes {dimension_semantics = [], scalar_prefetch = 0 : i64, scratch_operands = 0 : i64, tpu.core_type = #tpu.core_type<tc>} {
    %get3A = arith.constant 0 : index
    %get3A_0 = arith.constant 0 : index
    %get3A_1 = arith.constant 0 : index
    %get3A_2 = vector.load %arg2[%get3A, %get3A_0, %get3A_1] : memref<2x10112x128xf32, #tpu.memory_space<vmem>>, vector<1x10000x1xf32>
    %get3A_3 = vector.shape_cast %get3A_2 : vector<1x10000x1xf32> to vector<10000x1xf32>
    %get3A_4 = arith.constant 1 : index
    %get3A_5 = arith.constant 0 : index
    %get3A_6 = arith.constant 0 : index
    %get3A_7 = vector.load %arg2[%get3A_4, %get3A_5, %get3A_6] : memref<2x10112x128xf32, #tpu.memory_space<vmem>>, vector<1x10000x1xf32>
    %get3A_8 = vector.shape_cast %get3A_7 : vector<1x10000x1xf32> to vector<10000x1xf32>
    %add3A = arith.addf %get3A_3, %get3A_8 : vector<10000x1xf32>
    %add3A_9 = arith.constant 1.000000e+00 : f32
    %add3A_10 = vector.broadcast %add3A_9 : f32 to vector<10000x1xf32>
    %add3A_11 = arith.addf %add3A, %add3A_10 : vector<10000x1xf32>
    %rsqrt3A = math.rsqrt %add3A_11 : vector<10000x1xf32>
    %get3A_12 = arith.constant 0 : index
    %get3A_13 = arith.constant 0 : index
    %get3A_14 = arith.constant 0 : index
    %get3A_15 = vector.load %arg0[%get3A_12, %get3A_13, %get3A_14] : memref<2x10112x128xf32, #tpu.memory_space<vmem>>, vector<1x10000x128xf32>
    %get3A_16 = vector.shape_cast %get3A_15 : vector<1x10000x128xf32> to vector<10000x128xf32>
    %get3A_17 = arith.constant 1 : index
    %get3A_18 = arith.constant 0 : index
    %get3A_19 = arith.constant 0 : index
    %get3A_20 = vector.load %arg0[%get3A_17, %get3A_18, %get3A_19] : memref<2x10112x128xf32, #tpu.memory_space<vmem>>, vector<1x10000x128xf32>
    %get3A_21 = vector.shape_cast %get3A_20 : vector<1x10000x128xf32> to vector<10000x128xf32>
    %add3A_22 = arith.addf %get3A_16, %get3A_21 : vector<10000x128xf32>
    %get3A_23 = arith.constant 0 : index
    %get3A_24 = arith.constant 0 : index
    %get3A_25 = vector.load %arg1[%get3A_23, %get3A_24] : memref<10112x128xf32, #tpu.memory_space<vmem>>, vector<10000x128xf32>
    %add3A_26 = arith.addf %add3A_22, %get3A_25 : vector<10000x128xf32>
    %mul3A = vector.broadcast %rsqrt3A : vector<10000x1xf32> to vector<10000x128xf32>
    %mul3A_27 = arith.mulf %mul3A, %add3A_26 : vector<10000x128xf32>
    %get3A_28 = arith.constant 0 : index
    %get3A_29 = arith.constant 0 : index
    %get3A_30 = vector.load %arg3[%get3A_28, %get3A_29] : memref<1x128xf32, #tpu.memory_space<vmem>>, vector<1x128xf32>
    %add3A_31 = vector.broadcast %get3A_30 : vector<1x128xf32> to vector<10000x128xf32>
    %add3A_32 = arith.addf %mul3A_27, %add3A_31 : vector<10000x128xf32>
    %max3A = arith.constant 0.000000e+00 : f32
    %max3A_33 = vector.broadcast %max3A : f32 to vector<10000x128xf32>
    %max3A_34 = arith.maximumf %add3A_32, %max3A_33 : vector<10000x128xf32>
    %iota3A = tpu.iota {dimensions = array<i32: 0>} : vector<64x10000xi32>
    %get3A_35 = arith.constant 0 : index
    %get3A_36 = arith.constant 0 : index
    %get3A_37 = vector.load %arg4[%get3A_35, %get3A_36] : memref<1x10000xi32, #tpu.memory_space<vmem>>, vector<1x10000xi32>
    %eq3A = vector.broadcast %get3A_37 : vector<1x10000xi32> to vector<64x10000xi32>
    %eq3A_38 = arith.cmpi eq, %iota3A, %eq3A : vector<64x10000xi32>
    %convert_element_type3A = arith.extui %eq3A_38 : vector<64x10000xi1> to vector<64x10000xi32>
    %convert_element_type3A_39 = arith.sitofp %convert_element_type3A : vector<64x10000xi32> to vector<64x10000xf32>
    %dot_general3A = arith.constant dense<0.000000e+00> : vector<64x128xf32>
    %dot_general3A_40 = tpu.matmul %convert_element_type3A_39, %max3A_34, %dot_general3A {dimension_numbers = #tpu.dot_dimension_numbers<[1], [0], [0], [1], [0, 0, 1, 1], [], []>, transpose_lhs_hint = false} : vector<64x10000xf32>, vector<10000x128xf32>, vector<64x128xf32> -> vector<64x128xf32>
    %get3A_41 = arith.constant 0 : index
    %get3A_42 = arith.constant 0 : index
    %get3A_43 = vector.load %arg5[%get3A_41, %get3A_42] : memref<1x128xf32, #tpu.memory_space<vmem>>, vector<1x128xf32>
    %get3A_44 = arith.constant 0 : index
    %get3A_45 = arith.constant 0 : index
    %get3A_46 = vector.load %arg6[%get3A_44, %get3A_45] : memref<1x128xf32, #tpu.memory_space<vmem>>, vector<1x128xf32>
    %reduce_sum3A = arith.constant dense<0.000000e+00> : vector<128xf32>
    %reduce_sum3A_47 = vector.multi_reduction <add>, %dot_general3A_40, %reduce_sum3A [0] : vector<64x128xf32> to vector<128xf32>
    %broadcast_in_dim3A = vector.shape_cast %reduce_sum3A_47 : vector<128xf32> to vector<1x128xf32>
    %div3A = arith.constant 6.400000e+01 : f32
    %div3A_48 = vector.broadcast %div3A : f32 to vector<1x128xf32>
    %div3A_49 = arith.divf %broadcast_in_dim3A, %div3A_48 : vector<1x128xf32>
    %jit3A = arith.constant 0 : i32
    %reduce_sum3A_50 = arith.constant dense<0.000000e+00> : vector<128xf32>
    %reduce_sum3A_51 = vector.multi_reduction <add>, %dot_general3A_40, %reduce_sum3A_50 [0] : vector<64x128xf32> to vector<128xf32>
    %broadcast_in_dim3A_52 = vector.shape_cast %reduce_sum3A_51 : vector<128xf32> to vector<1x128xf32>
    %div3A_53 = arith.constant 6.400000e+01 : f32
    %div3A_54 = vector.broadcast %div3A_53 : f32 to vector<1x128xf32>
    %div3A_55 = arith.divf %broadcast_in_dim3A_52, %div3A_54 : vector<1x128xf32>
    %sub3A = vector.broadcast %div3A_55 : vector<1x128xf32> to vector<64x128xf32>
    %sub3A_56 = arith.subf %dot_general3A_40, %sub3A : vector<64x128xf32>
    %square3A = arith.mulf %sub3A_56, %sub3A_56 : vector<64x128xf32>
    %convert_element_type3A_57 = arith.sitofp %jit3A : i32 to f32
    %sub3A_58 = arith.constant 6.400000e+01 : f32
    %sub3A_59 = arith.subf %sub3A_58, %convert_element_type3A_57 : f32
    %reduce_sum3A_60 = arith.constant dense<0.000000e+00> : vector<128xf32>
    %reduce_sum3A_61 = vector.multi_reduction <add>, %square3A, %reduce_sum3A_60 [0] : vector<64x128xf32> to vector<128xf32>
    %broadcast_in_dim3A_62 = vector.shape_cast %reduce_sum3A_61 : vector<128xf32> to vector<1x128xf32>
    %div3A_63 = vector.broadcast %sub3A_59 : f32 to vector<1x128xf32>
    %div3A_64 = arith.divf %broadcast_in_dim3A_62, %div3A_63 : vector<1x128xf32>
    %gt3A = arith.constant 0.000000e+00 : f32
    %gt3A_65 = arith.cmpf ogt, %sub3A_59, %gt3A : f32
    %jit3A_66 = arith.constant 0x7FC00000 : f32
    %broadcast_in_dim3A_67 = vector.broadcast %jit3A_66 : f32 to vector<1x128xf32>
    %select_n3A = arith.select %gt3A_65, %div3A_64, %broadcast_in_dim3A_67 : vector<1x128xf32>
    %sub3A_68 = vector.broadcast %div3A_49 : vector<1x128xf32> to vector<64x128xf32>
    %sub3A_69 = arith.subf %dot_general3A_40, %sub3A_68 : vector<64x128xf32>
    %mul3A_70 = vector.broadcast %get3A_43 : vector<1x128xf32> to vector<64x128xf32>
    %mul3A_71 = arith.mulf %mul3A_70, %sub3A_69 : vector<64x128xf32>
    %add3A_72 = arith.constant 9.99999974E-6 : f32
    %add3A_73 = vector.broadcast %add3A_72 : f32 to vector<1x128xf32>
    %add3A_74 = arith.addf %select_n3A, %add3A_73 : vector<1x128xf32>
    %sqrt3A = math.sqrt %add3A_74 : vector<1x128xf32>
    %div3A_75 = vector.broadcast %sqrt3A : vector<1x128xf32> to vector<64x128xf32>
    %div3A_76 = arith.divf %mul3A_71, %div3A_75 : vector<64x128xf32>
    %add3A_77 = vector.broadcast %get3A_46 : vector<1x128xf32> to vector<64x128xf32>
    %add3A_78 = arith.addf %div3A_76, %add3A_77 : vector<64x128xf32>
    %get3A_79 = arith.constant 0 : index
    %get3A_80 = arith.constant 0 : index
    %get3A_81 = vector.load %arg7[%get3A_79, %get3A_80] : memref<128x128xf32, #tpu.memory_space<vmem>>, vector<128x128xf32>
    %dot_general3A_82 = arith.constant dense<0.000000e+00> : vector<64x128xf32>
    %dot_general3A_83 = tpu.matmul %add3A_78, %get3A_81, %dot_general3A_82 {dimension_numbers = #tpu.dot_dimension_numbers<[1], [0], [0], [1], [0, 0, 1, 1], [], []>, transpose_lhs_hint = false} : vector<64x128xf32>, vector<128x128xf32>, vector<64x128xf32> -> vector<64x128xf32>
    %get3A_84 = arith.constant 0 : index
    %get3A_85 = arith.constant 0 : index
    %get3A_86 = vector.load %arg8[%get3A_84, %get3A_85] : memref<1x128xf32, #tpu.memory_space<vmem>>, vector<1x128xf32>
    %add3A_87 = vector.broadcast %get3A_86 : vector<1x128xf32> to vector<64x128xf32>
    %add3A_88 = arith.addf %dot_general3A_83, %add3A_87 : vector<64x128xf32>
    %max3A_89 = arith.constant 0.000000e+00 : f32
    %max3A_90 = vector.broadcast %max3A_89 : f32 to vector<64x128xf32>
    %max3A_91 = arith.maximumf %add3A_88, %max3A_90 : vector<64x128xf32>
    %get3A_92 = arith.constant 0 : index
    %get3A_93 = arith.constant 0 : index
    %get3A_94 = vector.load %arg9[%get3A_92, %get3A_93] : memref<1x128xf32, #tpu.memory_space<vmem>>, vector<1x128xf32>
    %get3A_95 = arith.constant 0 : index
    %get3A_96 = arith.constant 0 : index
    %get3A_97 = vector.load %arg10[%get3A_95, %get3A_96] : memref<1x128xf32, #tpu.memory_space<vmem>>, vector<1x128xf32>
    %reduce_sum3A_98 = arith.constant dense<0.000000e+00> : vector<128xf32>
    %reduce_sum3A_99 = vector.multi_reduction <add>, %max3A_91, %reduce_sum3A_98 [0] : vector<64x128xf32> to vector<128xf32>
    %broadcast_in_dim3A_100 = vector.shape_cast %reduce_sum3A_99 : vector<128xf32> to vector<1x128xf32>
    %div3A_101 = arith.constant 6.400000e+01 : f32
    %div3A_102 = vector.broadcast %div3A_101 : f32 to vector<1x128xf32>
    %div3A_103 = arith.divf %broadcast_in_dim3A_100, %div3A_102 : vector<1x128xf32>
    %jit3A_104 = arith.constant 0 : i32
    %reduce_sum3A_105 = arith.constant dense<0.000000e+00> : vector<128xf32>
    %reduce_sum3A_106 = vector.multi_reduction <add>, %max3A_91, %reduce_sum3A_105 [0] : vector<64x128xf32> to vector<128xf32>
    %broadcast_in_dim3A_107 = vector.shape_cast %reduce_sum3A_106 : vector<128xf32> to vector<1x128xf32>
    %div3A_108 = arith.constant 6.400000e+01 : f32
    %div3A_109 = vector.broadcast %div3A_108 : f32 to vector<1x128xf32>
    %div3A_110 = arith.divf %broadcast_in_dim3A_107, %div3A_109 : vector<1x128xf32>
    %sub3A_111 = vector.broadcast %div3A_110 : vector<1x128xf32> to vector<64x128xf32>
    %sub3A_112 = arith.subf %max3A_91, %sub3A_111 : vector<64x128xf32>
    %square3A_113 = arith.mulf %sub3A_112, %sub3A_112 : vector<64x128xf32>
    %convert_element_type3A_114 = arith.sitofp %jit3A_104 : i32 to f32
    %sub3A_115 = arith.constant 6.400000e+01 : f32
    %sub3A_116 = arith.subf %sub3A_115, %convert_element_type3A_114 : f32
    %reduce_sum3A_117 = arith.constant dense<0.000000e+00> : vector<128xf32>
    %reduce_sum3A_118 = vector.multi_reduction <add>, %square3A_113, %reduce_sum3A_117 [0] : vector<64x128xf32> to vector<128xf32>
    %broadcast_in_dim3A_119 = vector.shape_cast %reduce_sum3A_118 : vector<128xf32> to vector<1x128xf32>
    %div3A_120 = vector.broadcast %sub3A_116 : f32 to vector<1x128xf32>
    %div3A_121 = arith.divf %broadcast_in_dim3A_119, %div3A_120 : vector<1x128xf32>
    %gt3A_122 = arith.constant 0.000000e+00 : f32
    %gt3A_123 = arith.cmpf ogt, %sub3A_116, %gt3A_122 : f32
    %jit3A_124 = arith.constant 0x7FC00000 : f32
    %broadcast_in_dim3A_125 = vector.broadcast %jit3A_124 : f32 to vector<1x128xf32>
    %select_n3A_126 = arith.select %gt3A_123, %div3A_121, %broadcast_in_dim3A_125 : vector<1x128xf32>
    %sub3A_127 = vector.broadcast %div3A_103 : vector<1x128xf32> to vector<64x128xf32>
    %sub3A_128 = arith.subf %max3A_91, %sub3A_127 : vector<64x128xf32>
    %mul3A_129 = vector.broadcast %get3A_94 : vector<1x128xf32> to vector<64x128xf32>
    %mul3A_130 = arith.mulf %mul3A_129, %sub3A_128 : vector<64x128xf32>
    %add3A_131 = arith.constant 9.99999974E-6 : f32
    %add3A_132 = vector.broadcast %add3A_131 : f32 to vector<1x128xf32>
    %add3A_133 = arith.addf %select_n3A_126, %add3A_132 : vector<1x128xf32>
    %sqrt3A_134 = math.sqrt %add3A_133 : vector<1x128xf32>
    %div3A_135 = vector.broadcast %sqrt3A_134 : vector<1x128xf32> to vector<64x128xf32>
    %div3A_136 = arith.divf %mul3A_130, %div3A_135 : vector<64x128xf32>
    %add3A_137 = vector.broadcast %get3A_97 : vector<1x128xf32> to vector<64x128xf32>
    %add3A_138 = arith.addf %div3A_136, %add3A_137 : vector<64x128xf32>
    %get3A_139 = arith.constant 0 : index
    %get3A_140 = arith.constant 0 : index
    %get3A_141 = vector.load %arg11[%get3A_139, %get3A_140] : memref<128x10xf32, #tpu.memory_space<vmem>>, vector<128x10xf32>
    %dot_general3A_142 = arith.constant dense<0.000000e+00> : vector<64x10xf32>
    %dot_general3A_143 = tpu.matmul %add3A_138, %get3A_141, %dot_general3A_142 {dimension_numbers = #tpu.dot_dimension_numbers<[1], [0], [0], [1], [0, 0, 1, 1], [], []>, transpose_lhs_hint = false} : vector<64x128xf32>, vector<128x10xf32>, vector<64x10xf32> -> vector<64x10xf32>
    %get3A_144 = arith.constant 0 : index
    %get3A_145 = arith.constant 0 : index
    %get3A_146 = vector.load %arg12[%get3A_144, %get3A_145] : memref<1x10xf32, #tpu.memory_space<vmem>>, vector<1x10xf32>
    %add3A_147 = vector.broadcast %get3A_146 : vector<1x10xf32> to vector<64x10xf32>
    %add3A_148 = arith.addf %dot_general3A_143, %add3A_147 : vector<64x10xf32>
    %reduce_max3A = arith.constant dense<0xFF800000> : vector<64xf32>
    %reduce_max3A_149 = vector.multi_reduction <maximumf>, %add3A_148, %reduce_max3A [1] : vector<64x10xf32> to vector<64xf32>
    %broadcast_in_dim3A_150 = vector.shape_cast %reduce_max3A_149 : vector<64xf32> to vector<64x1xf32>
    %sub3A_151 = vector.broadcast %broadcast_in_dim3A_150 : vector<64x1xf32> to vector<64x10xf32>
    %sub3A_152 = arith.subf %add3A_148, %sub3A_151 : vector<64x10xf32>
    %exp3A = math.exp %sub3A_152 : vector<64x10xf32>
    %reduce_sum3A_153 = arith.constant dense<0.000000e+00> : vector<64xf32>
    %reduce_sum3A_154 = vector.multi_reduction <add>, %exp3A, %reduce_sum3A_153 [1] : vector<64x10xf32> to vector<64xf32>
    %broadcast_in_dim3A_155 = vector.shape_cast %reduce_sum3A_154 : vector<64xf32> to vector<64x1xf32>
    %log3A = math.log %broadcast_in_dim3A_155 : vector<64x1xf32>
    %sub3A_156 = vector.broadcast %broadcast_in_dim3A_150 : vector<64x1xf32> to vector<64x10xf32>
    %sub3A_157 = arith.subf %add3A_148, %sub3A_156 : vector<64x10xf32>
    %sub3A_158 = vector.broadcast %log3A : vector<64x1xf32> to vector<64x10xf32>
    %sub3A_159 = arith.subf %sub3A_157, %sub3A_158 : vector<64x10xf32>
    %swap3A = arith.constant 0 : index
    %swap3A_160 = arith.constant 0 : index
    %swap3A_161 = vector.load %arg13[%swap3A, %swap3A_160] : memref<64x10xf32, #tpu.memory_space<vmem>>, vector<64x10xf32>
    tpu.vector_store %arg13[%swap3A, %swap3A_160], %sub3A_159 {strides = array<i32>} : memref<64x10xf32, #tpu.memory_space<vmem>>, vector<64x10xf32>,
    return
  }
}

</mosaic_0001>

<sc_bundles>
// kernel: kernel.10.cloned.1.call-start
scs
__scs_entry_jumppad:
0x0: {  	(pc) =	sbr.rel $0x88, $3  }
0x1: {  	(tag) =	ssettag $0x0;
	lr =	simm.s32 $0x1  }
0x2: {  	[smem:$0x3F87] =	sst lr;
	_ =	strace $0xD0000000  }
0x3: {  	_ = 	snop  }
0x4: {  	_ = 	snop  }
0x5: {  	_ = 	snop  }
0x6: {  	_ = 	snop  }
0x7: {  	_ = 	snop  }
__scs_overlays_trampoline_lowered:
0x8: {  	[smem:$0x3F96] =	sst s0  }
0x9: {  	[smem:$0x3F97] =	sst s1  }
0xa: {  	[smem:$0x3F98] =	sst s2  }
0xb: {  	[smem:$0x3F99] =	sst s3  }
0xc: {  	[smem:$0x3F9A] =	sst s4  }
0xd: {  	[smem:$0x3F9B] =	sst s5  }
0xe: {  	[smem:$0x3F9C] =	sst s6  }
0xf: {  	[smem:$0x3F9D] =	sst s7  }
0x10: {  	[smem:$0x3F9E] =	sst s8  }
0x11: {  	[smem:$0x3F9F] =	sst s9;
	s0 =	simm.s32 @!p0 $0x0  }
0x12: {  	s1 =	sld [smem:$0x3F85];
	s0 =	simm.s32 @p0 $0x1  }
0x13: {  	[smem:$0x3FA0] =	sst s0;
	s0 =	simm.s32 @!p1 $0x0  }
0x14: {  	s2 =	sld [smem:$0x3F84];
	s0 =	simm.s32 @p1 $0x1  }
0x15: {  	[smem:$0x3FA1] =	sst s0;
	s0 =	simm.s32 @!p2 $0x0  }
0x16: {  	s3 =	sld [smem:$0x3FDB];
	s0 =	simm.s32 @p2 $0x1  }
0x17: {  	s4 =	simm.s32 $0x1BF5;
	[smem:$0x3FA3] =	sst s0  }
0x18: {  	s0 =	sld [smem:$0x3F86];
	_ =	swait.ge [sflag:s4], $0x0  }
0x19: {  	s7 =	sld [smem:$0x3F87]  }
0x1a: {  	s8 =	sadd.s32 $0xFFFFE003, lr  }
0x1b: {  	s9 =	sadd.s32 $0xFFFFFEF7, lr;
	s5 =	simm.s32 $0xFFFFFFFF;
	p2 =	slt.u32 s8, $0xFFFFF086  }
0x1c: {  	p1 =	slt.u32 s9, $0xF7A;
	s5 =	simm.s32 @!p2 $0x0  }
0x1d: {  	s5 =	simm.s32 @p1 $0x1;
	p0 =	seq.s32 s7, s2  }
0x1e: {  	s7 =	smul.u32 @!p0 $0xF7A, s2;
	p2 =	seq.s32 @!p0 s5, $0x0  }
0x1f: {  	s9 =	smul.u32 $0xF7A, s1;
	s8 =	simm.s32 @!p0 $0x1BF5;
	p2 =	por !p2, p0  }
0x20: {  	[sflag:s8] =	ssyncset.s32 @!p0 $0xFFFFF086;
	s6 =	sadd.s32 @!p0 s3, s7;
	s7 =	simm.s32 @!p0 $0x108  }
0x21: {  	s3 =	sadd.s32 s3, s9;
	s6 =	sadd.s32 @!p0 $0x88, s6;
	s7 =	simm.s32 @p2 $0x1082  }
0x22: {  	[simem:s7], [sflag:s8] =	dma.local @!p0 [hbm:s6], $0xF7A  }
0x23: {  	s9 =	sor.u32 $0xD0000000, s2;
	s6 =	simm.s32 $0x108;
	_ =	swait.ge @!p0 [sflag:s8], $0x0  }
0x24: {  	s3 =	sadd.s32 $0x88, s3;
	s6 =	simm.s32 @!p1 $0x1082;
	[sflag:s4] =	ssyncset.s32 $0xFFFFF086  }
0x25: {  	[simem:s6], [sflag:s4] =	dma.local [hbm:s3], $0xF7A  }
0x26: {  	[smem:$0x3F87] =	sst s1;
	(tag) =	ssettag s2;
	_ =	strace s9  }
0x27: {  	s1 =	sld [smem:$0x3F97]  }
0x28: {  	s2 =	sld [smem:$0x3F98]  }
0x29: {  	s4 =	sld [smem:$0x3F9A]  }
0x2a: {  	p0 =	seq.s32 s5, $0x0;
	s5 =	sld [smem:$0x3F9B]  }
0x2b: {  	s6 =	sld [smem:$0x3F9C]  }
0x2c: {  	s7 =	sld [smem:$0x3F9D]  }
0x2d: {  	s3 =	simm.s32 $0x108;
	s8 =	sld [smem:$0x3F9E]  }
0x2e: {  	s3 =	simm.s32 @!p0 $0x1082;
	s9 =	sld [smem:$0x3F9F]  }
0x2f: {  	lr =	sadd.s32 s0, s3;
	s0 =	sld [smem:$0x3F96]  }
0x30: {  	s3 =	sld [smem:$0x3F99]  }
0x31: {  	[smem:$0x3FA2] =	sst s10  }
0x32: {  	s10 =	sld [smem:$0x3FA0];
	_ =	sdelay $0x3  }
0x33: {  	p0 =	seq.s32 s10, $0x1;
	s10 =	sld [smem:$0x3FA2];
	_ =	sdelay $0x3  }
0x34: {  	[smem:$0x3FA2] =	sst s10  }
0x35: {  	s10 =	sld [smem:$0x3FA1];
	_ =	sdelay $0x3  }
0x36: {  	p1 =	seq.s32 s10, $0x1;
	s10 =	sld [smem:$0x3FA2];
	_ =	sdelay $0x3  }
0x37: {  	[smem:$0x3FA2] =	sst s10  }
0x38: {  	s10 =	sld [smem:$0x3FA3]  }
0x39: {  	_ = 	snop;
	(pc) =	sbr.ind lr, $3  }
0x3a: {  	_ = 	snop  }
0x3b: {  	_ = 	snop  }
0x3c: {  	p2 =	seq.s32 s10, $0x1;
	s10 =	sld [smem:$0x3FA2]  }
0x3d: {  	_ =	shalt  }
0x3e: {  	_ =	shalt  }
0x3f: {  	_ =	shalt  }
0x40: {  	_ =	shalt  }
0x41: {  	_ =	shalt  }
0x42: {  	_ =	shalt  }
0x43: {  	_ =	shalt  }
0x44: {  	_ =	shalt  }
0x45: {  	_ =	shalt  }
0x46: {  	_ =	shalt  }
0x47: {  	_ =	shalt  }
0x48: {  	_ =	shalt  }
0x49: {  	_ =	shalt  }
0x4a: {  	_ =	shalt  }
0x4b: {  	_ =	shalt  }
0x4c: {  	_ =	shalt  }
0x4d: {  	_ =	shalt  }
0x4e: {  	_ =	shalt  }
0x4f: {  	_ =	shalt  }
0x50: {  	_ =	shalt  }
0x51: {  	_ =	shalt  }
0x52: {  	_ =	shalt  }
0x53: {  	_ =	shalt  }
0x54: {  	_ =	shalt  }
0x55: {  	_ =	shalt  }
0x56: {  	_ =	shalt  }
0x57: {  	_ =	shalt  }
0x58: {  	_ =	shalt  }
0x59: {  	_ =	shalt  }
0x5a: {  	_ =	shalt  }
0x5b: {  	_ =	shalt  }
0x5c: {  	_ =	shalt  }
0x5d: {  	_ =	shalt  }
0x5e: {  	_ =	shalt  }
0x5f: {  	_ =	shalt  }
0x60: {  	_ =	shalt  }
0x61: {  	_ =	shalt  }
0x62: {  	_ =	shalt  }
0x63: {  	_ =	shalt  }
0x64: {  	_ =	shalt  }
0x65: {  	_ =	shalt  }
0x66: {  	_ =	shalt  }
0x67: {  	_ =	shalt  }
0x68: {  	_ =	shalt  }
0x69: {  	_ =	shalt  }
0x6a: {  	_ =	shalt  }
0x6b: {  	_ =	shalt  }
0x6c: {  	_ =	shalt  }
0x6d: {  	_ =	shalt  }
0x6e: {  	_ =	shalt  }
0x6f: {  	_ =	shalt  }
0x70: {  	_ =	shalt  }
0x71: {  	_ =	shalt  }
0x72: {  	_ =	shalt  }
0x73: {  	_ =	shalt  }
0x74: {  	_ =	shalt  }
0x75: {  	_ =	shalt  }
0x76: {  	_ =	shalt  }
0x77: {  	_ =	shalt  }
0x78: {  	_ =	shalt  }
0x79: {  	_ =	shalt  }
0x7a: {  	_ =	shalt  }
0x7b: {  	_ =	shalt  }
0x7c: {  	_ =	shalt  }
0x7d: {  	_ =	shalt  }
0x7e: {  	_ =	shalt  }
0x7f: {  	_ =	shalt  }
0x80: {  	_ =	shalt  }
0x81: {  	_ =	shalt  }
0x82: {  	_ =	shalt  }
0x83: {  	_ =	shalt  }
0x84: {  	_ =	shalt  }
0x85: {  	_ =	shalt  }
0x86: {  	_ =	shalt  }
0x87: {  	_ =	shalt  }
.Lfunc_end0:
.L_simem_size_0:
called_computation_lowered:
.L_overlay_start_0:
0x88: {  	s2 =	sld [smem:$0x3FD9]  }
0x89: {  	s3 =	sld [smem:$0x3FFE];
	_ =	sdelay $0x1  }
0x8a: {  	s1 =	srdreg.scid  }
0x8b: {  	s0 =	sand.u32 $0x1, s1  }
0x8c: {  	s16 =	sshll.u32 s0, $0xA;
	s2 =	sadd.s32 s3, s2  }
0x8d: {  	s2 =	sadd.s32 s2, s16  }
0x8e: {  	[smem:$0x3FAE] =	sst s2  }
0x8f: {  	_ = 	snop  }
0x90: {  	(tm) =	ssettm $0x1  }
0x91: {  	s17 =	sld [smem:$0x3FFB];
	_ =	sdelay $0x3  }
0x92: {  	_ =	strace s17  }
0x93: {  	s2 =	sld [smem:$0x3FFC];
	_ =	sdelay $0x3  }
0x94: {  	_ =	strace s2  }
0x95: {  	s2 =	sld [smem:$0x3FFD];
	_ =	sdelay $0x3  }
0x96: {  	_ =	strace s2  }
0x97: {  	_ =	strace $0x8FFFFFFF  }
0x98: {  	s18 =	sld [smem:$0x3FDB];
	_ =	sdelay $0x1  }
0x99: {  	s19 =	simm.s32 $_scs_section_size  }
0x9a: {  	s4 =	simm.s32 $_size__tile_overlayer_lowered;
	s5 =	simm.s32 $_tile_overlayer_lowered  }
0x9b: {  	s22 =	simm.s32 $0x1BFF;
	s21 =	sshll.u32 s5, $0x1;
	s2 =	sadd.s32 s19, s18  }
0x9c: {  	s6 =	simm.s32 $0x0;
	s20 =	sshll.u32 s4, $0x1;
	s4 =	sadd.s32 s21, s2  }
0x9d: {  	[timem:s6], [sflag:s22] =	dma.local [hbm:s4], s20  }
0x9e: {  	_ =	swait.ge [sflag:s22], s20  }
0x9f: {  	s3 =	ssub.s32 $0x0, s20;
	[sflag:s22] =	ssyncset.done $0x0  }
0xa0: {  	[sflag:s22] =	ssyncadd.s32 s3;
	_ =	sdelay $0x1  }
0xa1: {  	s23 =	simm.s32 $0x1B8B  }
0xa2: {  	_ =	swait.ge [sflag:s23], $0x1  }
0xa3: {  	[sflag:s23] =	ssyncset.done $0x0  }
0xa4: {  	s25 =	simm.s32 $0x1B8E;
	s24 =	sld [smem:$0x3FFE];
	[sflag:s23] =	ssyncadd.s32 $0xFFFFFFFF  }
0xa5: {  	s26 =	simm.s32 $execute0_lowered;
	[smem:$0x3FD2] =	sst s25  }
0xa6: {  	s4 =	sshll.u32 s26, $0x1;
	_ =	strace $0x80000046;
	[dreg:$0x1] =	wrdreg $0xFFFFFFFF  }
0xa7: {  	s28 =	simm.s32 $_size_execute0_lowered;
	s2 =	sadd.s32 s2, s4;
	[dreg:$0x0] =	wrdreg $0x0  }
0xa8: {  	s4 =	sshll.u32 s28, $0x1;
	[dreg:$0x2] =	wrdreg s2  }
0xa9: {  	[dreg:$0x3] =	wrdreg s4  }
0xaa: {  	[dreg:$0x4] =	wrdreg $0xC0  }
0xab: {  	_ =	task [dreg:s6], $0x5FFFF  }
0xac: {  	[dreg:$0x1] =	wrdreg $0xFFFFFFFF  }
0xad: {  	[dreg:$0x0] =	wrdreg $0x60  }
0xae: {  	[dreg:$0x2] =	wrdreg s24  }
0xaf: {  	[dreg:$0x3] =	wrdreg $0x68000  }
0xb0: {  	[dreg:$0x4] =	wrdreg $0x9  }
0xb1: {  	_ =	task.clear_ibuf [dreg:s6], $0x5FFFF;
	_ =	strace $0x90000046  }
0xb2: {  	s29 =	simm.s32 $0x9;
	_ =	strace $0x80000048  }
0xb3: {  	_ =	swait.ge [sflag:s29], $0x1  }
0xb4: {  	[sflag:s29] =	ssyncadd.s32 $0xFFFFFFFF  }
0xb5: {  	_ =	strace $0x90000048  }
0xb6: {  	_ =	sfence  }
0xb7: {  	s30 =	sld [smem:$0x0];
	_ =	sdelay $0x2  }
0xb8: {  	s31 =	sshll.u32 s1, $0xD;
	s1 =	sshrl.u32 s1, $0x2  }
0xb9: {  	s3 =	sand.u32 $0x4000, s31;
	s1 =	sadd.s32 s1, s30  }
0xba: {  	s0 =	sor.u32 s3, s0;
	s1 =	sshll.u32 s1, $0x11  }
0xbb: {  	s0 =	sor.u32 s1, s0  }
0xbc: {  	s0 =	sadd.s32 $0x8F2B, s0  }
0xbd: {  	[sflag:s0] =	ssyncadd.remote.s32 $0x1  }
0xbe: {  	_ =	sfence.sel $0xFFFF  }
0xbf: {  	[dreg:$0x0] =	wrdreg $0xFFFFFFFF;
	(pc) =	sbr.abs _section_cstart, $3  }
0xc0: {  	[dreg:$0x1] =	wrdreg $0xFFFFFFFF  }
0xc1: {  	_ =	task.clear_ibuf [dreg:s6], $0x2FFFF;
	_ =	strace $0x9FFFFFFF  }
0xc2: {  	(tm) =	ssettm $0x7FFFFFFF  }
0xc3: {  	_ =	shalt  }
tec
execute0_lowered:
.L_overlay_start_1:
0x0: {  	(tag) =	ssettag $0x1  }
0x1: {  	s0 =	srdreg.scid;
	s6 =	rddreg [dreg:$0x0]  }
0x2: {  	s2 =	rddreg [dreg:$0x1];
	s5 =	sand.u32 $0x1, s0;
	s0 =	stileid.u32  }
0x3: {  	s3 =	simm.s32 $0x0;
	s14 =	simm.s32 $0x0;
	s7 =	smul.u32 $0x13C00, s0  }
0x4: {  	[smem:$0x7FF] =	sst s3;
	s1 =	sshll.u32 s5, $0x4;
	s8 =	smul.u32 $0x13C000, s5  }
0x5: {  	s5 =	ssub.s32 $0x2, s5;
	s29 =	smul.u32 $0x4F000, s0;
	s31 =	sshll.u32 s0, $0x6  }
0x6: {  	s4 =	sor.u32 s0, s1;
	s1 =	rddreg [dreg:$0x2];
	_ =	strace $0x80000047  }
0x7: {  	s11 =	sshrl.u32 s5, $0x1;
	s4 =	smul.u32 $0x500, s4;
	s10 =	sshrl.u32 s7, $0x3  }
0x8: {  	s7 =	sadd.s32 s7, s8;
	s11 =	ssub.s32 s5, s11;
	s30 =	sshrl.u32 s29, $0x2  }
0x9: {  	s10 =	sadd.s32 s10, s6;
	s7 =	sshrl.u32 s7, $0x3;
	s13 =	sadd.s32 s30, s2  }
0xa: {  	s9 =	sadd.s32 s4, s6;
	s4 =	sadd.s32 $0x41400, s6;
	s12 =	sadd.s32 s7, s6  }
0xb: {  	s5 =	sadd.s32 $0x19C00, s10;
	s6 =	sor.u32 $0x1C01, s31;
	s10 =	sshrl.u32 s13, $0x3  }
0xc: {  	s13 =	simm.s32 $0x80;
	s7 =	sadd.s32 $0xFC00, s9;
	s8 =	sadd.s32 $0x41C00, s12  }
0xd: {  	s9 =	smax.u32 s11, $0x1;
	s11 =	simm.s32 $0x1;
	s12 =	simm.s32 $0x2800  }
.LBB2_1:
0xe: {  	[spmem:s10], [sflag:s6] =	dma.local [hbm:s5], $0x2780  }
0xf: {  	_ =	swait.ge [sflag:s11], $0x2780  }
0x10: {  	[sflag:s11] =	ssyncset.done $0x0  }
0x11: {  	[sflag:s11] =	ssyncadd.s32 $0xFFFFD880  }
0x12: {  	[tilespmem:s3], [sflag:$0x1] =	stream.linear.gather [hbm4b:s7+s3], $0x2800, $0x38;
	[tilespmem:$0x1A400] =	vst v63  }
0x13: {  	_ =	swait.ge [sflag:s11], $0x2800  }
0x14: {  	[sflag:s11] =	ssyncset.done $0x0  }
0x15: {  	[sflag:s11] =	ssyncadd.s32 $0xFFFFD800  }
0x16: {  	[tilespmem:s12], [sflag:$0x1] =	stream.linear.gather [hbm4b:s4+s3], $0x4000, $0x38;
	[tilespmem:$0x1A400] =	vst v63  }
0x17: {  	_ =	swait.ge [sflag:s11], $0x4000  }
0x18: {  	[sflag:s11] =	ssyncset.done $0x0  }
0x19: {  	[sflag:s11] =	ssyncadd.s32 $0xFFFFC000  }
0x1a: {  	s15 =	simm.s32 $0x0;
	[bflag:$0x0] =	sbarrier.arrive $0xFFFF  }
0x1b: {  	[spmem:s2] =	stream.indirect.scatter.add.f32 [tilespmem:s12], [sflag:$0x1], $0x80, s15, s13, $0xb8;
	[tilespmem:$0x1A400] =	vst v63  }
0x1c: {  	_ =	swait.ge [sflag:s11], $0x4000  }
0x1d: {  	s15 =	simm.s32 $0x200;
	[sflag:s11] =	ssyncset.done $0x0  }
.LBB2_2:
0x1e: {  	s16 =	sshra.s32 s15, $0x2;
	[sflag:s11] =	ssyncadd.s32 $0xFFFFC000;
	p0 =	sne.s32 s15, $0x9E00  }
0x1f: {  	[spmem:s2] =	stream.indirect.scatter.add.f32 [tilespmem:s12], [sflag:$0x1], $0x80, s16, s13, $0xb8;
	[tilespmem:$0x1A400] =	vst v63  }
.Ltmp0:
0x20: {  	_ = 	snop;
	(pc) =	sbr.rel @p0 .LBB2_2-.Ltmp0, $4  }
0x21: {  	_ = 	snop  }
0x22: {  	s15 =	sadd.s32 $0x200, s15  }
0x23: {  	_ =	swait.ge [sflag:s11], $0x4000  }
0x24: {  	[sflag:s11] =	ssyncset.done $0x0  }
0x25: {  	s14 =	sadd.s32 $0x1, s14  }
0x26: {  	[sflag:s11] =	ssyncadd.s32 $0xFFFFC000;
	p0 =	sne.s32 s14, s9  }
.Ltmp1:
0x27: {  	[bflag:$0x0] =	sbarrier.arrive $0xFFFF;
	(pc) =	sbr.rel @p0 .LBB2_1-.Ltmp1, $4  }
0x28: {  	[hbm:s8], [sflag:s6] =	dma.local [spmem:s10], $0x2780  }
0x29: {  	_ =	swait.ge [sflag:s11], $0x2780  }
0x2a: {  	[sflag:s11] =	ssyncset.done $0x0  }
0x2b: {  	[sflag:s11] =	ssyncadd.s32 $0xFFFFD880  }
0x2c: {  	_ =	sfence.sel $0x180000  }
0x2d: {  	[bflag:$0x0] =	sbarrier.arrive $0xFFFF  }
0x2e: {  	p0 =	sne.s32 s0, $0x0;
	_ =	strace $0x90000047  }
0x2f: {  	s0 =	sadd.s32 @!p0 $0x100000, s1;
	[bflag:$0x2] =	sbarrier.arrive $0xFFFF  }
0x30: {  	[sflag:s0] =	ssyncadd.tile.s32 @!p0 $0x1;
	_ =	shalt  }
.Lfunc_end2:
_tile_overlayer_lowered:
.L_overlay_start_2:
0x31: {  	(tag) =	ssettag $0x2  }
0x32: {  	s0 =	rddreg [dreg:$0x0];
	s2 =	stileid.u32  }
0x33: {  	s1 =	rddreg [dreg:$0x1];
	p0 =	sne.s32 s2, $0x0  }
0x34: {  	s3 =	rddreg [dreg:$0x2];
	[bflag:$0x3] =	sbarrier.arrive $0xFFFF;
	s2 =	simm.s32 @!p0 $0x1C01  }
0x35: {  	[timem:s3], [sflag:s2] =	dma.local @!p0 [hbm:s0], s1  }
0x36: {  	s0 =	simm.s32 @!p0 $0x1  }
0x37: {  	_ =	swait.ge @!p0 [sflag:s0], s1  }
0x38: {  	s1 =	ssub.s32 @!p0 $0x0, s1;
	[sflag:s0] =	ssyncset.done @!p0 $0x0  }
0x39: {  	[sflag:s0] =	ssyncadd.s32 @!p0 s1  }
0x3a: {  	[bflag:$0x3] =	sbarrier.arrive $0xFFFF  }
0x3b: {  	_ =	shalt  }

// kernel: kernel.13.cloned.1.call-start
scs
__scs_entry_jumppad:
0x0: {  	(pc) =	sbr.rel $0x88, $3  }
0x1: {  	(tag) =	ssettag $0x0;
	lr =	simm.s32 $0x1  }
0x2: {  	[smem:$0x3F87] =	sst lr;
	_ =	strace $0xD0000000  }
0x3: {  	_ = 	snop  }
0x4: {  	_ = 	snop  }
0x5: {  	_ = 	snop  }
0x6: {  	_ = 	snop  }
0x7: {  	_ = 	snop  }
__scs_overlays_trampoline_lowered:
0x8: {  	[smem:$0x3F96] =	sst s0  }
0x9: {  	[smem:$0x3F97] =	sst s1  }
0xa: {  	[smem:$0x3F98] =	sst s2  }
0xb: {  	[smem:$0x3F99] =	sst s3  }
0xc: {  	[smem:$0x3F9A] =	sst s4  }
0xd: {  	[smem:$0x3F9B] =	sst s5  }
0xe: {  	[smem:$0x3F9C] =	sst s6  }
0xf: {  	[smem:$0x3F9D] =	sst s7  }
0x10: {  	[smem:$0x3F9E] =	sst s8  }
0x11: {  	[smem:$0x3F9F] =	sst s9;
	s0 =	simm.s32 @!p0 $0x0  }
0x12: {  	s1 =	sld [smem:$0x3F85];
	s0 =	simm.s32 @p0 $0x1  }
0x13: {  	[smem:$0x3FA0] =	sst s0;
	s0 =	simm.s32 @!p1 $0x0  }
0x14: {  	s2 =	sld [smem:$0x3F84];
	s0 =	simm.s32 @p1 $0x1  }
0x15: {  	[smem:$0x3FA1] =	sst s0;
	s0 =	simm.s32 @!p2 $0x0  }
0x16: {  	s3 =	sld [smem:$0x3FDB];
	s0 =	simm.s32 @p2 $0x1  }
0x17: {  	s4 =	simm.s32 $0x1BF5;
	[smem:$0x3FA3] =	sst s0  }
0x18: {  	s0 =	sld [smem:$0x3F86];
	_ =	swait.ge [sflag:s4], $0x0  }
0x19: {  	s7 =	sld [smem:$0x3F87]  }
0x1a: {  	s8 =	sadd.s32 $0xFFFFE003, lr  }
0x1b: {  	s9 =	sadd.s32 $0xFFFFFEF7, lr;
	s5 =	simm.s32 $0xFFFFFFFF;
	p2 =	slt.u32 s8, $0xFFFFF086  }
0x1c: {  	p1 =	slt.u32 s9, $0xF7A;
	s5 =	simm.s32 @!p2 $0x0  }
0x1d: {  	s5 =	simm.s32 @p1 $0x1;
	p0 =	seq.s32 s7, s2  }
0x1e: {  	s7 =	smul.u32 @!p0 $0xF7A, s2;
	p2 =	seq.s32 @!p0 s5, $0x0  }
0x1f: {  	s9 =	smul.u32 $0xF7A, s1;
	s8 =	simm.s32 @!p0 $0x1BF5;
	p2 =	por !p2, p0  }
0x20: {  	[sflag:s8] =	ssyncset.s32 @!p0 $0xFFFFF086;
	s6 =	sadd.s32 @!p0 s3, s7;
	s7 =	simm.s32 @!p0 $0x108  }
0x21: {  	s3 =	sadd.s32 s3, s9;
	s6 =	sadd.s32 @!p0 $0x88, s6;
	s7 =	simm.s32 @p2 $0x1082  }
0x22: {  	[simem:s7], [sflag:s8] =	dma.local @!p0 [hbm:s6], $0xF7A  }
0x23: {  	s9 =	sor.u32 $0xD0000000, s2;
	s6 =	simm.s32 $0x108;
	_ =	swait.ge @!p0 [sflag:s8], $0x0  }
0x24: {  	s3 =	sadd.s32 $0x88, s3;
	s6 =	simm.s32 @!p1 $0x1082;
	[sflag:s4] =	ssyncset.s32 $0xFFFFF086  }
0x25: {  	[simem:s6], [sflag:s4] =	dma.local [hbm:s3], $0xF7A  }
0x26: {  	[smem:$0x3F87] =	sst s1;
	(tag) =	ssettag s2;
	_ =	strace s9  }
0x27: {  	s1 =	sld [smem:$0x3F97]  }
0x28: {  	s2 =	sld [smem:$0x3F98]  }
0x29: {  	s4 =	sld [smem:$0x3F9A]  }
0x2a: {  	p0 =	seq.s32 s5, $0x0;
	s5 =	sld [smem:$0x3F9B]  }
0x2b: {  	s6 =	sld [smem:$0x3F9C]  }
0x2c: {  	s7 =	sld [smem:$0x3F9D]  }
0x2d: {  	s3 =	simm.s32 $0x108;
	s8 =	sld [smem:$0x3F9E]  }
0x2e: {  	s3 =	simm.s32 @!p0 $0x1082;
	s9 =	sld [smem:$0x3F9F]  }
0x2f: {  	lr =	sadd.s32 s0, s3;
	s0 =	sld [smem:$0x3F96]  }
0x30: {  	s3 =	sld [smem:$0x3F99]  }
0x31: {  	[smem:$0x3FA2] =	sst s10  }
0x32: {  	s10 =	sld [smem:$0x3FA0];
	_ =	sdelay $0x3  }
0x33: {  	p0 =	seq.s32 s10, $0x1;
	s10 =	sld [smem:$0x3FA2];
	_ =	sdelay $0x3  }
0x34: {  	[smem:$0x3FA2] =	sst s10  }
0x35: {  	s10 =	sld [smem:$0x3FA1];
	_ =	sdelay $0x3  }
0x36: {  	p1 =	seq.s32 s10, $0x1;
	s10 =	sld [smem:$0x3FA2];
	_ =	sdelay $0x3  }
0x37: {  	[smem:$0x3FA2] =	sst s10  }
0x38: {  	s10 =	sld [smem:$0x3FA3]  }
0x39: {  	_ = 	snop;
	(pc) =	sbr.ind lr, $3  }
0x3a: {  	_ = 	snop  }
0x3b: {  	_ = 	snop  }
0x3c: {  	p2 =	seq.s32 s10, $0x1;
	s10 =	sld [smem:$0x3FA2]  }
0x3d: {  	_ =	shalt  }
0x3e: {  	_ =	shalt  }
0x3f: {  	_ =	shalt  }
0x40: {  	_ =	shalt  }
0x41: {  	_ =	shalt  }
0x42: {  	_ =	shalt  }
0x43: {  	_ =	shalt  }
0x44: {  	_ =	shalt  }
0x45: {  	_ =	shalt  }
0x46: {  	_ =	shalt  }
0x47: {  	_ =	shalt  }
0x48: {  	_ =	shalt  }
0x49: {  	_ =	shalt  }
0x4a: {  	_ =	shalt  }
0x4b: {  	_ =	shalt  }
0x4c: {  	_ =	shalt  }
0x4d: {  	_ =	shalt  }
0x4e: {  	_ =	shalt  }
0x4f: {  	_ =	shalt  }
0x50: {  	_ =	shalt  }
0x51: {  	_ =	shalt  }
0x52: {  	_ =	shalt  }
0x53: {  	_ =	shalt  }
0x54: {  	_ =	shalt  }
0x55: {  	_ =	shalt  }
0x56: {  	_ =	shalt  }
0x57: {  	_ =	shalt  }
0x58: {  	_ =	shalt  }
0x59: {  	_ =	shalt  }
0x5a: {  	_ =	shalt  }
0x5b: {  	_ =	shalt  }
0x5c: {  	_ =	shalt  }
0x5d: {  	_ =	shalt  }
0x5e: {  	_ =	shalt  }
0x5f: {  	_ =	shalt  }
0x60: {  	_ =	shalt  }
0x61: {  	_ =	shalt  }
0x62: {  	_ =	shalt  }
0x63: {  	_ =	shalt  }
0x64: {  	_ =	shalt  }
0x65: {  	_ =	shalt  }
0x66: {  	_ =	shalt  }
0x67: {  	_ =	shalt  }
0x68: {  	_ =	shalt  }
0x69: {  	_ =	shalt  }
0x6a: {  	_ =	shalt  }
0x6b: {  	_ =	shalt  }
0x6c: {  	_ =	shalt  }
0x6d: {  	_ =	shalt  }
0x6e: {  	_ =	shalt  }
0x6f: {  	_ =	shalt  }
0x70: {  	_ =	shalt  }
0x71: {  	_ =	shalt  }
0x72: {  	_ =	shalt  }
0x73: {  	_ =	shalt  }
0x74: {  	_ =	shalt  }
0x75: {  	_ =	shalt  }
0x76: {  	_ =	shalt  }
0x77: {  	_ =	shalt  }
0x78: {  	_ =	shalt  }
0x79: {  	_ =	shalt  }
0x7a: {  	_ =	shalt  }
0x7b: {  	_ =	shalt  }
0x7c: {  	_ =	shalt  }
0x7d: {  	_ =	shalt  }
0x7e: {  	_ =	shalt  }
0x7f: {  	_ =	shalt  }
0x80: {  	_ =	shalt  }
0x81: {  	_ =	shalt  }
0x82: {  	_ =	shalt  }
0x83: {  	_ =	shalt  }
0x84: {  	_ =	shalt  }
0x85: {  	_ =	shalt  }
0x86: {  	_ =	shalt  }
0x87: {  	_ =	shalt  }
.Lfunc_end0:
.L_simem_size_0:
called_computation.1_lowered:
.L_overlay_start_0:
0x88: {  	s2 =	sld [smem:$0x3FD9]  }
0x89: {  	s3 =	sld [smem:$0x3FFE];
	_ =	sdelay $0x1  }
0x8a: {  	s1 =	srdreg.scid  }
0x8b: {  	s0 =	sand.u32 $0x1, s1  }
0x8c: {  	s16 =	sshll.u32 s0, $0xA;
	s2 =	sadd.s32 s3, s2  }
0x8d: {  	s2 =	sadd.s32 s2, s16  }
0x8e: {  	[smem:$0x3FAE] =	sst s2  }
0x8f: {  	_ = 	snop  }
0x90: {  	(tm) =	ssettm $0x1  }
0x91: {  	s17 =	sld [smem:$0x3FFB];
	_ =	sdelay $0x3  }
0x92: {  	_ =	strace s17  }
0x93: {  	s2 =	sld [smem:$0x3FFC];
	_ =	sdelay $0x3  }
0x94: {  	_ =	strace s2  }
0x95: {  	s2 =	sld [smem:$0x3FFD];
	_ =	sdelay $0x3  }
0x96: {  	_ =	strace s2  }
0x97: {  	_ =	strace $0x8FFFFFFF  }
0x98: {  	s18 =	sld [smem:$0x3FDB];
	_ =	sdelay $0x1  }
0x99: {  	s19 =	simm.s32 $_scs_section_size  }
0x9a: {  	s4 =	simm.s32 $_size__tile_overlayer_lowered;
	s5 =	simm.s32 $_tile_overlayer_lowered  }
0x9b: {  	s22 =	simm.s32 $0x1BFF;
	s21 =	sshll.u32 s5, $0x1;
	s2 =	sadd.s32 s19, s18  }
0x9c: {  	s6 =	simm.s32 $0x0;
	s20 =	sshll.u32 s4, $0x1;
	s4 =	sadd.s32 s21, s2  }
0x9d: {  	[timem:s6], [sflag:s22] =	dma.local [hbm:s4], s20  }
0x9e: {  	_ =	swait.ge [sflag:s22], s20  }
0x9f: {  	s3 =	ssub.s32 $0x0, s20;
	[sflag:s22] =	ssyncset.done $0x0  }
0xa0: {  	[sflag:s22] =	ssyncadd.s32 s3;
	_ =	sdelay $0x1  }
0xa1: {  	s23 =	simm.s32 $0x1B8B  }
0xa2: {  	_ =	swait.ge [sflag:s23], $0x1  }
0xa3: {  	[sflag:s23] =	ssyncset.done $0x0  }
0xa4: {  	s25 =	simm.s32 $0x1B8E;
	s24 =	sld [smem:$0x3FFE];
	[sflag:s23] =	ssyncadd.s32 $0xFFFFFFFF  }
0xa5: {  	s26 =	simm.s32 $execute0_lowered;
	[smem:$0x3FD2] =	sst s25  }
0xa6: {  	s4 =	sshll.u32 s26, $0x1;
	_ =	strace $0x80000049;
	[dreg:$0x1] =	wrdreg $0xFFFFFFFF  }
0xa7: {  	s28 =	simm.s32 $_size_execute0_lowered;
	s2 =	sadd.s32 s2, s4;
	[dreg:$0x0] =	wrdreg $0x0  }
0xa8: {  	s4 =	sshll.u32 s28, $0x1;
	[dreg:$0x2] =	wrdreg s2  }
0xa9: {  	[dreg:$0x3] =	wrdreg s4  }
0xaa: {  	[dreg:$0x4] =	wrdreg $0xC0  }
0xab: {  	_ =	task [dreg:s6], $0x5FFFF  }
0xac: {  	[dreg:$0x1] =	wrdreg $0xFFFFFFFF  }
0xad: {  	[dreg:$0x0] =	wrdreg $0x60  }
0xae: {  	[dreg:$0x2] =	wrdreg s24  }
0xaf: {  	[dreg:$0x3] =	wrdreg $0xA8000  }
0xb0: {  	[dreg:$0x4] =	wrdreg $0x9  }
0xb1: {  	_ =	task.clear_ibuf [dreg:s6], $0x5FFFF;
	_ =	strace $0x90000049  }
0xb2: {  	s29 =	simm.s32 $0x9;
	_ =	strace $0x8000004B  }
0xb3: {  	_ =	swait.ge [sflag:s29], $0x1  }
0xb4: {  	[sflag:s29] =	ssyncadd.s32 $0xFFFFFFFF  }
0xb5: {  	_ =	strace $0x9000004B  }
0xb6: {  	_ =	sfence  }
0xb7: {  	s30 =	sld [smem:$0x0];
	_ =	sdelay $0x2  }
0xb8: {  	s31 =	sshll.u32 s1, $0xD;
	s1 =	sshrl.u32 s1, $0x2  }
0xb9: {  	s3 =	sand.u32 $0x4000, s31;
	s1 =	sadd.s32 s1, s30  }
0xba: {  	s0 =	sor.u32 s3, s0;
	s1 =	sshll.u32 s1, $0x11  }
0xbb: {  	s0 =	sor.u32 s1, s0  }
0xbc: {  	s0 =	sadd.s32 $0x8F2B, s0  }
0xbd: {  	[sflag:s0] =	ssyncadd.remote.s32 $0x1  }
0xbe: {  	_ =	sfence.sel $0xFFFF  }
0xbf: {  	[dreg:$0x0] =	wrdreg $0xFFFFFFFF;
	(pc) =	sbr.abs _section_cstart, $3  }
0xc0: {  	[dreg:$0x1] =	wrdreg $0xFFFFFFFF  }
0xc1: {  	_ =	task.clear_ibuf [dreg:s6], $0x2FFFF;
	_ =	strace $0x9FFFFFFF  }
0xc2: {  	(tm) =	ssettm $0x7FFFFFFF  }
0xc3: {  	_ =	shalt  }
tec
execute0_lowered:
.L_overlay_start_1:
0x0: {  	(tag) =	ssettag $0x1  }
0x1: {  	s5 =	rddreg [dreg:$0x0]  }
0x2: {  	s2 =	rddreg [dreg:$0x1]  }
0x3: {  	s0 =	rddreg [dreg:$0x2]  }
0x4: {  	s3 =	simm.s32 $0x0;
	s1 =	stileid.u32;
	s4 =	srdreg.scid  }
0x5: {  	s16 =	simm.s32 $0x80;
	s17 =	simm.s32 $0x2800;
	s18 =	simm.s32 $0x6800  }
0x6: {  	s19 =	simm.s32 $0x1;
	s20 =	simm.s32 $0x2;
	s21 =	simm.s32 $0x2600  }
0x7: {  	s22 =	simm.s32 $0x1300;
	s28 =	simm.s32 $0x0;
	s6 =	smul.u32 $0x13C00, s1  }
0x8: {  	[smem:$0x7FF] =	sst s3;
	s7 =	sand.u32 $0x1, s4;
	s11 =	smul.u32 $0x4F000, s1  }
0x9: {  	s4 =	sadd.s32 $0x90C00, s5;
	s9 =	sadd.s32 $0xFC00, s5;
	s13 =	smul.u32 $0x50, s1  }
0xa: {  	s10 =	sadd.s32 $0x5C00, s5;
	s30 =	sshll.u32 s1, $0x6;
	s8 =	smul.u32 $0x13C000, s7  }
0xb: {  	_ =	strace $0x8000004A;
	s23 =	smul.u32 $0x500, s7;
	s7 =	ssub.s32 $0x2, s7  }
0xc: {  	s12 =	sshrl.u32 s6, $0x3;
	s24 =	sshrl.u32 s7, $0x1;
	s25 =	sshrl.u32 s11, $0x2  }
0xd: {  	s6 =	sadd.s32 s6, s8;
	s12 =	sadd.s32 s12, s5;
	s15 =	ssub.s32 s7, s24  }
0xe: {  	s26 =	sadd.s32 s13, s23;
	s29 =	sadd.s32 s25, s2;
	s23 =	simm.s32 $0x2680  }
0xf: {  	s24 =	simm.s32 $0x1380;
	s25 =	simm.s32 $0x2700;
	s6 =	sshrl.u32 s6, $0x3  }
0x10: {  	s8 =	sshll.u32 s26, $0x4;
	s13 =	sshrl.u32 s29, $0x3;
	s26 =	simm.s32 $0x2780  }
0x11: {  	s14 =	sadd.s32 s6, s5;
	s5 =	sadd.s32 $0x19C00, s12;
	s6 =	sor.u32 $0x1C03, s30  }
0x12: {  	s31 =	sadd.s32 $0x280, s8;
	s7 =	sadd.s32 s9, s8;
	s8 =	sadd.s32 s10, s8  }
0x13: {  	s12 =	smax.u32 s15, $0x1;
	s15 =	simm.s32 $0x1400;
	s9 =	sadd.s32 s9, s31  }
0x14: {  	s10 =	sadd.s32 s10, s31;
	s11 =	sadd.s32 $0xB8400, s14;
	s14 =	simm.s32 $0x3  }
.LBB2_1:
0x15: {  	[spmem:s13], [sflag:s6] =	dma.local [hbm:s5], $0x2780  }
0x16: {  	_ =	swait.ge [sflag:s14], $0x2780  }
0x17: {  	[sflag:s14] =	ssyncset.done $0x0  }
0x18: {  	[sflag:s14] =	ssyncadd.s32 $0xFFFFD880  }
0x19: {  	[bflag:$0x0] =	sbarrier.arrive $0xFFFF  }
0x1a: {  	[tilespmem:s3], [sflag:$0x3] =	stream.linear.gather [hbm4b:s7+s3], $0x1400, $0x38;
	[tilespmem:$0x1E400] =	vst v63  }
0x1b: {  	_ =	swait.ge [sflag:s14], $0x1400  }
0x1c: {  	[sflag:s14] =	ssyncset.done $0x0  }
0x1d: {  	[sflag:s14] =	ssyncadd.s32 $0xFFFFEC00  }
0x1e: {  	[tilespmem:s15], [sflag:$0x3] =	stream.linear.gather [hbm4b:s8+s3], $0x1400, $0x38;
	[tilespmem:$0x1E400] =	vst v63  }
0x1f: {  	_ =	swait.ge [sflag:s14], $0x1400  }
0x20: {  	[sflag:s14] =	ssyncset.done $0x0  }
0x21: {  	[sflag:s14] =	ssyncadd.s32 $0xFFFFEC00  }
0x22: {  	[tilespmem:s17], [sflag:$0x1] =	stream.indirect.gather [hbm4b:s4+s16], $0x80, s3, s16, $0xb8;
	[tilespmem:$0x1E400] =	vst v63  }
0x23: {  	_ = 	snop  }
0x24: {  	[tilespmem:s18], [sflag:$0x2] =	stream.indirect.gather [hbm4b:s4+s16], $0x80, s16, s16, $0xb8;
	[tilespmem:$0x1E400] =	vst v63  }
0x25: {  	_ =	swait.ge [sflag:s19], $0x4000  }
0x26: {  	[sflag:s19] =	ssyncset.done $0x0  }
0x27: {  	s29 =	simm.s32 $0x1400;
	[sflag:s19] =	ssyncadd.s32 $0xFFFFC000  }
0x28: {  	[spmem:s2] =	stream.indirect.scatter.add.f32 [tilespmem:s17], [sflag:$0x3], $0x80, s29, s16, $0xb8;
	[tilespmem:$0x1E400] =	vst v63  }
0x29: {  	_ =	swait.ge [sflag:s14], $0x4000  }
0x2a: {  	[sflag:s14] =	ssyncset.done $0x0  }
0x2b: {  	s29 =	simm.s32 $0x100;
	[sflag:s14] =	ssyncadd.s32 $0xFFFFC000  }
0x2c: {  	[tilespmem:s17], [sflag:$0x1] =	stream.indirect.gather [hbm4b:s4+s16], $0x80, s29, s16, $0xb8;
	[tilespmem:$0x1E400] =	vst v63  }
0x2d: {  	_ =	swait.ge [sflag:s20], $0x4000  }
0x2e: {  	[sflag:s20] =	ssyncset.done $0x0  }
0x2f: {  	s29 =	simm.s32 $0x1480;
	[sflag:s20] =	ssyncadd.s32 $0xFFFFC000  }
0x30: {  	[spmem:s2] =	stream.indirect.scatter.add.f32 [tilespmem:s18], [sflag:$0x3], $0x80, s29, s16, $0xb8;
	[tilespmem:$0x1E400] =	vst v63  }
0x31: {  	_ =	swait.ge [sflag:s14], $0x4000  }
0x32: {  	[sflag:s14] =	ssyncset.done $0x0  }
0x33: {  	s30 =	simm.s32 $0x180;
	s29 =	simm.s32 $0x400;
	[sflag:s14] =	ssyncadd.s32 $0xFFFFC000  }
.LBB2_2:
0x34: {  	[tilespmem:s18], [sflag:$0x2] =	stream.indirect.gather [hbm4b:s4+s16], $0x80, s30, s16, $0xb8;
	[tilespmem:$0x1E400] =	vst v63  }
0x35: {  	s30 =	smov.u32 s29  }
0x36: {  	p0 =	sne.s32 s29, $0x4400;
	s29 =	sadd.s32 $0x400, s29;
	_ =	swait.ge [sflag:s19], $0x4000  }
0x37: {  	s30 =	sshra.s32 s30, $0x2;
	[sflag:s19] =	ssyncset.done $0x0  }
0x38: {  	s31 =	sadd.s32 $0x1400, s30;
	[sflag:s19] =	ssyncadd.s32 $0xFFFFC000  }
0x39: {  	[spmem:s2] =	stream.indirect.scatter.add.f32 [tilespmem:s17], [sflag:$0x3], $0x80, s31, s16, $0xb8;
	[tilespmem:$0x1E400] =	vst v63  }
0x3a: {  	_ =	swait.ge [sflag:s14], $0x4000  }
0x3b: {  	[sflag:s14] =	ssyncset.done $0x0  }
0x3c: {  	s31 =	sadd.s32 $0x100, s30;
	[sflag:s14] =	ssyncadd.s32 $0xFFFFC000  }
0x3d: {  	[tilespmem:s17], [sflag:$0x1] =	stream.indirect.gather [hbm4b:s4+s16], $0x80, s31, s16, $0xb8;
	[tilespmem:$0x1E400] =	vst v63  }
0x3e: {  	_ =	swait.ge [sflag:s20], $0x4000  }
0x3f: {  	[sflag:s20] =	ssyncset.done $0x0  }
.Ltmp0:
0x40: {  	s31 =	sadd.s32 $0x1480, s30;
	[sflag:s20] =	ssyncadd.s32 $0xFFFFC000;
	(pc) =	sbr.rel @p0 .LBB2_2-.Ltmp0, $4  }
0x41: {  	[spmem:s2] =	stream.indirect.scatter.add.f32 [tilespmem:s18], [sflag:$0x3], $0x80, s31, s16, $0xb8;
	[tilespmem:$0x1E400] =	vst v63  }
0x42: {  	_ =	swait.ge [sflag:s14], $0x4000  }
0x43: {  	[sflag:s14] =	ssyncset.done $0x0  }
0x44: {  	s30 =	sadd.s32 $0x180, s30;
	[sflag:s14] =	ssyncadd.s32 $0xFFFFC000  }
0x45: {  	[tilespmem:s18], [sflag:$0x2] =	stream.indirect.gather [hbm4b:s4+s16], $0x80, s30, s16, $0xb8;
	[tilespmem:$0x1E400] =	vst v63  }
0x46: {  	_ =	swait.ge [sflag:s19], $0x4000  }
0x47: {  	[sflag:s19] =	ssyncset.done $0x0  }
0x48: {  	[sflag:s19] =	ssyncadd.s32 $0xFFFFC000  }
0x49: {  	[spmem:s2] =	stream.indirect.scatter.add.f32 [tilespmem:s17], [sflag:$0x3], $0x80, s21, s16, $0xb8;
	[tilespmem:$0x1E400] =	vst v63  }
0x4a: {  	_ =	swait.ge [sflag:s14], $0x4000  }
0x4b: {  	[sflag:s14] =	ssyncset.done $0x0  }
0x4c: {  	[sflag:s14] =	ssyncadd.s32 $0xFFFFC000  }
0x4d: {  	[tilespmem:s17], [sflag:$0x1] =	stream.indirect.gather [hbm4b:s4+s16], $0x80, s22, s16, $0xb8;
	[tilespmem:$0x1E400] =	vst v63  }
0x4e: {  	_ =	swait.ge [sflag:s20], $0x4000  }
0x4f: {  	[sflag:s20] =	ssyncset.done $0x0  }
0x50: {  	[sflag:s20] =	ssyncadd.s32 $0xFFFFC000  }
0x51: {  	[spmem:s2] =	stream.indirect.scatter.add.f32 [tilespmem:s18], [sflag:$0x3], $0x80, s23, s16, $0xb8;
	[tilespmem:$0x1E400] =	vst v63  }
0x52: {  	_ =	swait.ge [sflag:s14], $0x4000  }
0x53: {  	[sflag:s14] =	ssyncset.done $0x0  }
0x54: {  	[sflag:s14] =	ssyncadd.s32 $0xFFFFC000  }
0x55: {  	[tilespmem:s18], [sflag:$0x2] =	stream.indirect.gather [hbm4b:s4+s16], $0x80, s24, s16, $0xb8;
	[tilespmem:$0x1E400] =	vst v63  }
0x56: {  	_ =	swait.ge [sflag:s19], $0x4000  }
0x57: {  	[sflag:s19] =	ssyncset.done $0x0  }
0x58: {  	[sflag:s19] =	ssyncadd.s32 $0xFFFFC000  }
0x59: {  	[spmem:s2] =	stream.indirect.scatter.add.f32 [tilespmem:s17], [sflag:$0x3], $0x80, s25, s16, $0xb8;
	[tilespmem:$0x1E400] =	vst v63  }
0x5a: {  	_ =	swait.ge [sflag:s14], $0x4000  }
0x5b: {  	[sflag:s14] =	ssyncset.done $0x0  }
0x5c: {  	[sflag:s14] =	ssyncadd.s32 $0xFFFFC000  }
0x5d: {  	[tilespmem:s17], [sflag:$0x1] =	stream.indirect.gather [hbm4b:s4+s16], $0x80, s24, s16, $0xb8;
	[tilespmem:$0x1E400] =	vst v63  }
0x5e: {  	_ =	swait.ge [sflag:s20], $0x4000  }
0x5f: {  	[sflag:s20] =	ssyncset.done $0x0  }
0x60: {  	[sflag:s20] =	ssyncadd.s32 $0xFFFFC000  }
0x61: {  	[spmem:s2] =	stream.indirect.scatter.add.f32 [tilespmem:s18], [sflag:$0x3], $0x80, s26, s16, $0xb8;
	[tilespmem:$0x1E400] =	vst v63  }
0x62: {  	_ =	swait.ge [sflag:s14], $0x4000  }
0x63: {  	[sflag:s14] =	ssyncset.done $0x0  }
0x64: {  	[sflag:s14] =	ssyncadd.s32 $0xFFFFC000  }
0x65: {  	[tilespmem:s18], [sflag:$0x2] =	stream.indirect.gather [hbm4b:s4+s16], $0x80, s24, s16, $0xb8;
	[tilespmem:$0x1E400] =	vst v63  }
0x66: {  	_ =	swait.ge [sflag:s19], $0x4000  }
0x67: {  	[sflag:s19] =	ssyncset.done $0x0  }
0x68: {  	[sflag:s19] =	ssyncadd.s32 $0xFFFFC000  }
0x69: {  	_ =	swait.ge [sflag:s20], $0x4000  }
0x6a: {  	[sflag:s20] =	ssyncset.done $0x0  }
0x6b: {  	s29 =	simm.s32 $0x0;
	[sflag:s20] =	ssyncadd.s32 $0xFFFFC000  }
0x6c: {  	[tilespmem:s29], [sflag:$0x3] =	stream.linear.gather [hbm4b:s9+s29], $0x1400, $0x38;
	[tilespmem:$0x1E400] =	vst v63  }
0x6d: {  	_ =	swait.ge [sflag:s14], $0x1400  }
0x6e: {  	[sflag:s14] =	ssyncset.done $0x0  }
0x6f: {  	[sflag:s14] =	ssyncadd.s32 $0xFFFFEC00  }
0x70: {  	[tilespmem:s15], [sflag:$0x3] =	stream.linear.gather [hbm4b:s10+s29], $0x1400, $0x38;
	[tilespmem:$0x1E400] =	vst v63  }
0x71: {  	_ =	swait.ge [sflag:s14], $0x1400  }
0x72: {  	[sflag:s14] =	ssyncset.done $0x0  }
0x73: {  	[sflag:s14] =	ssyncadd.s32 $0xFFFFEC00  }
0x74: {  	[tilespmem:s17], [sflag:$0x1] =	stream.indirect.gather [hbm4b:s4+s16], $0x80, s29, s16, $0xb8;
	[tilespmem:$0x1E400] =	vst v63  }
0x75: {  	_ = 	snop  }
0x76: {  	[tilespmem:s18], [sflag:$0x2] =	stream.indirect.gather [hbm4b:s4+s16], $0x80, s16, s16, $0xb8;
	[tilespmem:$0x1E400] =	vst v63  }
0x77: {  	_ =	swait.ge [sflag:s19], $0x4000  }
0x78: {  	[sflag:s19] =	ssyncset.done $0x0  }
0x79: {  	s29 =	simm.s32 $0x1400;
	[sflag:s19] =	ssyncadd.s32 $0xFFFFC000  }
0x7a: {  	[spmem:s2] =	stream.indirect.scatter.add.f32 [tilespmem:s17], [sflag:$0x3], $0x80, s29, s16, $0xb8;
	[tilespmem:$0x1E400] =	vst v63  }
0x7b: {  	_ =	swait.ge [sflag:s14], $0x4000  }
0x7c: {  	[sflag:s14] =	ssyncset.done $0x0  }
0x7d: {  	s29 =	simm.s32 $0x100;
	[sflag:s14] =	ssyncadd.s32 $0xFFFFC000  }
0x7e: {  	[tilespmem:s17], [sflag:$0x1] =	stream.indirect.gather [hbm4b:s4+s16], $0x80, s29, s16, $0xb8;
	[tilespmem:$0x1E400] =	vst v63  }
0x7f: {  	_ =	swait.ge [sflag:s20], $0x4000  }
0x80: {  	[sflag:s20] =	ssyncset.done $0x0  }
0x81: {  	s29 =	simm.s32 $0x1480;
	[sflag:s20] =	ssyncadd.s32 $0xFFFFC000  }
0x82: {  	[spmem:s2] =	stream.indirect.scatter.add.f32 [tilespmem:s18], [sflag:$0x3], $0x80, s29, s16, $0xb8;
	[tilespmem:$0x1E400] =	vst v63  }
0x83: {  	_ =	swait.ge [sflag:s14], $0x4000  }
0x84: {  	[sflag:s14] =	ssyncset.done $0x0  }
0x85: {  	s30 =	simm.s32 $0x180;
	s29 =	simm.s32 $0x400;
	[sflag:s14] =	ssyncadd.s32 $0xFFFFC000  }
.LBB2_4:
0x86: {  	[tilespmem:s18], [sflag:$0x2] =	stream.indirect.gather [hbm4b:s4+s16], $0x80, s30, s16, $0xb8;
	[tilespmem:$0x1E400] =	vst v63  }
0x87: {  	s30 =	smov.u32 s29  }
0x88: {  	p0 =	sne.s32 s29, $0x4400;
	s29 =	sadd.s32 $0x400, s29;
	_ =	swait.ge [sflag:s19], $0x4000  }
0x89: {  	s30 =	sshra.s32 s30, $0x2;
	[sflag:s19] =	ssyncset.done $0x0  }
0x8a: {  	s31 =	sadd.s32 $0x1400, s30;
	[sflag:s19] =	ssyncadd.s32 $0xFFFFC000  }
0x8b: {  	[spmem:s2] =	stream.indirect.scatter.add.f32 [tilespmem:s17], [sflag:$0x3], $0x80, s31, s16, $0xb8;
	[tilespmem:$0x1E400] =	vst v63  }
0x8c: {  	_ =	swait.ge [sflag:s14], $0x4000  }
0x8d: {  	[sflag:s14] =	ssyncset.done $0x0  }
0x8e: {  	s31 =	sadd.s32 $0x100, s30;
	[sflag:s14] =	ssyncadd.s32 $0xFFFFC000  }
0x8f: {  	[tilespmem:s17], [sflag:$0x1] =	stream.indirect.gather [hbm4b:s4+s16], $0x80, s31, s16, $0xb8;
	[tilespmem:$0x1E400] =	vst v63  }
0x90: {  	_ =	swait.ge [sflag:s20], $0x4000  }
0x91: {  	[sflag:s20] =	ssyncset.done $0x0  }
.Ltmp1:
0x92: {  	s31 =	sadd.s32 $0x1480, s30;
	[sflag:s20] =	ssyncadd.s32 $0xFFFFC000;
	(pc) =	sbr.rel @p0 .LBB2_4-.Ltmp1, $4  }
0x93: {  	[spmem:s2] =	stream.indirect.scatter.add.f32 [tilespmem:s18], [sflag:$0x3], $0x80, s31, s16, $0xb8;
	[tilespmem:$0x1E400] =	vst v63  }
0x94: {  	_ =	swait.ge [sflag:s14], $0x4000  }
0x95: {  	[sflag:s14] =	ssyncset.done $0x0  }
0x96: {  	s30 =	sadd.s32 $0x180, s30;
	[sflag:s14] =	ssyncadd.s32 $0xFFFFC000  }
0x97: {  	[tilespmem:s18], [sflag:$0x2] =	stream.indirect.gather [hbm4b:s4+s16], $0x80, s30, s16, $0xb8;
	[tilespmem:$0x1E400] =	vst v63  }
0x98: {  	_ =	swait.ge [sflag:s19], $0x4000  }
0x99: {  	[sflag:s19] =	ssyncset.done $0x0  }
0x9a: {  	[sflag:s19] =	ssyncadd.s32 $0xFFFFC000  }
0x9b: {  	[spmem:s2] =	stream.indirect.scatter.add.f32 [tilespmem:s17], [sflag:$0x3], $0x80, s21, s16, $0xb8;
	[tilespmem:$0x1E400] =	vst v63  }
0x9c: {  	_ =	swait.ge [sflag:s14], $0x4000  }
0x9d: {  	[sflag:s14] =	ssyncset.done $0x0  }
0x9e: {  	[sflag:s14] =	ssyncadd.s32 $0xFFFFC000  }
0x9f: {  	[tilespmem:s17], [sflag:$0x1] =	stream.indirect.gather [hbm4b:s4+s16], $0x80, s22, s16, $0xb8;
	[tilespmem:$0x1E400] =	vst v63  }
0xa0: {  	_ =	swait.ge [sflag:s20], $0x4000  }
0xa1: {  	[sflag:s20] =	ssyncset.done $0x0  }
0xa2: {  	[sflag:s20] =	ssyncadd.s32 $0xFFFFC000  }
0xa3: {  	[spmem:s2] =	stream.indirect.scatter.add.f32 [tilespmem:s18], [sflag:$0x3], $0x80, s23, s16, $0xb8;
	[tilespmem:$0x1E400] =	vst v63  }
0xa4: {  	_ =	swait.ge [sflag:s14], $0x4000  }
0xa5: {  	[sflag:s14] =	ssyncset.done $0x0  }
0xa6: {  	[sflag:s14] =	ssyncadd.s32 $0xFFFFC000  }
0xa7: {  	[tilespmem:s18], [sflag:$0x2] =	stream.indirect.gather [hbm4b:s4+s16], $0x80, s24, s16, $0xb8;
	[tilespmem:$0x1E400] =	vst v63  }
0xa8: {  	_ =	swait.ge [sflag:s19], $0x4000  }
0xa9: {  	[sflag:s19] =	ssyncset.done $0x0  }
0xaa: {  	[sflag:s19] =	ssyncadd.s32 $0xFFFFC000  }
0xab: {  	[spmem:s2] =	stream.indirect.scatter.add.f32 [tilespmem:s17], [sflag:$0x3], $0x80, s25, s16, $0xb8;
	[tilespmem:$0x1E400] =	vst v63  }
0xac: {  	_ =	swait.ge [sflag:s14], $0x4000  }
0xad: {  	[sflag:s14] =	ssyncset.done $0x0  }
0xae: {  	[sflag:s14] =	ssyncadd.s32 $0xFFFFC000  }
0xaf: {  	[tilespmem:s17], [sflag:$0x1] =	stream.indirect.gather [hbm4b:s4+s16], $0x80, s24, s16, $0xb8;
	[tilespmem:$0x1E400] =	vst v63  }
0xb0: {  	_ =	swait.ge [sflag:s20], $0x4000  }
0xb1: {  	[sflag:s20] =	ssyncset.done $0x0  }
0xb2: {  	[sflag:s20] =	ssyncadd.s32 $0xFFFFC000  }
0xb3: {  	[spmem:s2] =	stream.indirect.scatter.add.f32 [tilespmem:s18], [sflag:$0x3], $0x80, s26, s16, $0xb8;
	[tilespmem:$0x1E400] =	vst v63  }
0xb4: {  	_ =	swait.ge [sflag:s14], $0x4000  }
0xb5: {  	[sflag:s14] =	ssyncset.done $0x0  }
0xb6: {  	[sflag:s14] =	ssyncadd.s32 $0xFFFFC000  }
0xb7: {  	[tilespmem:s18], [sflag:$0x2] =	stream.indirect.gather [hbm4b:s4+s16], $0x80, s24, s16, $0xb8;
	[tilespmem:$0x1E400] =	vst v63  }
0xb8: {  	_ =	swait.ge [sflag:s19], $0x4000  }
0xb9: {  	[sflag:s19] =	ssyncset.done $0x0  }
0xba: {  	[sflag:s19] =	ssyncadd.s32 $0xFFFFC000  }
0xbb: {  	_ =	swait.ge [sflag:s20], $0x4000  }
0xbc: {  	s28 =	sadd.s32 $0x1, s28;
	[sflag:s20] =	ssyncset.done $0x0  }
0xbd: {  	p0 =	sne.s32 s28, s12;
	[sflag:s20] =	ssyncadd.s32 $0xFFFFC000  }
.Ltmp2:
0xbe: {  	[bflag:$0x0] =	sbarrier.arrive $0xFFFF;
	(pc) =	sbr.rel @p0 .LBB2_1-.Ltmp2, $4  }
0xbf: {  	[hbm:s11], [sflag:s6] =	dma.local [spmem:s13], $0x2780  }
0xc0: {  	_ =	swait.ge [sflag:s14], $0x2780  }
0xc1: {  	[sflag:s14] =	ssyncset.done $0x0  }
0xc2: {  	[sflag:s14] =	ssyncadd.s32 $0xFFFFD880  }
0xc3: {  	_ =	sfence.sel $0x180000  }
0xc4: {  	[bflag:$0x0] =	sbarrier.arrive $0xFFFF  }
0xc5: {  	p0 =	sne.s32 s1, $0x0;
	_ =	strace $0x9000004A  }
0xc6: {  	s0 =	sadd.s32 @!p0 $0x100000, s0;
	[bflag:$0x2] =	sbarrier.arrive $0xFFFF  }
0xc7: {  	[sflag:s0] =	ssyncadd.tile.s32 @!p0 $0x1;
	_ =	shalt  }
.Lfunc_end2:
_tile_overlayer_lowered:
.L_overlay_start_2:
0xc8: {  	(tag) =	ssettag $0x2  }
0xc9: {  	s0 =	rddreg [dreg:$0x0];
	s2 =	stileid.u32  }
0xca: {  	s1 =	rddreg [dreg:$0x1];
	p0 =	sne.s32 s2, $0x0  }
0xcb: {  	s3 =	rddreg [dreg:$0x2];
	[bflag:$0x3] =	sbarrier.arrive $0xFFFF;
	s2 =	simm.s32 @!p0 $0x1C03  }
0xcc: {  	[timem:s3], [sflag:s2] =	dma.local @!p0 [hbm:s0], s1  }
0xcd: {  	s0 =	simm.s32 @!p0 $0x3  }
0xce: {  	_ =	swait.ge @!p0 [sflag:s0], s1  }
0xcf: {  	s1 =	ssub.s32 @!p0 $0x0, s1;
	[sflag:s0] =	ssyncset.done @!p0 $0x0  }
0xd0: {  	[sflag:s0] =	ssyncadd.s32 @!p0 s1  }
0xd1: {  	[bflag:$0x3] =	sbarrier.arrive $0xFFFF  }
0xd2: {  	_ =	shalt  }

// kernel: kernel.16.cloned.1.call-start
scs
__scs_entry_jumppad:
0x0: {  	(pc) =	sbr.rel $0x88, $3  }
0x1: {  	(tag) =	ssettag $0x0;
	lr =	simm.s32 $0x1  }
0x2: {  	[smem:$0x3F87] =	sst lr;
	_ =	strace $0xD0000000  }
0x3: {  	_ = 	snop  }
0x4: {  	_ = 	snop  }
0x5: {  	_ = 	snop  }
0x6: {  	_ = 	snop  }
0x7: {  	_ = 	snop  }
__scs_overlays_trampoline_lowered:
0x8: {  	[smem:$0x3F96] =	sst s0  }
0x9: {  	[smem:$0x3F97] =	sst s1  }
0xa: {  	[smem:$0x3F98] =	sst s2  }
0xb: {  	[smem:$0x3F99] =	sst s3  }
0xc: {  	[smem:$0x3F9A] =	sst s4  }
0xd: {  	[smem:$0x3F9B] =	sst s5  }
0xe: {  	[smem:$0x3F9C] =	sst s6  }
0xf: {  	[smem:$0x3F9D] =	sst s7  }
0x10: {  	[smem:$0x3F9E] =	sst s8  }
0x11: {  	[smem:$0x3F9F] =	sst s9;
	s0 =	simm.s32 @!p0 $0x0  }
0x12: {  	s1 =	sld [smem:$0x3F85];
	s0 =	simm.s32 @p0 $0x1  }
0x13: {  	[smem:$0x3FA0] =	sst s0;
	s0 =	simm.s32 @!p1 $0x0  }
0x14: {  	s2 =	sld [smem:$0x3F84];
	s0 =	simm.s32 @p1 $0x1  }
0x15: {  	[smem:$0x3FA1] =	sst s0;
	s0 =	simm.s32 @!p2 $0x0  }
0x16: {  	s3 =	sld [smem:$0x3FDB];
	s0 =	simm.s32 @p2 $0x1  }
0x17: {  	s4 =	simm.s32 $0x1BF5;
	[smem:$0x3FA3] =	sst s0  }
0x18: {  	s0 =	sld [smem:$0x3F86];
	_ =	swait.ge [sflag:s4], $0x0  }
0x19: {  	s7 =	sld [smem:$0x3F87]  }
0x1a: {  	s8 =	sadd.s32 $0xFFFFE003, lr  }
0x1b: {  	s9 =	sadd.s32 $0xFFFFFEF7, lr;
	s5 =	simm.s32 $0xFFFFFFFF;
	p2 =	slt.u32 s8, $0xFFFFF086  }
0x1c: {  	p1 =	slt.u32 s9, $0xF7A;
	s5 =	simm.s32 @!p2 $0x0  }
0x1d: {  	s5 =	simm.s32 @p1 $0x1;
	p0 =	seq.s32 s7, s2  }
0x1e: {  	s7 =	smul.u32 @!p0 $0xF7A, s2;
	p2 =	seq.s32 @!p0 s5, $0x0  }
0x1f: {  	s9 =	smul.u32 $0xF7A, s1;
	s8 =	simm.s32 @!p0 $0x1BF5;
	p2 =	por !p2, p0  }
0x20: {  	[sflag:s8] =	ssyncset.s32 @!p0 $0xFFFFF086;
	s6 =	sadd.s32 @!p0 s3, s7;
	s7 =	simm.s32 @!p0 $0x108  }
0x21: {  	s3 =	sadd.s32 s3, s9;
	s6 =	sadd.s32 @!p0 $0x88, s6;
	s7 =	simm.s32 @p2 $0x1082  }
0x22: {  	[simem:s7], [sflag:s8] =	dma.local @!p0 [hbm:s6], $0xF7A  }
0x23: {  	s9 =	sor.u32 $0xD0000000, s2;
	s6 =	simm.s32 $0x108;
	_ =	swait.ge @!p0 [sflag:s8], $0x0  }
0x24: {  	s3 =	sadd.s32 $0x88, s3;
	s6 =	simm.s32 @!p1 $0x1082;
	[sflag:s4] =	ssyncset.s32 $0xFFFFF086  }
0x25: {  	[simem:s6], [sflag:s4] =	dma.local [hbm:s3], $0xF7A  }
0x26: {  	[smem:$0x3F87] =	sst s1;
	(tag) =	ssettag s2;
	_ =	strace s9  }
0x27: {  	s1 =	sld [smem:$0x3F97]  }
0x28: {  	s2 =	sld [smem:$0x3F98]  }
0x29: {  	s4 =	sld [smem:$0x3F9A]  }
0x2a: {  	p0 =	seq.s32 s5, $0x0;
	s5 =	sld [smem:$0x3F9B]  }
0x2b: {  	s6 =	sld [smem:$0x3F9C]  }
0x2c: {  	s7 =	sld [smem:$0x3F9D]  }
0x2d: {  	s3 =	simm.s32 $0x108;
	s8 =	sld [smem:$0x3F9E]  }
0x2e: {  	s3 =	simm.s32 @!p0 $0x1082;
	s9 =	sld [smem:$0x3F9F]  }
0x2f: {  	lr =	sadd.s32 s0, s3;
	s0 =	sld [smem:$0x3F96]  }
0x30: {  	s3 =	sld [smem:$0x3F99]  }
0x31: {  	[smem:$0x3FA2] =	sst s10  }
0x32: {  	s10 =	sld [smem:$0x3FA0];
	_ =	sdelay $0x3  }
0x33: {  	p0 =	seq.s32 s10, $0x1;
	s10 =	sld [smem:$0x3FA2];
	_ =	sdelay $0x3  }
0x34: {  	[smem:$0x3FA2] =	sst s10  }
0x35: {  	s10 =	sld [smem:$0x3FA1];
	_ =	sdelay $0x3  }
0x36: {  	p1 =	seq.s32 s10, $0x1;
	s10 =	sld [smem:$0x3FA2];
	_ =	sdelay $0x3  }
0x37: {  	[smem:$0x3FA2] =	sst s10  }
0x38: {  	s10 =	sld [smem:$0x3FA3]  }
0x39: {  	_ = 	snop;
	(pc) =	sbr.ind lr, $3  }
0x3a: {  	_ = 	snop  }
0x3b: {  	_ = 	snop  }
0x3c: {  	p2 =	seq.s32 s10, $0x1;
	s10 =	sld [smem:$0x3FA2]  }
0x3d: {  	_ =	shalt  }
0x3e: {  	_ =	shalt  }
0x3f: {  	_ =	shalt  }
0x40: {  	_ =	shalt  }
0x41: {  	_ =	shalt  }
0x42: {  	_ =	shalt  }
0x43: {  	_ =	shalt  }
0x44: {  	_ =	shalt  }
0x45: {  	_ =	shalt  }
0x46: {  	_ =	shalt  }
0x47: {  	_ =	shalt  }
0x48: {  	_ =	shalt  }
0x49: {  	_ =	shalt  }
0x4a: {  	_ =	shalt  }
0x4b: {  	_ =	shalt  }
0x4c: {  	_ =	shalt  }
0x4d: {  	_ =	shalt  }
0x4e: {  	_ =	shalt  }
0x4f: {  	_ =	shalt  }
0x50: {  	_ =	shalt  }
0x51: {  	_ =	shalt  }
0x52: {  	_ =	shalt  }
0x53: {  	_ =	shalt  }
0x54: {  	_ =	shalt  }
0x55: {  	_ =	shalt  }
0x56: {  	_ =	shalt  }
0x57: {  	_ =	shalt  }
0x58: {  	_ =	shalt  }
0x59: {  	_ =	shalt  }
0x5a: {  	_ =	shalt  }
0x5b: {  	_ =	shalt  }
0x5c: {  	_ =	shalt  }
0x5d: {  	_ =	shalt  }
0x5e: {  	_ =	shalt  }
0x5f: {  	_ =	shalt  }
0x60: {  	_ =	shalt  }
0x61: {  	_ =	shalt  }
0x62: {  	_ =	shalt  }
0x63: {  	_ =	shalt  }
0x64: {  	_ =	shalt  }
0x65: {  	_ =	shalt  }
0x66: {  	_ =	shalt  }
0x67: {  	_ =	shalt  }
0x68: {  	_ =	shalt  }
0x69: {  	_ =	shalt  }
0x6a: {  	_ =	shalt  }
0x6b: {  	_ =	shalt  }
0x6c: {  	_ =	shalt  }
0x6d: {  	_ =	shalt  }
0x6e: {  	_ =	shalt  }
0x6f: {  	_ =	shalt  }
0x70: {  	_ =	shalt  }
0x71: {  	_ =	shalt  }
0x72: {  	_ =	shalt  }
0x73: {  	_ =	shalt  }
0x74: {  	_ =	shalt  }
0x75: {  	_ =	shalt  }
0x76: {  	_ =	shalt  }
0x77: {  	_ =	shalt  }
0x78: {  	_ =	shalt  }
0x79: {  	_ =	shalt  }
0x7a: {  	_ =	shalt  }
0x7b: {  	_ =	shalt  }
0x7c: {  	_ =	shalt  }
0x7d: {  	_ =	shalt  }
0x7e: {  	_ =	shalt  }
0x7f: {  	_ =	shalt  }
0x80: {  	_ =	shalt  }
0x81: {  	_ =	shalt  }
0x82: {  	_ =	shalt  }
0x83: {  	_ =	shalt  }
0x84: {  	_ =	shalt  }
0x85: {  	_ =	shalt  }
0x86: {  	_ =	shalt  }
0x87: {  	_ =	shalt  }
.Lfunc_end0:
.L_simem_size_0:
called_computation.2_lowered:
.L_overlay_start_0:
0x88: {  	s2 =	sld [smem:$0x3FD9]  }
0x89: {  	s3 =	sld [smem:$0x3FFE];
	_ =	sdelay $0x1  }
0x8a: {  	s1 =	srdreg.scid  }
0x8b: {  	s0 =	sand.u32 $0x1, s1  }
0x8c: {  	s16 =	sshll.u32 s0, $0xA;
	s2 =	sadd.s32 s3, s2  }
0x8d: {  	s2 =	sadd.s32 s2, s16  }
0x8e: {  	[smem:$0x3FAE] =	sst s2  }
0x8f: {  	_ = 	snop  }
0x90: {  	(tm) =	ssettm $0x1  }
0x91: {  	s17 =	sld [smem:$0x3FFB];
	_ =	sdelay $0x3  }
0x92: {  	_ =	strace s17  }
0x93: {  	s2 =	sld [smem:$0x3FFC];
	_ =	sdelay $0x3  }
0x94: {  	_ =	strace s2  }
0x95: {  	s2 =	sld [smem:$0x3FFD];
	_ =	sdelay $0x3  }
0x96: {  	_ =	strace s2  }
0x97: {  	_ =	strace $0x8FFFFFFF  }
0x98: {  	s18 =	sld [smem:$0x3FDB];
	_ =	sdelay $0x1  }
0x99: {  	s19 =	simm.s32 $_scs_section_size  }
0x9a: {  	s4 =	simm.s32 $_size__tile_overlayer_lowered;
	s5 =	simm.s32 $_tile_overlayer_lowered  }
0x9b: {  	s22 =	simm.s32 $0x1BFF;
	s21 =	sshll.u32 s5, $0x1;
	s2 =	sadd.s32 s19, s18  }
0x9c: {  	s6 =	simm.s32 $0x0;
	s20 =	sshll.u32 s4, $0x1;
	s4 =	sadd.s32 s21, s2  }
0x9d: {  	[timem:s6], [sflag:s22] =	dma.local [hbm:s4], s20  }
0x9e: {  	_ =	swait.ge [sflag:s22], s20  }
0x9f: {  	s3 =	ssub.s32 $0x0, s20;
	[sflag:s22] =	ssyncset.done $0x0  }
0xa0: {  	[sflag:s22] =	ssyncadd.s32 s3;
	_ =	sdelay $0x1  }
0xa1: {  	s23 =	simm.s32 $0x1B8B  }
0xa2: {  	_ =	swait.ge [sflag:s23], $0x1  }
0xa3: {  	[sflag:s23] =	ssyncset.done $0x0  }
0xa4: {  	s25 =	simm.s32 $0x1B8E;
	s24 =	sld [smem:$0x3FFE];
	[sflag:s23] =	ssyncadd.s32 $0xFFFFFFFF  }
0xa5: {  	s26 =	simm.s32 $execute0_lowered;
	[smem:$0x3FD2] =	sst s25  }
0xa6: {  	s4 =	sshll.u32 s26, $0x1;
	_ =	strace $0x8000004C;
	[dreg:$0x1] =	wrdreg $0xFFFFFFFF  }
0xa7: {  	s28 =	simm.s32 $_size_execute0_lowered;
	s2 =	sadd.s32 s2, s4;
	[dreg:$0x0] =	wrdreg $0x0  }
0xa8: {  	s4 =	sshll.u32 s28, $0x1;
	[dreg:$0x2] =	wrdreg s2  }
0xa9: {  	[dreg:$0x3] =	wrdreg s4  }
0xaa: {  	[dreg:$0x4] =	wrdreg $0xC0  }
0xab: {  	_ =	task [dreg:s6], $0x5FFFF  }
0xac: {  	[dreg:$0x1] =	wrdreg $0xFFFFFFFF  }
0xad: {  	[dreg:$0x0] =	wrdreg $0x60  }
0xae: {  	[dreg:$0x2] =	wrdreg s24  }
0xaf: {  	[dreg:$0x3] =	wrdreg $0xA8000  }
0xb0: {  	[dreg:$0x4] =	wrdreg $0x9  }
0xb1: {  	_ =	task.clear_ibuf [dreg:s6], $0x5FFFF;
	_ =	strace $0x9000004C  }
0xb2: {  	s29 =	simm.s32 $0x9;
	_ =	strace $0x8000004E  }
0xb3: {  	_ =	swait.ge [sflag:s29], $0x1  }
0xb4: {  	[sflag:s29] =	ssyncadd.s32 $0xFFFFFFFF  }
0xb5: {  	_ =	strace $0x9000004E  }
0xb6: {  	_ =	sfence  }
0xb7: {  	s30 =	sld [smem:$0x0];
	_ =	sdelay $0x2  }
0xb8: {  	s31 =	sshll.u32 s1, $0xD;
	s1 =	sshrl.u32 s1, $0x2  }
0xb9: {  	s3 =	sand.u32 $0x4000, s31;
	s1 =	sadd.s32 s1, s30  }
0xba: {  	s0 =	sor.u32 s3, s0;
	s1 =	sshll.u32 s1, $0x11  }
0xbb: {  	s0 =	sor.u32 s1, s0  }
0xbc: {  	s0 =	sadd.s32 $0x8F2B, s0  }
0xbd: {  	[sflag:s0] =	ssyncadd.remote.s32 $0x1  }
0xbe: {  	_ =	sfence.sel $0xFFFF  }
0xbf: {  	[dreg:$0x0] =	wrdreg $0xFFFFFFFF;
	(pc) =	sbr.abs _section_cstart, $3  }
0xc0: {  	[dreg:$0x1] =	wrdreg $0xFFFFFFFF  }
0xc1: {  	_ =	task.clear_ibuf [dreg:s6], $0x2FFFF;
	_ =	strace $0x9FFFFFFF  }
0xc2: {  	(tm) =	ssettm $0x7FFFFFFF  }
0xc3: {  	_ =	shalt  }
tec
execute0_lowered:
.L_overlay_start_1:
0x0: {  	(tag) =	ssettag $0x1  }
0x1: {  	s5 =	rddreg [dreg:$0x0]  }
0x2: {  	s2 =	rddreg [dreg:$0x1]  }
0x3: {  	s0 =	rddreg [dreg:$0x2]  }
0x4: {  	s3 =	simm.s32 $0x0;
	s1 =	stileid.u32;
	s4 =	srdreg.scid  }
0x5: {  	s16 =	simm.s32 $0x80;
	s17 =	simm.s32 $0x2800;
	s18 =	simm.s32 $0x6800  }
0x6: {  	s19 =	simm.s32 $0x1;
	s20 =	simm.s32 $0x2;
	s21 =	simm.s32 $0x2600  }
0x7: {  	s22 =	simm.s32 $0x1300;
	s28 =	simm.s32 $0x0;
	s6 =	smul.u32 $0x13C00, s1  }
0x8: {  	[smem:$0x7FF] =	sst s3;
	s7 =	sand.u32 $0x1, s4;
	s11 =	smul.u32 $0x4F000, s1  }
0x9: {  	s4 =	sadd.s32 $0x90C00, s5;
	s9 =	sadd.s32 $0xFC00, s5;
	s13 =	smul.u32 $0x50, s1  }
0xa: {  	s10 =	sadd.s32 $0x5C00, s5;
	s30 =	sshll.u32 s1, $0x6;
	s8 =	smul.u32 $0x13C000, s7  }
0xb: {  	_ =	strace $0x8000004D;
	s23 =	smul.u32 $0x500, s7;
	s7 =	ssub.s32 $0x2, s7  }
0xc: {  	s12 =	sshrl.u32 s6, $0x3;
	s24 =	sshrl.u32 s7, $0x1;
	s25 =	sshrl.u32 s11, $0x2  }
0xd: {  	s6 =	sadd.s32 s6, s8;
	s12 =	sadd.s32 s12, s5;
	s15 =	ssub.s32 s7, s24  }
0xe: {  	s26 =	sadd.s32 s13, s23;
	s29 =	sadd.s32 s25, s2;
	s23 =	simm.s32 $0x2680  }
0xf: {  	s24 =	simm.s32 $0x1380;
	s25 =	simm.s32 $0x2700;
	s6 =	sshrl.u32 s6, $0x3  }
0x10: {  	s8 =	sshll.u32 s26, $0x4;
	s13 =	sshrl.u32 s29, $0x3;
	s26 =	simm.s32 $0x2780  }
0x11: {  	s14 =	sadd.s32 s6, s5;
	s5 =	sadd.s32 $0x19C00, s12;
	s6 =	sor.u32 $0x1C03, s30  }
0x12: {  	s31 =	sadd.s32 $0x280, s8;
	s7 =	sadd.s32 s9, s8;
	s8 =	sadd.s32 s10, s8  }
0x13: {  	s12 =	smax.u32 s15, $0x1;
	s15 =	simm.s32 $0x1400;
	s9 =	sadd.s32 s9, s31  }
0x14: {  	s10 =	sadd.s32 s10, s31;
	s11 =	sadd.s32 $0xB8400, s14;
	s14 =	simm.s32 $0x3  }
.LBB2_1:
0x15: {  	[spmem:s13], [sflag:s6] =	dma.local [hbm:s5], $0x2780  }
0x16: {  	_ =	swait.ge [sflag:s14], $0x2780  }
0x17: {  	[sflag:s14] =	ssyncset.done $0x0  }
0x18: {  	[sflag:s14] =	ssyncadd.s32 $0xFFFFD880  }
0x19: {  	[bflag:$0x0] =	sbarrier.arrive $0xFFFF  }
0x1a: {  	[tilespmem:s3], [sflag:$0x3] =	stream.linear.gather [hbm4b:s7+s3], $0x1400, $0x38;
	[tilespmem:$0x1E400] =	vst v63  }
0x1b: {  	_ =	swait.ge [sflag:s14], $0x1400  }
0x1c: {  	[sflag:s14] =	ssyncset.done $0x0  }
0x1d: {  	[sflag:s14] =	ssyncadd.s32 $0xFFFFEC00  }
0x1e: {  	[tilespmem:s15], [sflag:$0x3] =	stream.linear.gather [hbm4b:s8+s3], $0x1400, $0x38;
	[tilespmem:$0x1E400] =	vst v63  }
0x1f: {  	_ =	swait.ge [sflag:s14], $0x1400  }
0x20: {  	[sflag:s14] =	ssyncset.done $0x0  }
0x21: {  	[sflag:s14] =	ssyncadd.s32 $0xFFFFEC00  }
0x22: {  	[tilespmem:s17], [sflag:$0x1] =	stream.indirect.gather [hbm4b:s4+s16], $0x80, s3, s16, $0xb8;
	[tilespmem:$0x1E400] =	vst v63  }
0x23: {  	_ = 	snop  }
0x24: {  	[tilespmem:s18], [sflag:$0x2] =	stream.indirect.gather [hbm4b:s4+s16], $0x80, s16, s16, $0xb8;
	[tilespmem:$0x1E400] =	vst v63  }
0x25: {  	_ =	swait.ge [sflag:s19], $0x4000  }
0x26: {  	[sflag:s19] =	ssyncset.done $0x0  }
0x27: {  	s29 =	simm.s32 $0x1400;
	[sflag:s19] =	ssyncadd.s32 $0xFFFFC000  }
0x28: {  	[spmem:s2] =	stream.indirect.scatter.add.f32 [tilespmem:s17], [sflag:$0x3], $0x80, s29, s16, $0xb8;
	[tilespmem:$0x1E400] =	vst v63  }
0x29: {  	_ =	swait.ge [sflag:s14], $0x4000  }
0x2a: {  	[sflag:s14] =	ssyncset.done $0x0  }
0x2b: {  	s29 =	simm.s32 $0x100;
	[sflag:s14] =	ssyncadd.s32 $0xFFFFC000  }
0x2c: {  	[tilespmem:s17], [sflag:$0x1] =	stream.indirect.gather [hbm4b:s4+s16], $0x80, s29, s16, $0xb8;
	[tilespmem:$0x1E400] =	vst v63  }
0x2d: {  	_ =	swait.ge [sflag:s20], $0x4000  }
0x2e: {  	[sflag:s20] =	ssyncset.done $0x0  }
0x2f: {  	s29 =	simm.s32 $0x1480;
	[sflag:s20] =	ssyncadd.s32 $0xFFFFC000  }
0x30: {  	[spmem:s2] =	stream.indirect.scatter.add.f32 [tilespmem:s18], [sflag:$0x3], $0x80, s29, s16, $0xb8;
	[tilespmem:$0x1E400] =	vst v63  }
0x31: {  	_ =	swait.ge [sflag:s14], $0x4000  }
0x32: {  	[sflag:s14] =	ssyncset.done $0x0  }
0x33: {  	s30 =	simm.s32 $0x180;
	s29 =	simm.s32 $0x400;
	[sflag:s14] =	ssyncadd.s32 $0xFFFFC000  }
.LBB2_2:
0x34: {  	[tilespmem:s18], [sflag:$0x2] =	stream.indirect.gather [hbm4b:s4+s16], $0x80, s30, s16, $0xb8;
	[tilespmem:$0x1E400] =	vst v63  }
0x35: {  	s30 =	smov.u32 s29  }
0x36: {  	p0 =	sne.s32 s29, $0x4400;
	s29 =	sadd.s32 $0x400, s29;
	_ =	swait.ge [sflag:s19], $0x4000  }
0x37: {  	s30 =	sshra.s32 s30, $0x2;
	[sflag:s19] =	ssyncset.done $0x0  }
0x38: {  	s31 =	sadd.s32 $0x1400, s30;
	[sflag:s19] =	ssyncadd.s32 $0xFFFFC000  }
0x39: {  	[spmem:s2] =	stream.indirect.scatter.add.f32 [tilespmem:s17], [sflag:$0x3], $0x80, s31, s16, $0xb8;
	[tilespmem:$0x1E400] =	vst v63  }
0x3a: {  	_ =	swait.ge [sflag:s14], $0x4000  }
0x3b: {  	[sflag:s14] =	ssyncset.done $0x0  }
0x3c: {  	s31 =	sadd.s32 $0x100, s30;
	[sflag:s14] =	ssyncadd.s32 $0xFFFFC000  }
0x3d: {  	[tilespmem:s17], [sflag:$0x1] =	stream.indirect.gather [hbm4b:s4+s16], $0x80, s31, s16, $0xb8;
	[tilespmem:$0x1E400] =	vst v63  }
0x3e: {  	_ =	swait.ge [sflag:s20], $0x4000  }
0x3f: {  	[sflag:s20] =	ssyncset.done $0x0  }
.Ltmp0:
0x40: {  	s31 =	sadd.s32 $0x1480, s30;
	[sflag:s20] =	ssyncadd.s32 $0xFFFFC000;
	(pc) =	sbr.rel @p0 .LBB2_2-.Ltmp0, $4  }
0x41: {  	[spmem:s2] =	stream.indirect.scatter.add.f32 [tilespmem:s18], [sflag:$0x3], $0x80, s31, s16, $0xb8;
	[tilespmem:$0x1E400] =	vst v63  }
0x42: {  	_ =	swait.ge [sflag:s14], $0x4000  }
0x43: {  	[sflag:s14] =	ssyncset.done $0x0  }
0x44: {  	s30 =	sadd.s32 $0x180, s30;
	[sflag:s14] =	ssyncadd.s32 $0xFFFFC000  }
0x45: {  	[tilespmem:s18], [sflag:$0x2] =	stream.indirect.gather [hbm4b:s4+s16], $0x80, s30, s16, $0xb8;
	[tilespmem:$0x1E400] =	vst v63  }
0x46: {  	_ =	swait.ge [sflag:s19], $0x4000  }
0x47: {  	[sflag:s19] =	ssyncset.done $0x0  }
0x48: {  	[sflag:s19] =	ssyncadd.s32 $0xFFFFC000  }
0x49: {  	[spmem:s2] =	stream.indirect.scatter.add.f32 [tilespmem:s17], [sflag:$0x3], $0x80, s21, s16, $0xb8;
	[tilespmem:$0x1E400] =	vst v63  }
0x4a: {  	_ =	swait.ge [sflag:s14], $0x4000  }
0x4b: {  	[sflag:s14] =	ssyncset.done $0x0  }
0x4c: {  	[sflag:s14] =	ssyncadd.s32 $0xFFFFC000  }
0x4d: {  	[tilespmem:s17], [sflag:$0x1] =	stream.indirect.gather [hbm4b:s4+s16], $0x80, s22, s16, $0xb8;
	[tilespmem:$0x1E400] =	vst v63  }
0x4e: {  	_ =	swait.ge [sflag:s20], $0x4000  }
0x4f: {  	[sflag:s20] =	ssyncset.done $0x0  }
0x50: {  	[sflag:s20] =	ssyncadd.s32 $0xFFFFC000  }
0x51: {  	[spmem:s2] =	stream.indirect.scatter.add.f32 [tilespmem:s18], [sflag:$0x3], $0x80, s23, s16, $0xb8;
	[tilespmem:$0x1E400] =	vst v63  }
0x52: {  	_ =	swait.ge [sflag:s14], $0x4000  }
0x53: {  	[sflag:s14] =	ssyncset.done $0x0  }
0x54: {  	[sflag:s14] =	ssyncadd.s32 $0xFFFFC000  }
0x55: {  	[tilespmem:s18], [sflag:$0x2] =	stream.indirect.gather [hbm4b:s4+s16], $0x80, s24, s16, $0xb8;
	[tilespmem:$0x1E400] =	vst v63  }
0x56: {  	_ =	swait.ge [sflag:s19], $0x4000  }
0x57: {  	[sflag:s19] =	ssyncset.done $0x0  }
0x58: {  	[sflag:s19] =	ssyncadd.s32 $0xFFFFC000  }
0x59: {  	[spmem:s2] =	stream.indirect.scatter.add.f32 [tilespmem:s17], [sflag:$0x3], $0x80, s25, s16, $0xb8;
	[tilespmem:$0x1E400] =	vst v63  }
0x5a: {  	_ =	swait.ge [sflag:s14], $0x4000  }
0x5b: {  	[sflag:s14] =	ssyncset.done $0x0  }
0x5c: {  	[sflag:s14] =	ssyncadd.s32 $0xFFFFC000  }
0x5d: {  	[tilespmem:s17], [sflag:$0x1] =	stream.indirect.gather [hbm4b:s4+s16], $0x80, s24, s16, $0xb8;
	[tilespmem:$0x1E400] =	vst v63  }
0x5e: {  	_ =	swait.ge [sflag:s20], $0x4000  }
0x5f: {  	[sflag:s20] =	ssyncset.done $0x0  }
0x60: {  	[sflag:s20] =	ssyncadd.s32 $0xFFFFC000  }
0x61: {  	[spmem:s2] =	stream.indirect.scatter.add.f32 [tilespmem:s18], [sflag:$0x3], $0x80, s26, s16, $0xb8;
	[tilespmem:$0x1E400] =	vst v63  }
0x62: {  	_ =	swait.ge [sflag:s14], $0x4000  }
0x63: {  	[sflag:s14] =	ssyncset.done $0x0  }
0x64: {  	[sflag:s14] =	ssyncadd.s32 $0xFFFFC000  }
0x65: {  	[tilespmem:s18], [sflag:$0x2] =	stream.indirect.gather [hbm4b:s4+s16], $0x80, s24, s16, $0xb8;
	[tilespmem:$0x1E400] =	vst v63  }
0x66: {  	_ =	swait.ge [sflag:s19], $0x4000  }
0x67: {  	[sflag:s19] =	ssyncset.done $0x0  }
0x68: {  	[sflag:s19] =	ssyncadd.s32 $0xFFFFC000  }
0x69: {  	_ =	swait.ge [sflag:s20], $0x4000  }
0x6a: {  	[sflag:s20] =	ssyncset.done $0x0  }
0x6b: {  	s29 =	simm.s32 $0x0;
	[sflag:s20] =	ssyncadd.s32 $0xFFFFC000  }
0x6c: {  	[tilespmem:s29], [sflag:$0x3] =	stream.linear.gather [hbm4b:s9+s29], $0x1400, $0x38;
	[tilespmem:$0x1E400] =	vst v63  }
0x6d: {  	_ =	swait.ge [sflag:s14], $0x1400  }
0x6e: {  	[sflag:s14] =	ssyncset.done $0x0  }
0x6f: {  	[sflag:s14] =	ssyncadd.s32 $0xFFFFEC00  }
0x70: {  	[tilespmem:s15], [sflag:$0x3] =	stream.linear.gather [hbm4b:s10+s29], $0x1400, $0x38;
	[tilespmem:$0x1E400] =	vst v63  }
0x71: {  	_ =	swait.ge [sflag:s14], $0x1400  }
0x72: {  	[sflag:s14] =	ssyncset.done $0x0  }
0x73: {  	[sflag:s14] =	ssyncadd.s32 $0xFFFFEC00  }
0x74: {  	[tilespmem:s17], [sflag:$0x1] =	stream.indirect.gather [hbm4b:s4+s16], $0x80, s29, s16, $0xb8;
	[tilespmem:$0x1E400] =	vst v63  }
0x75: {  	_ = 	snop  }
0x76: {  	[tilespmem:s18], [sflag:$0x2] =	stream.indirect.gather [hbm4b:s4+s16], $0x80, s16, s16, $0xb8;
	[tilespmem:$0x1E400] =	vst v63  }
0x77: {  	_ =	swait.ge [sflag:s19], $0x4000  }
0x78: {  	[sflag:s19] =	ssyncset.done $0x0  }
0x79: {  	s29 =	simm.s32 $0x1400;
	[sflag:s19] =	ssyncadd.s32 $0xFFFFC000  }
0x7a: {  	[spmem:s2] =	stream.indirect.scatter.add.f32 [tilespmem:s17], [sflag:$0x3], $0x80, s29, s16, $0xb8;
	[tilespmem:$0x1E400] =	vst v63  }
0x7b: {  	_ =	swait.ge [sflag:s14], $0x4000  }
0x7c: {  	[sflag:s14] =	ssyncset.done $0x0  }
0x7d: {  	s29 =	simm.s32 $0x100;
	[sflag:s14] =	ssyncadd.s32 $0xFFFFC000  }
0x7e: {  	[tilespmem:s17], [sflag:$0x1] =	stream.indirect.gather [hbm4b:s4+s16], $0x80, s29, s16, $0xb8;
	[tilespmem:$0x1E400] =	vst v63  }
0x7f: {  	_ =	swait.ge [sflag:s20], $0x4000  }
0x80: {  	[sflag:s20] =	ssyncset.done $0x0  }
0x81: {  	s29 =	simm.s32 $0x1480;
	[sflag:s20] =	ssyncadd.s32 $0xFFFFC000  }
0x82: {  	[spmem:s2] =	stream.indirect.scatter.add.f32 [tilespmem:s18], [sflag:$0x3], $0x80, s29, s16, $0xb8;
	[tilespmem:$0x1E400] =	vst v63  }
0x83: {  	_ =	swait.ge [sflag:s14], $0x4000  }
0x84: {  	[sflag:s14] =	ssyncset.done $0x0  }
0x85: {  	s30 =	simm.s32 $0x180;
	s29 =	simm.s32 $0x400;
	[sflag:s14] =	ssyncadd.s32 $0xFFFFC000  }
.LBB2_4:
0x86: {  	[tilespmem:s18], [sflag:$0x2] =	stream.indirect.gather [hbm4b:s4+s16], $0x80, s30, s16, $0xb8;
	[tilespmem:$0x1E400] =	vst v63  }
0x87: {  	s30 =	smov.u32 s29  }
0x88: {  	p0 =	sne.s32 s29, $0x4400;
	s29 =	sadd.s32 $0x400, s29;
	_ =	swait.ge [sflag:s19], $0x4000  }
0x89: {  	s30 =	sshra.s32 s30, $0x2;
	[sflag:s19] =	ssyncset.done $0x0  }
0x8a: {  	s31 =	sadd.s32 $0x1400, s30;
	[sflag:s19] =	ssyncadd.s32 $0xFFFFC000  }
0x8b: {  	[spmem:s2] =	stream.indirect.scatter.add.f32 [tilespmem:s17], [sflag:$0x3], $0x80, s31, s16, $0xb8;
	[tilespmem:$0x1E400] =	vst v63  }
0x8c: {  	_ =	swait.ge [sflag:s14], $0x4000  }
0x8d: {  	[sflag:s14] =	ssyncset.done $0x0  }
0x8e: {  	s31 =	sadd.s32 $0x100, s30;
	[sflag:s14] =	ssyncadd.s32 $0xFFFFC000  }
0x8f: {  	[tilespmem:s17], [sflag:$0x1] =	stream.indirect.gather [hbm4b:s4+s16], $0x80, s31, s16, $0xb8;
	[tilespmem:$0x1E400] =	vst v63  }
0x90: {  	_ =	swait.ge [sflag:s20], $0x4000  }
0x91: {  	[sflag:s20] =	ssyncset.done $0x0  }
.Ltmp1:
0x92: {  	s31 =	sadd.s32 $0x1480, s30;
	[sflag:s20] =	ssyncadd.s32 $0xFFFFC000;
	(pc) =	sbr.rel @p0 .LBB2_4-.Ltmp1, $4  }
0x93: {  	[spmem:s2] =	stream.indirect.scatter.add.f32 [tilespmem:s18], [sflag:$0x3], $0x80, s31, s16, $0xb8;
	[tilespmem:$0x1E400] =	vst v63  }
0x94: {  	_ =	swait.ge [sflag:s14], $0x4000  }
0x95: {  	[sflag:s14] =	ssyncset.done $0x0  }
0x96: {  	s30 =	sadd.s32 $0x180, s30;
	[sflag:s14] =	ssyncadd.s32 $0xFFFFC000  }
0x97: {  	[tilespmem:s18], [sflag:$0x2] =	stream.indirect.gather [hbm4b:s4+s16], $0x80, s30, s16, $0xb8;
	[tilespmem:$0x1E400] =	vst v63  }
0x98: {  	_ =	swait.ge [sflag:s19], $0x4000  }
0x99: {  	[sflag:s19] =	ssyncset.done $0x0  }
0x9a: {  	[sflag:s19] =	ssyncadd.s32 $0xFFFFC000  }
0x9b: {  	[spmem:s2] =	stream.indirect.scatter.add.f32 [tilespmem:s17], [sflag:$0x3], $0x80, s21, s16, $0xb8;
	[tilespmem:$0x1E400] =	vst v63  }
0x9c: {  	_ =	swait.ge [sflag:s14], $0x4000  }
0x9d: {  	[sflag:s14] =	ssyncset.done $0x0  }
0x9e: {  	[sflag:s14] =	ssyncadd.s32 $0xFFFFC000  }
0x9f: {  	[tilespmem:s17], [sflag:$0x1] =	stream.indirect.gather [hbm4b:s4+s16], $0x80, s22, s16, $0xb8;
	[tilespmem:$0x1E400] =	vst v63  }
0xa0: {  	_ =	swait.ge [sflag:s20], $0x4000  }
0xa1: {  	[sflag:s20] =	ssyncset.done $0x0  }
0xa2: {  	[sflag:s20] =	ssyncadd.s32 $0xFFFFC000  }
0xa3: {  	[spmem:s2] =	stream.indirect.scatter.add.f32 [tilespmem:s18], [sflag:$0x3], $0x80, s23, s16, $0xb8;
	[tilespmem:$0x1E400] =	vst v63  }
0xa4: {  	_ =	swait.ge [sflag:s14], $0x4000  }
0xa5: {  	[sflag:s14] =	ssyncset.done $0x0  }
0xa6: {  	[sflag:s14] =	ssyncadd.s32 $0xFFFFC000  }
0xa7: {  	[tilespmem:s18], [sflag:$0x2] =	stream.indirect.gather [hbm4b:s4+s16], $0x80, s24, s16, $0xb8;
	[tilespmem:$0x1E400] =	vst v63  }
0xa8: {  	_ =	swait.ge [sflag:s19], $0x4000  }
0xa9: {  	[sflag:s19] =	ssyncset.done $0x0  }
0xaa: {  	[sflag:s19] =	ssyncadd.s32 $0xFFFFC000  }
0xab: {  	[spmem:s2] =	stream.indirect.scatter.add.f32 [tilespmem:s17], [sflag:$0x3], $0x80, s25, s16, $0xb8;
	[tilespmem:$0x1E400] =	vst v63  }
0xac: {  	_ =	swait.ge [sflag:s14], $0x4000  }
0xad: {  	[sflag:s14] =	ssyncset.done $0x0  }
0xae: {  	[sflag:s14] =	ssyncadd.s32 $0xFFFFC000  }
0xaf: {  	[tilespmem:s17], [sflag:$0x1] =	stream.indirect.gather [hbm4b:s4+s16], $0x80, s24, s16, $0xb8;
	[tilespmem:$0x1E400] =	vst v63  }
0xb0: {  	_ =	swait.ge [sflag:s20], $0x4000  }
0xb1: {  	[sflag:s20] =	ssyncset.done $0x0  }
0xb2: {  	[sflag:s20] =	ssyncadd.s32 $0xFFFFC000  }
0xb3: {  	[spmem:s2] =	stream.indirect.scatter.add.f32 [tilespmem:s18], [sflag:$0x3], $0x80, s26, s16, $0xb8;
	[tilespmem:$0x1E400] =	vst v63  }
0xb4: {  	_ =	swait.ge [sflag:s14], $0x4000  }
0xb5: {  	[sflag:s14] =	ssyncset.done $0x0  }
0xb6: {  	[sflag:s14] =	ssyncadd.s32 $0xFFFFC000  }
0xb7: {  	[tilespmem:s18], [sflag:$0x2] =	stream.indirect.gather [hbm4b:s4+s16], $0x80, s24, s16, $0xb8;
	[tilespmem:$0x1E400] =	vst v63  }
0xb8: {  	_ =	swait.ge [sflag:s19], $0x4000  }
0xb9: {  	[sflag:s19] =	ssyncset.done $0x0  }
0xba: {  	[sflag:s19] =	ssyncadd.s32 $0xFFFFC000  }
0xbb: {  	_ =	swait.ge [sflag:s20], $0x4000  }
0xbc: {  	s28 =	sadd.s32 $0x1, s28;
	[sflag:s20] =	ssyncset.done $0x0  }
0xbd: {  	p0 =	sne.s32 s28, s12;
	[sflag:s20] =	ssyncadd.s32 $0xFFFFC000  }
.Ltmp2:
0xbe: {  	[bflag:$0x0] =	sbarrier.arrive $0xFFFF;
	(pc) =	sbr.rel @p0 .LBB2_1-.Ltmp2, $4  }
0xbf: {  	[hbm:s11], [sflag:s6] =	dma.local [spmem:s13], $0x2780  }
0xc0: {  	_ =	swait.ge [sflag:s14], $0x2780  }
0xc1: {  	[sflag:s14] =	ssyncset.done $0x0  }
0xc2: {  	[sflag:s14] =	ssyncadd.s32 $0xFFFFD880  }
0xc3: {  	_ =	sfence.sel $0x180000  }
0xc4: {  	[bflag:$0x0] =	sbarrier.arrive $0xFFFF  }
0xc5: {  	p0 =	sne.s32 s1, $0x0;
	_ =	strace $0x9000004D  }
0xc6: {  	s0 =	sadd.s32 @!p0 $0x100000, s0;
	[bflag:$0x2] =	sbarrier.arrive $0xFFFF  }
0xc7: {  	[sflag:s0] =	ssyncadd.tile.s32 @!p0 $0x1;
	_ =	shalt  }
.Lfunc_end2:
_tile_overlayer_lowered:
.L_overlay_start_2:
0xc8: {  	(tag) =	ssettag $0x2  }
0xc9: {  	s0 =	rddreg [dreg:$0x0];
	s2 =	stileid.u32  }
0xca: {  	s1 =	rddreg [dreg:$0x1];
	p0 =	sne.s32 s2, $0x0  }
0xcb: {  	s3 =	rddreg [dreg:$0x2];
	[bflag:$0x3] =	sbarrier.arrive $0xFFFF;
	s2 =	simm.s32 @!p0 $0x1C03  }
0xcc: {  	[timem:s3], [sflag:s2] =	dma.local @!p0 [hbm:s0], s1  }
0xcd: {  	s0 =	simm.s32 @!p0 $0x3  }
0xce: {  	_ =	swait.ge @!p0 [sflag:s0], s1  }
0xcf: {  	s1 =	ssub.s32 @!p0 $0x0, s1;
	[sflag:s0] =	ssyncset.done @!p0 $0x0  }
0xd0: {  	[sflag:s0] =	ssyncadd.s32 @!p0 s1  }
0xd1: {  	[bflag:$0x3] =	sbarrier.arrive $0xFFFF  }
0xd2: {  	_ =	shalt  }

// kernel: kernel.19.cloned.1.call-start
scs
__scs_entry_jumppad:
0x0: {  	(pc) =	sbr.rel $0x88, $3  }
0x1: {  	(tag) =	ssettag $0x0;
	lr =	simm.s32 $0x1  }
0x2: {  	[smem:$0x3F87] =	sst lr;
	_ =	strace $0xD0000000  }
0x3: {  	_ = 	snop  }
0x4: {  	_ = 	snop  }
0x5: {  	_ = 	snop  }
0x6: {  	_ = 	snop  }
0x7: {  	_ = 	snop  }
__scs_overlays_trampoline_lowered:
0x8: {  	[smem:$0x3F96] =	sst s0  }
0x9: {  	[smem:$0x3F97] =	sst s1  }
0xa: {  	[smem:$0x3F98] =	sst s2  }
0xb: {  	[smem:$0x3F99] =	sst s3  }
0xc: {  	[smem:$0x3F9A] =	sst s4  }
0xd: {  	[smem:$0x3F9B] =	sst s5  }
0xe: {  	[smem:$0x3F9C] =	sst s6  }
0xf: {  	[smem:$0x3F9D] =	sst s7  }
0x10: {  	[smem:$0x3F9E] =	sst s8  }
0x11: {  	[smem:$0x3F9F] =	sst s9;
	s0 =	simm.s32 @!p0 $0x0  }
0x12: {  	s1 =	sld [smem:$0x3F85];
	s0 =	simm.s32 @p0 $0x1  }
0x13: {  	[smem:$0x3FA0] =	sst s0;
	s0 =	simm.s32 @!p1 $0x0  }
0x14: {  	s2 =	sld [smem:$0x3F84];
	s0 =	simm.s32 @p1 $0x1  }
0x15: {  	[smem:$0x3FA1] =	sst s0;
	s0 =	simm.s32 @!p2 $0x0  }
0x16: {  	s3 =	sld [smem:$0x3FDB];
	s0 =	simm.s32 @p2 $0x1  }
0x17: {  	s4 =	simm.s32 $0x1BF5;
	[smem:$0x3FA3] =	sst s0  }
0x18: {  	s0 =	sld [smem:$0x3F86];
	_ =	swait.ge [sflag:s4], $0x0  }
0x19: {  	s7 =	sld [smem:$0x3F87]  }
0x1a: {  	s8 =	sadd.s32 $0xFFFFE003, lr  }
0x1b: {  	s9 =	sadd.s32 $0xFFFFFEF7, lr;
	s5 =	simm.s32 $0xFFFFFFFF;
	p2 =	slt.u32 s8, $0xFFFFF086  }
0x1c: {  	p1 =	slt.u32 s9, $0xF7A;
	s5 =	simm.s32 @!p2 $0x0  }
0x1d: {  	s5 =	simm.s32 @p1 $0x1;
	p0 =	seq.s32 s7, s2  }
0x1e: {  	s7 =	smul.u32 @!p0 $0xF7A, s2;
	p2 =	seq.s32 @!p0 s5, $0x0  }
0x1f: {  	s9 =	smul.u32 $0xF7A, s1;
	s8 =	simm.s32 @!p0 $0x1BF5;
	p2 =	por !p2, p0  }
0x20: {  	[sflag:s8] =	ssyncset.s32 @!p0 $0xFFFFF086;
	s6 =	sadd.s32 @!p0 s3, s7;
	s7 =	simm.s32 @!p0 $0x108  }
0x21: {  	s3 =	sadd.s32 s3, s9;
	s6 =	sadd.s32 @!p0 $0x88, s6;
	s7 =	simm.s32 @p2 $0x1082  }
0x22: {  	[simem:s7], [sflag:s8] =	dma.local @!p0 [hbm:s6], $0xF7A  }
0x23: {  	s9 =	sor.u32 $0xD0000000, s2;
	s6 =	simm.s32 $0x108;
	_ =	swait.ge @!p0 [sflag:s8], $0x0  }
0x24: {  	s3 =	sadd.s32 $0x88, s3;
	s6 =	simm.s32 @!p1 $0x1082;
	[sflag:s4] =	ssyncset.s32 $0xFFFFF086  }
0x25: {  	[simem:s6], [sflag:s4] =	dma.local [hbm:s3], $0xF7A  }
0x26: {  	[smem:$0x3F87] =	sst s1;
	(tag) =	ssettag s2;
	_ =	strace s9  }
0x27: {  	s1 =	sld [smem:$0x3F97]  }
0x28: {  	s2 =	sld [smem:$0x3F98]  }
0x29: {  	s4 =	sld [smem:$0x3F9A]  }
0x2a: {  	p0 =	seq.s32 s5, $0x0;
	s5 =	sld [smem:$0x3F9B]  }
0x2b: {  	s6 =	sld [smem:$0x3F9C]  }
0x2c: {  	s7 =	sld [smem:$0x3F9D]  }
0x2d: {  	s3 =	simm.s32 $0x108;
	s8 =	sld [smem:$0x3F9E]  }
0x2e: {  	s3 =	simm.s32 @!p0 $0x1082;
	s9 =	sld [smem:$0x3F9F]  }
0x2f: {  	lr =	sadd.s32 s0, s3;
	s0 =	sld [smem:$0x3F96]  }
0x30: {  	s3 =	sld [smem:$0x3F99]  }
0x31: {  	[smem:$0x3FA2] =	sst s10  }
0x32: {  	s10 =	sld [smem:$0x3FA0];
	_ =	sdelay $0x3  }
0x33: {  	p0 =	seq.s32 s10, $0x1;
	s10 =	sld [smem:$0x3FA2];
	_ =	sdelay $0x3  }
0x34: {  	[smem:$0x3FA2] =	sst s10  }
0x35: {  	s10 =	sld [smem:$0x3FA1];
	_ =	sdelay $0x3  }
0x36: {  	p1 =	seq.s32 s10, $0x1;
	s10 =	sld [smem:$0x3FA2];
	_ =	sdelay $0x3  }
0x37: {  	[smem:$0x3FA2] =	sst s10  }
0x38: {  	s10 =	sld [smem:$0x3FA3]  }
0x39: {  	_ = 	snop;
	(pc) =	sbr.ind lr, $3  }
0x3a: {  	_ = 	snop  }
0x3b: {  	_ = 	snop  }
0x3c: {  	p2 =	seq.s32 s10, $0x1;
	s10 =	sld [smem:$0x3FA2]  }
0x3d: {  	_ =	shalt  }
0x3e: {  	_ =	shalt  }
0x3f: {  	_ =	shalt  }
0x40: {  	_ =	shalt  }
0x41: {  	_ =	shalt  }
0x42: {  	_ =	shalt  }
0x43: {  	_ =	shalt  }
0x44: {  	_ =	shalt  }
0x45: {  	_ =	shalt  }
0x46: {  	_ =	shalt  }
0x47: {  	_ =	shalt  }
0x48: {  	_ =	shalt  }
0x49: {  	_ =	shalt  }
0x4a: {  	_ =	shalt  }
0x4b: {  	_ =	shalt  }
0x4c: {  	_ =	shalt  }
0x4d: {  	_ =	shalt  }
0x4e: {  	_ =	shalt  }
0x4f: {  	_ =	shalt  }
0x50: {  	_ =	shalt  }
0x51: {  	_ =	shalt  }
0x52: {  	_ =	shalt  }
0x53: {  	_ =	shalt  }
0x54: {  	_ =	shalt  }
0x55: {  	_ =	shalt  }
0x56: {  	_ =	shalt  }
0x57: {  	_ =	shalt  }
0x58: {  	_ =	shalt  }
0x59: {  	_ =	shalt  }
0x5a: {  	_ =	shalt  }
0x5b: {  	_ =	shalt  }
0x5c: {  	_ =	shalt  }
0x5d: {  	_ =	shalt  }
0x5e: {  	_ =	shalt  }
0x5f: {  	_ =	shalt  }
0x60: {  	_ =	shalt  }
0x61: {  	_ =	shalt  }
0x62: {  	_ =	shalt  }
0x63: {  	_ =	shalt  }
0x64: {  	_ =	shalt  }
0x65: {  	_ =	shalt  }
0x66: {  	_ =	shalt  }
0x67: {  	_ =	shalt  }
0x68: {  	_ =	shalt  }
0x69: {  	_ =	shalt  }
0x6a: {  	_ =	shalt  }
0x6b: {  	_ =	shalt  }
0x6c: {  	_ =	shalt  }
0x6d: {  	_ =	shalt  }
0x6e: {  	_ =	shalt  }
0x6f: {  	_ =	shalt  }
0x70: {  	_ =	shalt  }
0x71: {  	_ =	shalt  }
0x72: {  	_ =	shalt  }
0x73: {  	_ =	shalt  }
0x74: {  	_ =	shalt  }
0x75: {  	_ =	shalt  }
0x76: {  	_ =	shalt  }
0x77: {  	_ =	shalt  }
0x78: {  	_ =	shalt  }
0x79: {  	_ =	shalt  }
0x7a: {  	_ =	shalt  }
0x7b: {  	_ =	shalt  }
0x7c: {  	_ =	shalt  }
0x7d: {  	_ =	shalt  }
0x7e: {  	_ =	shalt  }
0x7f: {  	_ =	shalt  }
0x80: {  	_ =	shalt  }
0x81: {  	_ =	shalt  }
0x82: {  	_ =	shalt  }
0x83: {  	_ =	shalt  }
0x84: {  	_ =	shalt  }
0x85: {  	_ =	shalt  }
0x86: {  	_ =	shalt  }
0x87: {  	_ =	shalt  }
.Lfunc_end0:
.L_simem_size_0:
called_computation.3_lowered:
.L_overlay_start_0:
0x88: {  	s2 =	sld [smem:$0x3FD9]  }
0x89: {  	s3 =	sld [smem:$0x3FFE];
	_ =	sdelay $0x1  }
0x8a: {  	s1 =	srdreg.scid  }
0x8b: {  	s0 =	sand.u32 $0x1, s1  }
0x8c: {  	s16 =	sshll.u32 s0, $0xA;
	s2 =	sadd.s32 s3, s2  }
0x8d: {  	s2 =	sadd.s32 s2, s16  }
0x8e: {  	[smem:$0x3FAE] =	sst s2  }
0x8f: {  	_ = 	snop  }
0x90: {  	(tm) =	ssettm $0x1  }
0x91: {  	s17 =	sld [smem:$0x3FFB];
	_ =	sdelay $0x3  }
0x92: {  	_ =	strace s17  }
0x93: {  	s2 =	sld [smem:$0x3FFC];
	_ =	sdelay $0x3  }
0x94: {  	_ =	strace s2  }
0x95: {  	s2 =	sld [smem:$0x3FFD];
	_ =	sdelay $0x3  }
0x96: {  	_ =	strace s2  }
0x97: {  	_ =	strace $0x8FFFFFFF  }
0x98: {  	s18 =	sld [smem:$0x3FDB];
	_ =	sdelay $0x1  }
0x99: {  	s19 =	simm.s32 $_scs_section_size  }
0x9a: {  	s4 =	simm.s32 $_size__tile_overlayer_lowered;
	s5 =	simm.s32 $_tile_overlayer_lowered  }
0x9b: {  	s22 =	simm.s32 $0x1BFF;
	s21 =	sshll.u32 s5, $0x1;
	s2 =	sadd.s32 s19, s18  }
0x9c: {  	s6 =	simm.s32 $0x0;
	s20 =	sshll.u32 s4, $0x1;
	s4 =	sadd.s32 s21, s2  }
0x9d: {  	[timem:s6], [sflag:s22] =	dma.local [hbm:s4], s20  }
0x9e: {  	_ =	swait.ge [sflag:s22], s20  }
0x9f: {  	s3 =	ssub.s32 $0x0, s20;
	[sflag:s22] =	ssyncset.done $0x0  }
0xa0: {  	[sflag:s22] =	ssyncadd.s32 s3;
	_ =	sdelay $0x1  }
0xa1: {  	s23 =	simm.s32 $0x1B8B  }
0xa2: {  	_ =	swait.ge [sflag:s23], $0x1  }
0xa3: {  	[sflag:s23] =	ssyncset.done $0x0  }
0xa4: {  	s25 =	simm.s32 $0x1B8E;
	s24 =	sld [smem:$0x3FFE];
	[sflag:s23] =	ssyncadd.s32 $0xFFFFFFFF  }
0xa5: {  	s26 =	simm.s32 $execute0_lowered;
	[smem:$0x3FD2] =	sst s25  }
0xa6: {  	s4 =	sshll.u32 s26, $0x1;
	_ =	strace $0x8000004F;
	[dreg:$0x1] =	wrdreg $0xFFFFFFFF  }
0xa7: {  	s28 =	simm.s32 $_size_execute0_lowered;
	s2 =	sadd.s32 s2, s4;
	[dreg:$0x0] =	wrdreg $0x0  }
0xa8: {  	s4 =	sshll.u32 s28, $0x1;
	[dreg:$0x2] =	wrdreg s2  }
0xa9: {  	[dreg:$0x3] =	wrdreg s4  }
0xaa: {  	[dreg:$0x4] =	wrdreg $0xC0  }
0xab: {  	_ =	task [dreg:s6], $0x5FFFF  }
0xac: {  	[dreg:$0x1] =	wrdreg $0xFFFFFFFF  }
0xad: {  	[dreg:$0x0] =	wrdreg $0x60  }
0xae: {  	[dreg:$0x2] =	wrdreg s24  }
0xaf: {  	[dreg:$0x3] =	wrdreg $0xA8000  }
0xb0: {  	[dreg:$0x4] =	wrdreg $0x9  }
0xb1: {  	_ =	task.clear_ibuf [dreg:s6], $0x5FFFF;
	_ =	strace $0x9000004F  }
0xb2: {  	s29 =	simm.s32 $0x9;
	_ =	strace $0x80000051  }
0xb3: {  	_ =	swait.ge [sflag:s29], $0x1  }
0xb4: {  	[sflag:s29] =	ssyncadd.s32 $0xFFFFFFFF  }
0xb5: {  	_ =	strace $0x90000051  }
0xb6: {  	_ =	sfence  }
0xb7: {  	s30 =	sld [smem:$0x0];
	_ =	sdelay $0x2  }
0xb8: {  	s31 =	sshll.u32 s1, $0xD;
	s1 =	sshrl.u32 s1, $0x2  }
0xb9: {  	s3 =	sand.u32 $0x4000, s31;
	s1 =	sadd.s32 s1, s30  }
0xba: {  	s0 =	sor.u32 s3, s0;
	s1 =	sshll.u32 s1, $0x11  }
0xbb: {  	s0 =	sor.u32 s1, s0  }
0xbc: {  	s0 =	sadd.s32 $0x8F2B, s0  }
0xbd: {  	[sflag:s0] =	ssyncadd.remote.s32 $0x1  }
0xbe: {  	_ =	sfence.sel $0xFFFF  }
0xbf: {  	[dreg:$0x0] =	wrdreg $0xFFFFFFFF;
	(pc) =	sbr.abs _section_cstart, $3  }
0xc0: {  	[dreg:$0x1] =	wrdreg $0xFFFFFFFF  }
0xc1: {  	_ =	task.clear_ibuf [dreg:s6], $0x2FFFF;
	_ =	strace $0x9FFFFFFF  }
0xc2: {  	(tm) =	ssettm $0x7FFFFFFF  }
0xc3: {  	_ =	shalt  }
tec
execute0_lowered:
.L_overlay_start_1:
0x0: {  	(tag) =	ssettag $0x1  }
0x1: {  	s5 =	rddreg [dreg:$0x0]  }
0x2: {  	s2 =	rddreg [dreg:$0x1]  }
0x3: {  	s0 =	rddreg [dreg:$0x2]  }
0x4: {  	s3 =	simm.s32 $0x0;
	s1 =	stileid.u32;
	s4 =	srdreg.scid  }
0x5: {  	s16 =	simm.s32 $0x80;
	s17 =	simm.s32 $0x2800;
	s18 =	simm.s32 $0x6800  }
0x6: {  	s19 =	simm.s32 $0x1;
	s20 =	simm.s32 $0x2;
	s21 =	simm.s32 $0x2600  }
0x7: {  	s22 =	simm.s32 $0x1300;
	s28 =	simm.s32 $0x0;
	s6 =	smul.u32 $0x13C00, s1  }
0x8: {  	[smem:$0x7FF] =	sst s3;
	s7 =	sand.u32 $0x1, s4;
	s11 =	smul.u32 $0x4F000, s1  }
0x9: {  	s4 =	sadd.s32 $0x90C00, s5;
	s9 =	sadd.s32 $0xFC00, s5;
	s13 =	smul.u32 $0x50, s1  }
0xa: {  	s10 =	sadd.s32 $0x5C00, s5;
	s30 =	sshll.u32 s1, $0x6;
	s8 =	smul.u32 $0x13C000, s7  }
0xb: {  	_ =	strace $0x80000050;
	s23 =	smul.u32 $0x500, s7;
	s7 =	ssub.s32 $0x2, s7  }
0xc: {  	s12 =	sshrl.u32 s6, $0x3;
	s24 =	sshrl.u32 s7, $0x1;
	s25 =	sshrl.u32 s11, $0x2  }
0xd: {  	s6 =	sadd.s32 s6, s8;
	s12 =	sadd.s32 s12, s5;
	s15 =	ssub.s32 s7, s24  }
0xe: {  	s26 =	sadd.s32 s13, s23;
	s29 =	sadd.s32 s25, s2;
	s23 =	simm.s32 $0x2680  }
0xf: {  	s24 =	simm.s32 $0x1380;
	s25 =	simm.s32 $0x2700;
	s6 =	sshrl.u32 s6, $0x3  }
0x10: {  	s8 =	sshll.u32 s26, $0x4;
	s13 =	sshrl.u32 s29, $0x3;
	s26 =	simm.s32 $0x2780  }
0x11: {  	s14 =	sadd.s32 s6, s5;
	s5 =	sadd.s32 $0x19C00, s12;
	s6 =	sor.u32 $0x1C03, s30  }
0x12: {  	s31 =	sadd.s32 $0x280, s8;
	s7 =	sadd.s32 s9, s8;
	s8 =	sadd.s32 s10, s8  }
0x13: {  	s12 =	smax.u32 s15, $0x1;
	s15 =	simm.s32 $0x1400;
	s9 =	sadd.s32 s9, s31  }
0x14: {  	s10 =	sadd.s32 s10, s31;
	s11 =	sadd.s32 $0xB8400, s14;
	s14 =	simm.s32 $0x3  }
.LBB2_1:
0x15: {  	[spmem:s13], [sflag:s6] =	dma.local [hbm:s5], $0x2780  }
0x16: {  	_ =	swait.ge [sflag:s14], $0x2780  }
0x17: {  	[sflag:s14] =	ssyncset.done $0x0  }
0x18: {  	[sflag:s14] =	ssyncadd.s32 $0xFFFFD880  }
0x19: {  	[bflag:$0x0] =	sbarrier.arrive $0xFFFF  }
0x1a: {  	[tilespmem:s3], [sflag:$0x3] =	stream.linear.gather [hbm4b:s7+s3], $0x1400, $0x38;
	[tilespmem:$0x1E400] =	vst v63  }
0x1b: {  	_ =	swait.ge [sflag:s14], $0x1400  }
0x1c: {  	[sflag:s14] =	ssyncset.done $0x0  }
0x1d: {  	[sflag:s14] =	ssyncadd.s32 $0xFFFFEC00  }
0x1e: {  	[tilespmem:s15], [sflag:$0x3] =	stream.linear.gather [hbm4b:s8+s3], $0x1400, $0x38;
	[tilespmem:$0x1E400] =	vst v63  }
0x1f: {  	_ =	swait.ge [sflag:s14], $0x1400  }
0x20: {  	[sflag:s14] =	ssyncset.done $0x0  }
0x21: {  	[sflag:s14] =	ssyncadd.s32 $0xFFFFEC00  }
0x22: {  	[tilespmem:s17], [sflag:$0x1] =	stream.indirect.gather [hbm4b:s4+s16], $0x80, s3, s16, $0xb8;
	[tilespmem:$0x1E400] =	vst v63  }
0x23: {  	_ = 	snop  }
0x24: {  	[tilespmem:s18], [sflag:$0x2] =	stream.indirect.gather [hbm4b:s4+s16], $0x80, s16, s16, $0xb8;
	[tilespmem:$0x1E400] =	vst v63  }
0x25: {  	_ =	swait.ge [sflag:s19], $0x4000  }
0x26: {  	[sflag:s19] =	ssyncset.done $0x0  }
0x27: {  	s29 =	simm.s32 $0x1400;
	[sflag:s19] =	ssyncadd.s32 $0xFFFFC000  }
0x28: {  	[spmem:s2] =	stream.indirect.scatter.add.f32 [tilespmem:s17], [sflag:$0x3], $0x80, s29, s16, $0xb8;
	[tilespmem:$0x1E400] =	vst v63  }
0x29: {  	_ =	swait.ge [sflag:s14], $0x4000  }
0x2a: {  	[sflag:s14] =	ssyncset.done $0x0  }
0x2b: {  	s29 =	simm.s32 $0x100;
	[sflag:s14] =	ssyncadd.s32 $0xFFFFC000  }
0x2c: {  	[tilespmem:s17], [sflag:$0x1] =	stream.indirect.gather [hbm4b:s4+s16], $0x80, s29, s16, $0xb8;
	[tilespmem:$0x1E400] =	vst v63  }
0x2d: {  	_ =	swait.ge [sflag:s20], $0x4000  }
0x2e: {  	[sflag:s20] =	ssyncset.done $0x0  }
0x2f: {  	s29 =	simm.s32 $0x1480;
	[sflag:s20] =	ssyncadd.s32 $0xFFFFC000  }
0x30: {  	[spmem:s2] =	stream.indirect.scatter.add.f32 [tilespmem:s18], [sflag:$0x3], $0x80, s29, s16, $0xb8;
	[tilespmem:$0x1E400] =	vst v63  }
0x31: {  	_ =	swait.ge [sflag:s14], $0x4000  }
0x32: {  	[sflag:s14] =	ssyncset.done $0x0  }
0x33: {  	s30 =	simm.s32 $0x180;
	s29 =	simm.s32 $0x400;
	[sflag:s14] =	ssyncadd.s32 $0xFFFFC000  }
.LBB2_2:
0x34: {  	[tilespmem:s18], [sflag:$0x2] =	stream.indirect.gather [hbm4b:s4+s16], $0x80, s30, s16, $0xb8;
	[tilespmem:$0x1E400] =	vst v63  }
0x35: {  	s30 =	smov.u32 s29  }
0x36: {  	p0 =	sne.s32 s29, $0x4400;
	s29 =	sadd.s32 $0x400, s29;
	_ =	swait.ge [sflag:s19], $0x4000  }
0x37: {  	s30 =	sshra.s32 s30, $0x2;
	[sflag:s19] =	ssyncset.done $0x0  }
0x38: {  	s31 =	sadd.s32 $0x1400, s30;
	[sflag:s19] =	ssyncadd.s32 $0xFFFFC000  }
0x39: {  	[spmem:s2] =	stream.indirect.scatter.add.f32 [tilespmem:s17], [sflag:$0x3], $0x80, s31, s16, $0xb8;
	[tilespmem:$0x1E400] =	vst v63  }
0x3a: {  	_ =	swait.ge [sflag:s14], $0x4000  }
0x3b: {  	[sflag:s14] =	ssyncset.done $0x0  }
0x3c: {  	s31 =	sadd.s32 $0x100, s30;
	[sflag:s14] =	ssyncadd.s32 $0xFFFFC000  }
0x3d: {  	[tilespmem:s17], [sflag:$0x1] =	stream.indirect.gather [hbm4b:s4+s16], $0x80, s31, s16, $0xb8;
	[tilespmem:$0x1E400] =	vst v63  }
0x3e: {  	_ =	swait.ge [sflag:s20], $0x4000  }
0x3f: {  	[sflag:s20] =	ssyncset.done $0x0  }
.Ltmp0:
0x40: {  	s31 =	sadd.s32 $0x1480, s30;
	[sflag:s20] =	ssyncadd.s32 $0xFFFFC000;
	(pc) =	sbr.rel @p0 .LBB2_2-.Ltmp0, $4  }
0x41: {  	[spmem:s2] =	stream.indirect.scatter.add.f32 [tilespmem:s18], [sflag:$0x3], $0x80, s31, s16, $0xb8;
	[tilespmem:$0x1E400] =	vst v63  }
0x42: {  	_ =	swait.ge [sflag:s14], $0x4000  }
0x43: {  	[sflag:s14] =	ssyncset.done $0x0  }
0x44: {  	s30 =	sadd.s32 $0x180, s30;
	[sflag:s14] =	ssyncadd.s32 $0xFFFFC000  }
0x45: {  	[tilespmem:s18], [sflag:$0x2] =	stream.indirect.gather [hbm4b:s4+s16], $0x80, s30, s16, $0xb8;
	[tilespmem:$0x1E400] =	vst v63  }
0x46: {  	_ =	swait.ge [sflag:s19], $0x4000  }
0x47: {  	[sflag:s19] =	ssyncset.done $0x0  }
0x48: {  	[sflag:s19] =	ssyncadd.s32 $0xFFFFC000  }
0x49: {  	[spmem:s2] =	stream.indirect.scatter.add.f32 [tilespmem:s17], [sflag:$0x3], $0x80, s21, s16, $0xb8;
	[tilespmem:$0x1E400] =	vst v63  }
0x4a: {  	_ =	swait.ge [sflag:s14], $0x4000  }
0x4b: {  	[sflag:s14] =	ssyncset.done $0x0  }
0x4c: {  	[sflag:s14] =	ssyncadd.s32 $0xFFFFC000  }
0x4d: {  	[tilespmem:s17], [sflag:$0x1] =	stream.indirect.gather [hbm4b:s4+s16], $0x80, s22, s16, $0xb8;
	[tilespmem:$0x1E400] =	vst v63  }
0x4e: {  	_ =	swait.ge [sflag:s20], $0x4000  }
0x4f: {  	[sflag:s20] =	ssyncset.done $0x0  }
0x50: {  	[sflag:s20] =	ssyncadd.s32 $0xFFFFC000  }
0x51: {  	[spmem:s2] =	stream.indirect.scatter.add.f32 [tilespmem:s18], [sflag:$0x3], $0x80, s23, s16, $0xb8;
	[tilespmem:$0x1E400] =	vst v63  }
0x52: {  	_ =	swait.ge [sflag:s14], $0x4000  }
0x53: {  	[sflag:s14] =	ssyncset.done $0x0  }
0x54: {  	[sflag:s14] =	ssyncadd.s32 $0xFFFFC000  }
0x55: {  	[tilespmem:s18], [sflag:$0x2] =	stream.indirect.gather [hbm4b:s4+s16], $0x80, s24, s16, $0xb8;
	[tilespmem:$0x1E400] =	vst v63  }
0x56: {  	_ =	swait.ge [sflag:s19], $0x4000  }
0x57: {  	[sflag:s19] =	ssyncset.done $0x0  }
0x58: {  	[sflag:s19] =	ssyncadd.s32 $0xFFFFC000  }
0x59: {  	[spmem:s2] =	stream.indirect.scatter.add.f32 [tilespmem:s17], [sflag:$0x3], $0x80, s25, s16, $0xb8;
	[tilespmem:$0x1E400] =	vst v63  }
0x5a: {  	_ =	swait.ge [sflag:s14], $0x4000  }
0x5b: {  	[sflag:s14] =	ssyncset.done $0x0  }
0x5c: {  	[sflag:s14] =	ssyncadd.s32 $0xFFFFC000  }
0x5d: {  	[tilespmem:s17], [sflag:$0x1] =	stream.indirect.gather [hbm4b:s4+s16], $0x80, s24, s16, $0xb8;
	[tilespmem:$0x1E400] =	vst v63  }
0x5e: {  	_ =	swait.ge [sflag:s20], $0x4000  }
0x5f: {  	[sflag:s20] =	ssyncset.done $0x0  }
0x60: {  	[sflag:s20] =	ssyncadd.s32 $0xFFFFC000  }
0x61: {  	[spmem:s2] =	stream.indirect.scatter.add.f32 [tilespmem:s18], [sflag:$0x3], $0x80, s26, s16, $0xb8;
	[tilespmem:$0x1E400] =	vst v63  }
0x62: {  	_ =	swait.ge [sflag:s14], $0x4000  }
0x63: {  	[sflag:s14] =	ssyncset.done $0x0  }
0x64: {  	[sflag:s14] =	ssyncadd.s32 $0xFFFFC000  }
0x65: {  	[tilespmem:s18], [sflag:$0x2] =	stream.indirect.gather [hbm4b:s4+s16], $0x80, s24, s16, $0xb8;
	[tilespmem:$0x1E400] =	vst v63  }
0x66: {  	_ =	swait.ge [sflag:s19], $0x4000  }
0x67: {  	[sflag:s19] =	ssyncset.done $0x0  }
0x68: {  	[sflag:s19] =	ssyncadd.s32 $0xFFFFC000  }
0x69: {  	_ =	swait.ge [sflag:s20], $0x4000  }
0x6a: {  	[sflag:s20] =	ssyncset.done $0x0  }
0x6b: {  	s29 =	simm.s32 $0x0;
	[sflag:s20] =	ssyncadd.s32 $0xFFFFC000  }
0x6c: {  	[tilespmem:s29], [sflag:$0x3] =	stream.linear.gather [hbm4b:s9+s29], $0x1400, $0x38;
	[tilespmem:$0x1E400] =	vst v63  }
0x6d: {  	_ =	swait.ge [sflag:s14], $0x1400  }
0x6e: {  	[sflag:s14] =	ssyncset.done $0x0  }
0x6f: {  	[sflag:s14] =	ssyncadd.s32 $0xFFFFEC00  }
0x70: {  	[tilespmem:s15], [sflag:$0x3] =	stream.linear.gather [hbm4b:s10+s29], $0x1400, $0x38;
	[tilespmem:$0x1E400] =	vst v63  }
0x71: {  	_ =	swait.ge [sflag:s14], $0x1400  }
0x72: {  	[sflag:s14] =	ssyncset.done $0x0  }
0x73: {  	[sflag:s14] =	ssyncadd.s32 $0xFFFFEC00  }
0x74: {  	[tilespmem:s17], [sflag:$0x1] =	stream.indirect.gather [hbm4b:s4+s16], $0x80, s29, s16, $0xb8;
	[tilespmem:$0x1E400] =	vst v63  }
0x75: {  	_ = 	snop  }
0x76: {  	[tilespmem:s18], [sflag:$0x2] =	stream.indirect.gather [hbm4b:s4+s16], $0x80, s16, s16, $0xb8;
	[tilespmem:$0x1E400] =	vst v63  }
0x77: {  	_ =	swait.ge [sflag:s19], $0x4000  }
0x78: {  	[sflag:s19] =	ssyncset.done $0x0  }
0x79: {  	s29 =	simm.s32 $0x1400;
	[sflag:s19] =	ssyncadd.s32 $0xFFFFC000  }
0x7a: {  	[spmem:s2] =	stream.indirect.scatter.add.f32 [tilespmem:s17], [sflag:$0x3], $0x80, s29, s16, $0xb8;
	[tilespmem:$0x1E400] =	vst v63  }
0x7b: {  	_ =	swait.ge [sflag:s14], $0x4000  }
0x7c: {  	[sflag:s14] =	ssyncset.done $0x0  }
0x7d: {  	s29 =	simm.s32 $0x100;
	[sflag:s14] =	ssyncadd.s32 $0xFFFFC000  }
0x7e: {  	[tilespmem:s17], [sflag:$0x1] =	stream.indirect.gather [hbm4b:s4+s16], $0x80, s29, s16, $0xb8;
	[tilespmem:$0x1E400] =	vst v63  }
0x7f: {  	_ =	swait.ge [sflag:s20], $0x4000  }
0x80: {  	[sflag:s20] =	ssyncset.done $0x0  }
0x81: {  	s29 =	simm.s32 $0x1480;
	[sflag:s20] =	ssyncadd.s32 $0xFFFFC000  }
0x82: {  	[spmem:s2] =	stream.indirect.scatter.add.f32 [tilespmem:s18], [sflag:$0x3], $0x80, s29, s16, $0xb8;
	[tilespmem:$0x1E400] =	vst v63  }
0x83: {  	_ =	swait.ge [sflag:s14], $0x4000  }
0x84: {  	[sflag:s14] =	ssyncset.done $0x0  }
0x85: {  	s30 =	simm.s32 $0x180;
	s29 =	simm.s32 $0x400;
	[sflag:s14] =	ssyncadd.s32 $0xFFFFC000  }
.LBB2_4:
0x86: {  	[tilespmem:s18], [sflag:$0x2] =	stream.indirect.gather [hbm4b:s4+s16], $0x80, s30, s16, $0xb8;
	[tilespmem:$0x1E400] =	vst v63  }
0x87: {  	s30 =	smov.u32 s29  }
0x88: {  	p0 =	sne.s32 s29, $0x4400;
	s29 =	sadd.s32 $0x400, s29;
	_ =	swait.ge [sflag:s19], $0x4000  }
0x89: {  	s30 =	sshra.s32 s30, $0x2;
	[sflag:s19] =	ssyncset.done $0x0  }
0x8a: {  	s31 =	sadd.s32 $0x1400, s30;
	[sflag:s19] =	ssyncadd.s32 $0xFFFFC000  }
0x8b: {  	[spmem:s2] =	stream.indirect.scatter.add.f32 [tilespmem:s17], [sflag:$0x3], $0x80, s31, s16, $0xb8;
	[tilespmem:$0x1E400] =	vst v63  }
0x8c: {  	_ =	swait.ge [sflag:s14], $0x4000  }
0x8d: {  	[sflag:s14] =	ssyncset.done $0x0  }
0x8e: {  	s31 =	sadd.s32 $0x100, s30;
	[sflag:s14] =	ssyncadd.s32 $0xFFFFC000  }
0x8f: {  	[tilespmem:s17], [sflag:$0x1] =	stream.indirect.gather [hbm4b:s4+s16], $0x80, s31, s16, $0xb8;
	[tilespmem:$0x1E400] =	vst v63  }
0x90: {  	_ =	swait.ge [sflag:s20], $0x4000  }
0x91: {  	[sflag:s20] =	ssyncset.done $0x0  }
.Ltmp1:
0x92: {  	s31 =	sadd.s32 $0x1480, s30;
	[sflag:s20] =	ssyncadd.s32 $0xFFFFC000;
	(pc) =	sbr.rel @p0 .LBB2_4-.Ltmp1, $4  }
0x93: {  	[spmem:s2] =	stream.indirect.scatter.add.f32 [tilespmem:s18], [sflag:$0x3], $0x80, s31, s16, $0xb8;
	[tilespmem:$0x1E400] =	vst v63  }
0x94: {  	_ =	swait.ge [sflag:s14], $0x4000  }
0x95: {  	[sflag:s14] =	ssyncset.done $0x0  }
0x96: {  	s30 =	sadd.s32 $0x180, s30;
	[sflag:s14] =	ssyncadd.s32 $0xFFFFC000  }
0x97: {  	[tilespmem:s18], [sflag:$0x2] =	stream.indirect.gather [hbm4b:s4+s16], $0x80, s30, s16, $0xb8;
	[tilespmem:$0x1E400] =	vst v63  }
0x98: {  	_ =	swait.ge [sflag:s19], $0x4000  }
0x99: {  	[sflag:s19] =	ssyncset.done $0x0  }
0x9a: {  	[sflag:s19] =	ssyncadd.s32 $0xFFFFC000  }
0x9b: {  	[spmem:s2] =	stream.indirect.scatter.add.f32 [tilespmem:s17], [sflag:$0x3], $0x80, s21, s16, $0xb8;
	[tilespmem:$0x1E400] =	vst v63  }
0x9c: {  	_ =	swait.ge [sflag:s14], $0x4000  }
0x9d: {  	[sflag:s14] =	ssyncset.done $0x0  }
0x9e: {  	[sflag:s14] =	ssyncadd.s32 $0xFFFFC000  }
0x9f: {  	[tilespmem:s17], [sflag:$0x1] =	stream.indirect.gather [hbm4b:s4+s16], $0x80, s22, s16, $0xb8;
	[tilespmem:$0x1E400] =	vst v63  }
0xa0: {  	_ =	swait.ge [sflag:s20], $0x4000  }
0xa1: {  	[sflag:s20] =	ssyncset.done $0x0  }
0xa2: {  	[sflag:s20] =	ssyncadd.s32 $0xFFFFC000  }
0xa3: {  	[spmem:s2] =	stream.indirect.scatter.add.f32 [tilespmem:s18], [sflag:$0x3], $0x80, s23, s16, $0xb8;
	[tilespmem:$0x1E400] =	vst v63  }
0xa4: {  	_ =	swait.ge [sflag:s14], $0x4000  }
0xa5: {  	[sflag:s14] =	ssyncset.done $0x0  }
0xa6: {  	[sflag:s14] =	ssyncadd.s32 $0xFFFFC000  }
0xa7: {  	[tilespmem:s18], [sflag:$0x2] =	stream.indirect.gather [hbm4b:s4+s16], $0x80, s24, s16, $0xb8;
	[tilespmem:$0x1E400] =	vst v63  }
0xa8: {  	_ =	swait.ge [sflag:s19], $0x4000  }
0xa9: {  	[sflag:s19] =	ssyncset.done $0x0  }
0xaa: {  	[sflag:s19] =	ssyncadd.s32 $0xFFFFC000  }
0xab: {  	[spmem:s2] =	stream.indirect.scatter.add.f32 [tilespmem:s17], [sflag:$0x3], $0x80, s25, s16, $0xb8;
	[tilespmem:$0x1E400] =	vst v63  }
0xac: {  	_ =	swait.ge [sflag:s14], $0x4000  }
0xad: {  	[sflag:s14] =	ssyncset.done $0x0  }
0xae: {  	[sflag:s14] =	ssyncadd.s32 $0xFFFFC000  }
0xaf: {  	[tilespmem:s17], [sflag:$0x1] =	stream.indirect.gather [hbm4b:s4+s16], $0x80, s24, s16, $0xb8;
	[tilespmem:$0x1E400] =	vst v63  }
0xb0: {  	_ =	swait.ge [sflag:s20], $0x4000  }
0xb1: {  	[sflag:s20] =	ssyncset.done $0x0  }
0xb2: {  	[sflag:s20] =	ssyncadd.s32 $0xFFFFC000  }
0xb3: {  	[spmem:s2] =	stream.indirect.scatter.add.f32 [tilespmem:s18], [sflag:$0x3], $0x80, s26, s16, $0xb8;
	[tilespmem:$0x1E400] =	vst v63  }
0xb4: {  	_ =	swait.ge [sflag:s14], $0x4000  }
0xb5: {  	[sflag:s14] =	ssyncset.done $0x0  }
0xb6: {  	[sflag:s14] =	ssyncadd.s32 $0xFFFFC000  }
0xb7: {  	[tilespmem:s18], [sflag:$0x2] =	stream.indirect.gather [hbm4b:s4+s16], $0x80, s24, s16, $0xb8;
	[tilespmem:$0x1E400] =	vst v63  }
0xb8: {  	_ =	swait.ge [sflag:s19], $0x4000  }
0xb9: {  	[sflag:s19] =	ssyncset.done $0x0  }
0xba: {  	[sflag:s19] =	ssyncadd.s32 $0xFFFFC000  }
0xbb: {  	_ =	swait.ge [sflag:s20], $0x4000  }
0xbc: {  	s28 =	sadd.s32 $0x1, s28;
	[sflag:s20] =	ssyncset.done $0x0  }
0xbd: {  	p0 =	sne.s32 s28, s12;
	[sflag:s20] =	ssyncadd.s32 $0xFFFFC000  }
.Ltmp2:
0xbe: {  	[bflag:$0x0] =	sbarrier.arrive $0xFFFF;
	(pc) =	sbr.rel @p0 .LBB2_1-.Ltmp2, $4  }
0xbf: {  	[hbm:s11], [sflag:s6] =	dma.local [spmem:s13], $0x2780  }
0xc0: {  	_ =	swait.ge [sflag:s14], $0x2780  }
0xc1: {  	[sflag:s14] =	ssyncset.done $0x0  }
0xc2: {  	[sflag:s14] =	ssyncadd.s32 $0xFFFFD880  }
0xc3: {  	_ =	sfence.sel $0x180000  }
0xc4: {  	[bflag:$0x0] =	sbarrier.arrive $0xFFFF  }
0xc5: {  	p0 =	sne.s32 s1, $0x0;
	_ =	strace $0x90000050  }
0xc6: {  	s0 =	sadd.s32 @!p0 $0x100000, s0;
	[bflag:$0x2] =	sbarrier.arrive $0xFFFF  }
0xc7: {  	[sflag:s0] =	ssyncadd.tile.s32 @!p0 $0x1;
	_ =	shalt  }
.Lfunc_end2:
_tile_overlayer_lowered:
.L_overlay_start_2:
0xc8: {  	(tag) =	ssettag $0x2  }
0xc9: {  	s0 =	rddreg [dreg:$0x0];
	s2 =	stileid.u32  }
0xca: {  	s1 =	rddreg [dreg:$0x1];
	p0 =	sne.s32 s2, $0x0  }
0xcb: {  	s3 =	rddreg [dreg:$0x2];
	[bflag:$0x3] =	sbarrier.arrive $0xFFFF;
	s2 =	simm.s32 @!p0 $0x1C03  }
0xcc: {  	[timem:s3], [sflag:s2] =	dma.local @!p0 [hbm:s0], s1  }
0xcd: {  	s0 =	simm.s32 @!p0 $0x3  }
0xce: {  	_ =	swait.ge @!p0 [sflag:s0], s1  }
0xcf: {  	s1 =	ssub.s32 @!p0 $0x0, s1;
	[sflag:s0] =	ssyncset.done @!p0 $0x0  }
0xd0: {  	[sflag:s0] =	ssyncadd.s32 @!p0 s1  }
0xd1: {  	[bflag:$0x3] =	sbarrier.arrive $0xFFFF  }
0xd2: {  	_ =	shalt  }

</sc_bundles>
